<compile_context>
chip_gen: v7x
topology: tpu7x:2x2x1
jax: 0.10.2.dev20260603
libtpu: 0.0.44.dev20260713+nightly
codegen_flags: <defaults>
</compile_context>

<pallas_src>
import functools

import jax
import jax.numpy as jnp
from jax import lax
from jax.experimental import pallas as pl
from jax.experimental.pallas import tpu as pltpu
from jax.experimental.pallas import tpu_sc as plsc

N_NODES = 10000
N_EDGES = 320000
B = 4
CH_N = 8
VMIN, VMAX = -100.0, 100.0

NW = 32
GC = 256
SC_CHUNK = 640
EC = 2560
NC = 400
TBL_CH = 10


_LOG2E = 1.4426950408889634


def _silu(x):
    return x * pl.reciprocal(1.0 + jnp.exp2(x * -_LOG2E), approx=True)


def _silu_mlp(x, w1, b1, w2, b2, w3, b3):
    h = _silu(jnp.dot(x, w1) + b1)
    h = _silu(jnp.dot(h, w2) + b2)
    return jnp.dot(h, w3) + b3


def _node_prep_body(nodes, ninfo, aw1, ab1, aw2, ab2, aw3, ab3, t_out):
    outs_a, outs_b = [], []
    z2 = jnp.zeros((NC, 2), jnp.float32)
    for b in range(B):
        mx = jnp.concatenate([nodes[b], ninfo[b]], axis=-1)
        att = _silu_mlp(mx, aw1[...], ab1[...], aw2[...], ab2[...], aw3[...], ab3[...])
        k_a, q_a = att[:, 0:8], att[:, 8:16]
        k_b, q_b = att[:, 16:24], att[:, 24:32]
        outs_a.append(jnp.concatenate([mx, q_a, k_a, z2], axis=-1))
        outs_b.append(jnp.concatenate([mx, k_b, q_b, z2], axis=-1))
    t_out[...] = jnp.stack([jnp.concatenate(outs_a, axis=-1),
                            jnp.concatenate(outs_b, axis=-1)])


def _tc_node_prep(nodes, node_info, aw1, ab1, aw2, ab2, aw3, ab3):
    grid = N_NODES // NC
    full = lambda *shape: pl.BlockSpec(shape, lambda i: (0,) * len(shape))
    return pl.pallas_call(
        _node_prep_body,
        grid=(grid,),
        in_specs=[
            pl.BlockSpec((B, NC, CH_N), lambda i: (0, i, 0)),
            pl.BlockSpec((B, NC, 6), lambda i: (0, i, 0)),
            full(14, 64), full(64,), full(64, 32), full(32,), full(32, 32), full(32,),
        ],
        out_specs=pl.BlockSpec((2, NC, 128), lambda i: (0, i, 0)),
        out_shape=jax.ShapeDtypeStruct((2, N_NODES, 128), jnp.float32),
    )(nodes, node_info, aw1, ab1, aw2, ab2, aw3, ab3)


def _sc_gather(t2, ca, cbn):
    mesh = plsc.VectorSubcoreMesh(core_axis_name="c", subcore_axis_name="s")
    n_chunks = N_EDGES // GC
    base_rounds = n_chunks // NW
    extra = n_chunks - base_rounds * NW
    n_rounds = base_rounds + 1

    @functools.partial(
        pl.kernel,
        mesh=mesh,
        out_type=[
            jax.ShapeDtypeStruct((N_EDGES, 128), jnp.float32),
            jax.ShapeDtypeStruct((N_EDGES, 128), jnp.float32),
        ],
        scratch_types=[
            pltpu.VMEM((GC,), jnp.int32),
            pltpu.VMEM((GC,), jnp.int32),
            pltpu.VMEM((GC, 128), jnp.float32),
            pltpu.VMEM((GC, 128), jnp.float32),
            pltpu.SemaphoreType.DMA,
            pltpu.SemaphoreType.DMA,
        ],
        compiler_params=pltpu.CompilerParams(needs_layout_passes=False),
    )
    def k(t2_hbm, ca_hbm, cb_hbm, ga_hbm, gb_hbm, ib0, ib1, rb0, rb1, s0, s1):
        wid = lax.axis_index("s") * 2 + lax.axis_index("c")
        count = base_rounds + jnp.where(wid < extra, 1, 0)
        ibs, rbs, sems = (ib0, ib1), (rb0, rb1), (s0, s1)
        conns = (ca_hbm, cb_hbm)
        outs = (ga_hbm, gb_hbm)

        def issue(j, p, side):
            c = wid + j * NW
            off = pl.multiple_of(c * GC, 128)
            pltpu.sync_copy(conns[side].at[pl.ds(off, GC)], ibs[p])
            pltpu.async_copy(t2_hbm.at[ibs[p]], rbs[p], sems[p])

        def complete(j, p, side):
            c = wid + j * NW
            off = pl.multiple_of(c * GC, 128)
            pltpu.make_async_copy(t2_hbm.at[ibs[p]], rbs[p], sems[p]).wait()
            pltpu.sync_copy(rbs[p], outs[side].at[pl.ds(off, GC)])

        @pl.when(count > 0)
        def _first():
            issue(0, 0, 0)

        def round_(j, carry):
            @pl.when(j < count)
            def _do(j=j):
                issue(j, 1, 1)
                complete(j, 0, 0)

                @pl.when(j + 1 < count)
                def _next(j=j):
                    issue(j + 1, 0, 0)

                complete(j, 1, 1)

            return carry

        lax.fori_loop(0, n_rounds, round_, None)

    return k(t2, ca, cbn)


def _edge_body(ga, gb, edges, w1a, w1b, w1e, b1, w2, b2, w3, b3, sel,
               ne_out, msgd_out, w_out, gmax_out):
    i = pl.program_id(0)

    @pl.when(i == 0)
    def _init():
        gmax_out[...] = jnp.full((8, 1, 128), -jnp.inf, jnp.float32)

    gat = jnp.transpose(ga[...])
    gbt = jnp.transpose(gb[...])
    ne_l, ma_l, mb_l, wa_l, wb_l = [], [], [], [], []
    for b in range(B):
        xat = gat[32 * b:32 * b + 32]
        xbt = gbt[32 * b:32 * b + 32]
        ebt = jnp.transpose(edges[b])
        h = jnp.dot(w1a[...], xat) + jnp.dot(w1b[...], xbt) + jnp.dot(w1e[...], ebt)
        h = _silu(h + b1[...][:, None])
        h = _silu(jnp.dot(w2[...], h) + b2[...][:, None])
        m3t = jnp.dot(w3[...], h) + b3[...][:, None]
        ne_l.append(jnp.transpose(jnp.clip(ebt + m3t[0:8], VMIN, VMAX)))
        ma_l.append(m3t[8:16])
        mb_l.append(m3t[16:24])
        wt = jnp.dot(sel[...], xat * xbt)
        wa_l.append(wt[0])
        wb_l.append(wt[1])
        gmax_out[b, 0, :] = jnp.maximum(gmax_out[b, 0, :], jnp.max(wt[0]))
        gmax_out[4 + b, 0, :] = jnp.maximum(gmax_out[4 + b, 0, :], jnp.max(wt[1]))

    ne_out[...] = jnp.stack(ne_l, axis=0)
    msgd_out[...] = jnp.stack([jnp.stack(ma_l), jnp.stack(mb_l)])
    w_out[...] = jnp.stack(wa_l + wb_l)[:, None, :]


def _tc_edge(ga, gb, edges, w1a, w1b, w1e, b1, w2, b2, w3, b3, sel):
    grid = N_EDGES // EC
    full = lambda *shape: pl.BlockSpec(shape, lambda i: (0,) * len(shape))
    return pl.pallas_call(
        _edge_body,
        grid=(grid,),
        in_specs=[
            pl.BlockSpec((EC, 128), lambda i: (i, 0)),
            pl.BlockSpec((EC, 128), lambda i: (i, 0)),
            pl.BlockSpec((B, EC, 8), lambda i: (0, i, 0)),
            full(64, 32), full(64, 32), full(64, 8), full(64,),
            full(32, 64), full(32,), full(24, 32), full(24,), full(2, 32),
        ],
        out_specs=[
            pl.BlockSpec((B, EC, 8), lambda i: (0, i, 0)),
            pl.BlockSpec((2, B, 8, EC), lambda i: (0, 0, 0, i)),
            pl.BlockSpec((8, 1, EC), lambda i: (0, 0, i)),
            pl.BlockSpec((8, 1, 128), lambda i: (0, 0, 0)),
        ],
        out_shape=[
            jax.ShapeDtypeStruct((B, N_EDGES, 8), jnp.float32),
            jax.ShapeDtypeStruct((2, B, 8, N_EDGES), jnp.float32),
            jax.ShapeDtypeStruct((8, 1, N_EDGES), jnp.float32),
            jax.ShapeDtypeStruct((8, 1, 128), jnp.float32),
        ],
    )(ga, gb, edges, w1a, w1b, w1e, b1, w2, b2, w3, b3, sel)


def _sc_scatter(msgd, wvals, conn2, gmax):
    mesh = plsc.VectorSubcoreMesh(core_axis_name="c", subcore_axis_name="s")
    n_per_w = N_EDGES // 4
    n_chunks = n_per_w // SC_CHUNK
    n_groups = SC_CHUNK // 16
    tbl_words = N_NODES * TBL_CH

    @functools.partial(
        pl.kernel,
        mesh=mesh,
        out_type=jax.ShapeDtypeStruct((NW, 1, tbl_words), jnp.float32),
        scratch_types=[
            pltpu.VMEM((tbl_words,), jnp.float32),
            pltpu.VMEM((8, SC_CHUNK), jnp.float32),
            pltpu.VMEM((8, SC_CHUNK), jnp.float32),
            pltpu.VMEM((SC_CHUNK,), jnp.float32),
            pltpu.VMEM((SC_CHUNK,), jnp.float32),
            pltpu.VMEM((SC_CHUNK,), jnp.int32),
            pltpu.VMEM((SC_CHUNK,), jnp.int32),
            pltpu.VMEM((16,), jnp.float32),
            pltpu.SemaphoreType.DMA,
            pltpu.SemaphoreType.DMA,
        ],
        compiler_params=pltpu.CompilerParams(needs_layout_passes=False),
    )
    def k(msgd_hbm, w_hbm, conn_hbm, gmax_hbm, part_hbm,
          table, mb0, mb1, wb0, wb1, ib0, ib1, gbuf, s0, s1):
        wid = lax.axis_index("s") * 2 + lax.axis_index("c")
        combo = wid // 4
        sub = wid % 4
        d = combo // 4
        b = combo % 4
        base = sub * n_per_w
        mbs, wbs, ibs, sems = (mb0, mb1), (wb0, wb1), (ib0, ib1), (s0, s1)

        zero16 = jnp.zeros((16,), jnp.float32)

        def zbody(i, _):
            table[pl.ds(pl.multiple_of(i * 16, 8), 16)] = zero16
            return _

        lax.fori_loop(0, tbl_words // 16, zbody, None)

        pltpu.sync_copy(gmax_hbm.at[combo, 0, pl.ds(0, 16)], gbuf)
        gv = gbuf[...]

        def issue(ci, p):
            e0 = pl.multiple_of(base + ci * SC_CHUNK, 128)
            pltpu.async_copy(conn_hbm.at[d, 0, pl.ds(e0, SC_CHUNK)], ibs[p], sems[p])
            pltpu.async_copy(w_hbm.at[combo, 0, pl.ds(e0, SC_CHUNK)], wbs[p], sems[p])
            pltpu.async_copy(msgd_hbm.at[d, b, :, pl.ds(e0, SC_CHUNK)], mbs[p], sems[p])

        def drain(ci, p):
            e0 = pl.multiple_of(base + ci * SC_CHUNK, 128)
            pltpu.make_async_copy(conn_hbm.at[d, 0, pl.ds(e0, SC_CHUNK)], ibs[p], sems[p]).wait()
            pltpu.make_async_copy(w_hbm.at[combo, 0, pl.ds(e0, SC_CHUNK)], wbs[p], sems[p]).wait()
            pltpu.make_async_copy(msgd_hbm.at[d, b, :, pl.ds(e0, SC_CHUNK)], mbs[p], sems[p]).wait()

        def compute(p):
            mbuf, wbuf, ibuf = mbs[p], wbs[p], ibs[p]

            def group(g, _):
                o = pl.multiple_of(g * 16, 8)
                wv = wbuf[pl.ds(o, 16)]
                ev = jnp.exp(wv - gv)
                nidx10 = ibuf[pl.ds(o, 16)] * TBL_CH
                for ch in range(8):
                    mv = mbuf[ch, pl.ds(o, 16)]
                    plsc.addupdate_scatter(table, [nidx10 + ch], mv * ev)
                plsc.addupdate_scatter(table, [nidx10 + 8], ev)
                return _

            lax.fori_loop(0, n_groups, group, None)

        issue(0, 0)

        def pair(j2, carry):
            for kk in (0, 1):
                u = 2 * j2 + kk

                @pl.when(u + 1 < n_chunks)
                def _i(u=u, kk=kk):
                    issue(u + 1, 1 - kk)

                @pl.when(u < n_chunks)
                def _c(u=u, kk=kk):
                    drain(u, kk)
                    compute(kk)

            return carry

        lax.fori_loop(0, (n_chunks + 2) // 2, pair, None)
        pltpu.sync_copy(table, part_hbm.at[wid, 0])

    return k(msgd, wvals, conn2.reshape(2, 1, N_EDGES), gmax)


def _final_body(parts, nodes, ninfo, uw1, ub1, uw2, ub2, uw3, ub3, nn_out):
    s = jnp.sum(jnp.reshape(parts[...], (8, 4, NC, TBL_CH)), axis=1)
    outs = []
    for b in range(B):
        den_a = jnp.maximum(s[b, :, 8], 1e-30)
        agg_a = s[b, :, 0:8] / den_a[:, None]
        den_b = jnp.maximum(s[4 + b, :, 8], 1e-30)
        agg_b = s[4 + b, :, 0:8] / den_b[:, None]
        x30 = jnp.concatenate([nodes[b], agg_a, agg_b, ninfo[b]], axis=-1)
        upd = _silu_mlp(x30, uw1[...], ub1[...], uw2[...], ub2[...], uw3[...], ub3[...])
        outs.append(jnp.clip(nodes[b] + upd, VMIN, VMAX))
    nn_out[...] = jnp.stack(outs, axis=0)


def _tc_final(parts, nodes, node_info, uw1, ub1, uw2, ub2, uw3, ub3):
    grid = N_NODES // NC
    full = lambda *shape: pl.BlockSpec(shape, lambda i: (0,) * len(shape))
    return pl.pallas_call(
        _final_body,
        grid=(grid,),
        in_specs=[
            pl.BlockSpec((NW, NC, TBL_CH), lambda i: (0, i, 0)),
            pl.BlockSpec((B, NC, CH_N), lambda i: (0, i, 0)),
            pl.BlockSpec((B, NC, 6), lambda i: (0, i, 0)),
            full(30, 64), full(64,), full(64, 32), full(32,), full(32, 8), full(8,),
        ],
        out_specs=pl.BlockSpec((B, NC, CH_N), lambda i: (0, i, 0)),
        out_shape=jax.ShapeDtypeStruct((B, N_NODES, CH_N), jnp.float32),
    )(parts, nodes, node_info, uw1, ub1, uw2, ub2, uw3, ub3)


def kernel(nodes, edges, node_info, conn_a, conn_b,
           mw1, mb1, mw2, mb2, mw3, mb3,
           uw1, ub1, uw2, ub2, uw3, ub3,
           aw1, ab1, aw2, ab2, aw3, ab3):
    f32 = jnp.float32
    w1a = jnp.zeros((32, 64), f32).at[0:14].set(mw1[0:14]).T
    w1b = jnp.zeros((32, 64), f32).at[0:14].set(mw1[14:28]).T
    w1e = mw1[28:36].T
    w3r = jnp.concatenate([mw3[:, 16:24], mw3[:, 0:8], mw3[:, 8:16]], axis=1)
    b3r = jnp.concatenate([mb3[16:24], mb3[0:8], mb3[8:16]])
    inv_sqrt_k = 1.0 / (8.0 ** 0.5)
    sel = jnp.zeros((2, 32), f32)
    sel = sel.at[0, 14:22].set(inv_sqrt_k).at[1, 22:30].set(inv_sqrt_k)
    conn2 = jnp.stack([conn_a.astype(jnp.int32), conn_b.astype(jnp.int32)])

    t2 = _tc_node_prep(nodes, node_info, aw1, ab1, aw2, ab2, aw3, ab3)
    ga, gb = _sc_gather(t2.reshape(2 * N_NODES, 128), conn2[0],
                        conn2[1] + N_NODES)
    new_edges, msgd, wvals, gmax = _tc_edge(
        ga, gb, edges, w1a, w1b, w1e, mb1, mw2.T, mb2, w3r.T, b3r, sel)
    parts = _sc_scatter(msgd, wvals, conn2, gmax).reshape(NW, N_NODES, TBL_CH)
    new_nodes = _tc_final(parts, nodes, node_info, uw1, ub1, uw2, ub2, uw3, ub3)
    return new_nodes, new_edges

# --- scband reference (transcript-rebuilt; emitter-appended) ---
"""Pipeline reference for scband-neural-graph-73856257622139 (READ-ONLY COPY).

The authoritative reference and input builder live on the scoring server;
editing this copy changes nothing except your own understanding.
"""

import jax, jax.numpy as jnp
import numpy as np

N_NODES = 10000
N_EDGES = 320000
B = 4
CH_N = 8
CH_E = 8
CH_K = 8
CH_EXTRA = 6  # ch_inp + ch_out + 4 = 1 + 1 + 4
DT = 1.0
DECAY = 0.0
VMIN, VMAX = -100.0, 100.0


def _mlp(x, w1, b1, w2, b2, w3, b3):
    h = jax.nn.silu(x @ w1 + b1)
    h = jax.nn.silu(h @ w2 + b2)
    return h @ w3 + b3


def setup_inputs(seed: int = 0) -> dict:
    key = jax.random.key(seed)
    ks = jax.random.split(key, 32)

    def lin(k, fi, fo):
        return jax.random.normal(k, (fi, fo), jnp.float32) / np.sqrt(fi)

    inp = {}
    inp["nodes"] = jax.random.normal(ks[0], (B, N_NODES, CH_N), jnp.float32)
    inp["edges"] = jax.random.normal(ks[1], (B, N_EDGES, CH_E), jnp.float32)
    inp["node_info"] = jnp.zeros((B, N_NODES, CH_EXTRA), jnp.float32)
    inp["conn_a"] = jax.random.randint(ks[2], (N_EDGES,), 0, N_NODES)
    inp["conn_b"] = jax.random.randint(ks[3], (N_EDGES,), 0, N_NODES)
    # Message MLP: in=(ch_n+ch_extra)*2+ch_e=36 -> 64 -> 32 -> out=ch_n*2+ch_e=24
    inp["mw1"] = lin(ks[4], 36, 64); inp["mb1"] = jnp.zeros((64,), jnp.float32)
    inp["mw2"] = lin(ks[5], 64, 32); inp["mb2"] = jnp.zeros((32,), jnp.float32)
    inp["mw3"] = lin(ks[6], 32, 24); inp["mb3"] = jnp.zeros((24,), jnp.float32)
    # Update MLP: in=ch_n*3+ch_extra=30 -> 64 -> 32 -> out=ch_n=8
    inp["uw1"] = lin(ks[7], 30, 64); inp["ub1"] = jnp.zeros((64,), jnp.float32)
    inp["uw2"] = lin(ks[8], 64, 32); inp["ub2"] = jnp.zeros((32,), jnp.float32)
    inp["uw3"] = lin(ks[9], 32, 8); inp["ub3"] = jnp.zeros((8,), jnp.float32)
    # Attention MLP: in=ch_n+ch_extra=14 -> 64 -> 32 -> out=ch_k*4=32
    inp["aw1"] = lin(ks[10], 14, 64); inp["ab1"] = jnp.zeros((64,), jnp.float32)
    inp["aw2"] = lin(ks[11], 64, 32); inp["ab2"] = jnp.zeros((32,), jnp.float32)
    inp["aw3"] = lin(ks[12], 32, 32); inp["ab3"] = jnp.zeros((32,), jnp.float32)
    return inp


def reference(nodes, edges, node_info, conn_a, conn_b,
              mw1, mb1, mw2, mb2, mw3, mb3,
              uw1, ub1, uw2, ub2, uw3, ub3,
              aw1, ab1, aw2, ab2, aw3, ab3):
    # one NeuralGraph timestep with attention aggregation
    mx = jnp.concatenate([nodes, node_info], axis=-1)  # [B, N, ch_n+ch_extra]
    ma = mx[:, conn_a]  # gather sender-a features  [B, E, 14]
    mb = mx[:, conn_b]  # gather sender-b features  [B, E, 14]
    msg = _mlp(jnp.concatenate([ma, mb, edges], axis=-1), mw1, mb1, mw2, mb2, mw3, mb3)  # [B, E, 24]
    m_a = msg[..., :CH_N]
    m_b = msg[..., CH_N:2 * CH_N]
    m_ab = msg[..., 2 * CH_N:]

    att = _mlp(mx, aw1, ab1, aw2, ab2, aw3, ab3)  # [B, N, ch_k*4]
    k_a, q_a, k_b, q_b = jnp.split(att, 4, axis=-1)

    def _segment_softmax_agg(q_dst, k_src, m, dst):
        w = jnp.sum(q_dst * k_src, axis=-1) / jnp.sqrt(float(CH_K))  # [E]
        wmax = jax.ops.segment_max(w, dst, num_segments=N_NODES)
        wmax = jnp.where(jnp.isfinite(wmax), wmax, 0.0)
        e = jnp.exp(w - wmax[dst])
        den = jax.ops.segment_sum(e, dst, num_segments=N_NODES) + 1e-9
        attn = e / den[dst]
        return jax.ops.segment_sum(attn[:, None] * m, dst, num_segments=N_NODES)  # [N, ch_n]

    def _per_batch(qa_b, kb_b, m_a_b, qb_b, ka_b, m_b_b):
        agg_a = _segment_softmax_agg(qa_b[conn_a], kb_b[conn_b], m_a_b, conn_a)
        agg_b = _segment_softmax_agg(qb_b[conn_b], ka_b[conn_a], m_b_b, conn_b)
        return agg_a, agg_b

    agg_a, agg_b = jax.vmap(_per_batch)(q_a, k_b, m_a, q_b, k_a, m_b)

    upd_in = jnp.concatenate([nodes, agg_a, agg_b, node_info], axis=-1)  # [B, N, 30]
    upd = _mlp(upd_in, uw1, ub1, uw2, ub2, uw3, ub3)  # [B, N, ch_n]
    new_nodes = jnp.clip((nodes + DT * upd) * (1.0 - DECAY * DT), VMIN, VMAX)
    new_edges = jnp.clip(edges + DT * m_ab, VMIN, VMAX)
    return new_nodes, new_edges

if __name__ == "__main__":
    import jax
    _d = setup_inputs()
    print(jax.jit(kernel)(*tuple(_d.values())))

</pallas_src>

<mosaic_0001>
#map = affine_map<(d0, d1) -> (0, 0, 0, 0)>
#map1 = affine_map<(d0, d1) -> (0, 0, 0)>
module attributes {stable_mosaic.version = 14 : i64} {
  func.func @k(%arg0: i32, %arg1: i32, %arg2: memref<2x4x8x320000xf32, #tpu.memory_space<hbm>>, %arg3: memref<8x1x320000xf32, #tpu.memory_space<hbm>>, %arg4: memref<2x1x320000xi32, #tpu.memory_space<hbm>>, %arg5: memref<8x1x128xf32, #tpu.memory_space<hbm>>, %arg6: memref<32x1x100000xf32, #tpu.memory_space<hbm>>, %arg7: memref<100000xf32, #tpu.memory_space<vmem>>, %arg8: memref<8x640xf32, #tpu.memory_space<vmem>>, %arg9: memref<8x640xf32, #tpu.memory_space<vmem>>, %arg10: memref<640xf32, #tpu.memory_space<vmem>>, %arg11: memref<640xf32, #tpu.memory_space<vmem>>, %arg12: memref<640xi32, #tpu.memory_space<vmem>>, %arg13: memref<640xi32, #tpu.memory_space<vmem>>, %arg14: memref<16xf32, #tpu.memory_space<vmem>>, %arg15: memref<!tpu.dma_semaphore, #tpu.memory_space<semaphore_mem>>, %arg16: memref<!tpu.dma_semaphore, #tpu.memory_space<semaphore_mem>>) attributes {dimension_semantics = [#tpu.dimension_semantics<core_parallel>, #tpu.dimension_semantics<subcore_parallel>], iteration_bounds = array<i64: 2, 16>, scalar_prefetch = 0 : i64, scratch_operands = 10 : i64, tpu.core_type = #tpu.core_type<sc_vector_subcore>, window_params = [{transform_indices = #map}, {transform_indices = #map1}, {transform_indices = #map1}, {transform_indices = #map1}, {transform_indices = #map1}]} {
    %mul3A = arith.constant 2 : i32
    %mul3A_0 = arith.muli %arg1, %mul3A : i32
    %add3A = arith.addi %mul3A_0, %arg0 : i32
    %jit3A = arith.constant 4 : i32
    %div3A = arith.divsi %add3A, %jit3A : i32
    %sign3A = arith.constant 0 : i32
    %sign3A_1 = arith.cmpi sgt, %add3A, %sign3A : i32
    %sign3A_2 = arith.extui %sign3A_1 : i1 to i32
    %sign3A_3 = arith.constant 0 : i32
    %sign3A_4 = arith.cmpi slt, %add3A, %sign3A_3 : i32
    %sign3A_5 = arith.extui %sign3A_4 : i1 to i32
    %sign3A_6 = arith.subi %sign3A_2, %sign3A_5 : i32
    %sign3A_7 = arith.constant 0 : i32
    %sign3A_8 = arith.cmpi sgt, %jit3A, %sign3A_7 : i32
    %sign3A_9 = arith.extui %sign3A_8 : i1 to i32
    %sign3A_10 = arith.constant 0 : i32
    %sign3A_11 = arith.cmpi slt, %jit3A, %sign3A_10 : i32
    %sign3A_12 = arith.extui %sign3A_11 : i1 to i32
    %sign3A_13 = arith.subi %sign3A_9, %sign3A_12 : i32
    %ne3A = arith.cmpi ne, %sign3A_6, %sign3A_13 : i32
    %rem3A = arith.remsi %add3A, %jit3A : i32
    %ne3A_14 = arith.constant 0 : i32
    %ne3A_15 = arith.cmpi ne, %rem3A, %ne3A_14 : i32
    %and3A = arith.andi %ne3A, %ne3A_15 : i1
    %sub3A = arith.constant 1 : i32
    %sub3A_16 = arith.subi %div3A, %sub3A : i32
    %select_n3A = arith.select %and3A, %sub3A_16, %div3A : i32
    %jit3A_17 = arith.constant 4 : i32
    %eq3A = arith.constant 0 : i32
    %eq3A_18 = arith.cmpi eq, %jit3A_17, %eq3A : i32
    %jit3A_19 = arith.constant 1 : i32
    %select_n3A_20 = arith.select %eq3A_18, %jit3A_19, %jit3A_17 : i32
    %rem3A_21 = arith.remsi %add3A, %select_n3A_20 : i32
    %ne3A_22 = arith.constant 0 : i32
    %ne3A_23 = arith.cmpi ne, %rem3A_21, %ne3A_22 : i32
    %lt3A = arith.constant 0 : i32
    %lt3A_24 = arith.cmpi slt, %rem3A_21, %lt3A : i32
    %lt3A_25 = arith.constant 0 : i32
    %lt3A_26 = arith.cmpi slt, %select_n3A_20, %lt3A_25 : i32
    %ne3A_27 = arith.xori %lt3A_24, %lt3A_26 : i1
    %and3A_28 = arith.andi %ne3A_27, %ne3A_23 : i1
    %add3A_29 = arith.addi %rem3A_21, %select_n3A_20 : i32
    %select_n3A_30 = arith.select %and3A_28, %add3A_29, %rem3A_21 : i32
    %jit3A_31 = arith.constant 4 : i32
    %div3A_32 = arith.divsi %select_n3A, %jit3A_31 : i32
    %sign3A_33 = arith.constant 0 : i32
    %sign3A_34 = arith.cmpi sgt, %select_n3A, %sign3A_33 : i32
    %sign3A_35 = arith.extui %sign3A_34 : i1 to i32
    %sign3A_36 = arith.constant 0 : i32
    %sign3A_37 = arith.cmpi slt, %select_n3A, %sign3A_36 : i32
    %sign3A_38 = arith.extui %sign3A_37 : i1 to i32
    %sign3A_39 = arith.subi %sign3A_35, %sign3A_38 : i32
    %sign3A_40 = arith.constant 0 : i32
    %sign3A_41 = arith.cmpi sgt, %jit3A_31, %sign3A_40 : i32
    %sign3A_42 = arith.extui %sign3A_41 : i1 to i32
    %sign3A_43 = arith.constant 0 : i32
    %sign3A_44 = arith.cmpi slt, %jit3A_31, %sign3A_43 : i32
    %sign3A_45 = arith.extui %sign3A_44 : i1 to i32
    %sign3A_46 = arith.subi %sign3A_42, %sign3A_45 : i32
    %ne3A_47 = arith.cmpi ne, %sign3A_39, %sign3A_46 : i32
    %rem3A_48 = arith.remsi %select_n3A, %jit3A_31 : i32
    %ne3A_49 = arith.constant 0 : i32
    %ne3A_50 = arith.cmpi ne, %rem3A_48, %ne3A_49 : i32
    %and3A_51 = arith.andi %ne3A_47, %ne3A_50 : i1
    %sub3A_52 = arith.constant 1 : i32
    %sub3A_53 = arith.subi %div3A_32, %sub3A_52 : i32
    %select_n3A_54 = arith.select %and3A_51, %sub3A_53, %div3A_32 : i32
    %jit3A_55 = arith.constant 4 : i32
    %eq3A_56 = arith.constant 0 : i32
    %eq3A_57 = arith.cmpi eq, %jit3A_55, %eq3A_56 : i32
    %jit3A_58 = arith.constant 1 : i32
    %select_n3A_59 = arith.select %eq3A_57, %jit3A_58, %jit3A_55 : i32
    %rem3A_60 = arith.remsi %select_n3A, %select_n3A_59 : i32
    %ne3A_61 = arith.constant 0 : i32
    %ne3A_62 = arith.cmpi ne, %rem3A_60, %ne3A_61 : i32
    %lt3A_63 = arith.constant 0 : i32
    %lt3A_64 = arith.cmpi slt, %rem3A_60, %lt3A_63 : i32
    %lt3A_65 = arith.constant 0 : i32
    %lt3A_66 = arith.cmpi slt, %select_n3A_59, %lt3A_65 : i32
    %ne3A_67 = arith.xori %lt3A_64, %lt3A_66 : i1
    %and3A_68 = arith.andi %ne3A_67, %ne3A_62 : i1
    %add3A_69 = arith.addi %rem3A_60, %select_n3A_59 : i32
    %select_n3A_70 = arith.select %and3A_68, %add3A_69, %rem3A_60 : i32
    %mul3A_71 = arith.constant 80000 : i32
    %mul3A_72 = arith.muli %select_n3A_30, %mul3A_71 : i32
    %broadcast_in_dim3A = arith.constant 0.000000e+00 : f32
    %broadcast_in_dim3A_73 = vector.broadcast %broadcast_in_dim3A : f32 to vector<16xf32>
    %scan3A = arith.constant 0 : i32
    %scan3A_74 = arith.constant 6250 : i32
    %scan3A_75 = arith.addi %scan3A, %scan3A_74 : i32
    %scan3A_76 = arith.constant 1 : i32
    scf.for %scan3A_102 = %scan3A to %scan3A_75 step %scan3A_76  : i32 {
      %mul3A_103 = arith.constant 16 : i32
      %mul3A_104 = arith.muli %scan3A_102, %mul3A_103 : i32
      %multiple_of3A_105 = tpu.assume_multiple %mul3A_104, 8 : i32
      %swap3A = arith.index_cast %multiple_of3A_105 : i32 to index
      %swap3A_106 = tpu.vector_load %arg7[%swap3A] {strides = array<i32>} : memref<100000xf32, #tpu.memory_space<vmem>>, vector<16xf32>,
      tpu.vector_store %arg7[%swap3A], %broadcast_in_dim3A_73 {strides = array<i32>} : memref<100000xf32, #tpu.memory_space<vmem>>, vector<16xf32>,
    }
    %scan3A_77 = arith.constant 6250 : i32
    %run_scoped3A = arith.constant 0 : i32
    "tpu.region"() ({
      %run_scoped3A_102 = tpu.sem_alloc : memref<!tpu.dma_semaphore, #tpu.memory_space<semaphore_mem>>
      %dma_start3A_103 = arith.constant 0 : i32
      %dma_start3A_104 = tpu.memref_slice %arg5[%select_n3A, %run_scoped3A, %dma_start3A_103] : memref<8x1x128xf32, #tpu.memory_space<hbm>> -> memref<1x1x16xf32, #tpu.memory_space<hbm>>
      %dma_start3A_105 = tpu.memref_squeeze %dma_start3A_104 : memref<1x1x16xf32, #tpu.memory_space<hbm>> -> memref<16xf32, #tpu.memory_space<hbm>>
      %dma_start3A_106 = arith.constant 0 : i32
      %dma_start3A_107 = tpu.memref_slice %arg5[%select_n3A, %run_scoped3A, %dma_start3A_106] : memref<8x1x128xf32, #tpu.memory_space<hbm>> -> memref<1x1x16xf32, #tpu.memory_space<hbm>>
      %dma_start3A_108 = tpu.memref_squeeze %dma_start3A_107 : memref<1x1x16xf32, #tpu.memory_space<hbm>> -> memref<16xf32, #tpu.memory_space<hbm>>
      tpu.enqueue_dma source(%dma_start3A_108 : memref<16xf32, #tpu.memory_space<hbm>>) target(%arg14 : memref<16xf32, #tpu.memory_space<vmem>>) target_semaphore(%run_scoped3A_102 : memref<!tpu.dma_semaphore, #tpu.memory_space<semaphore_mem>>)
      %dma_wait3A = arith.constant 0 : i32
      %dma_wait3A_109 = tpu.memref_slice %arg5[%select_n3A, %run_scoped3A, %dma_wait3A] : memref<8x1x128xf32, #tpu.memory_space<hbm>> -> memref<1x1x16xf32, #tpu.memory_space<hbm>>
      %dma_wait3A_110 = tpu.memref_squeeze %dma_wait3A_109 : memref<1x1x16xf32, #tpu.memory_space<hbm>> -> memref<16xf32, #tpu.memory_space<hbm>>
      %dma_wait3A_111 = arith.constant 0 : i32
      %dma_wait3A_112 = tpu.memref_slice %arg5[%select_n3A, %run_scoped3A, %dma_wait3A_111] : memref<8x1x128xf32, #tpu.memory_space<hbm>> -> memref<1x1x16xf32, #tpu.memory_space<hbm>>
      %dma_wait3A_113 = tpu.memref_squeeze %dma_wait3A_112 : memref<1x1x16xf32, #tpu.memory_space<hbm>> -> memref<16xf32, #tpu.memory_space<hbm>>
      tpu.wait_dma2 semaphore(%run_scoped3A_102 : memref<!tpu.dma_semaphore, #tpu.memory_space<semaphore_mem>>) src(%dma_wait3A_113 : memref<16xf32, #tpu.memory_space<hbm>>) dst(%arg14 : memref<16xf32, #tpu.memory_space<vmem>>)
      tpu.yield
    }) : () -> ()
    %get3A = arith.constant 0 : index
    %get3A_78 = tpu.vector_load %arg14[%get3A] {strides = array<i32>} : memref<16xf32, #tpu.memory_space<vmem>>, vector<16xf32>,
    %add3A_79 = arith.constant 0 : i32
    %add3A_80 = arith.addi %mul3A_72, %add3A_79 : i32
    %multiple_of3A = tpu.assume_multiple %add3A_80, 128 : i32
    %dma_start3A = arith.constant 0 : i32
    %dma_start3A_81 = tpu.memref_slice %arg4[%select_n3A_54, %dma_start3A, %multiple_of3A] : memref<2x1x320000xi32, #tpu.memory_space<hbm>> -> memref<1x1x640xi32, #tpu.memory_space<hbm>>
    %dma_start3A_82 = tpu.memref_squeeze %dma_start3A_81 : memref<1x1x640xi32, #tpu.memory_space<hbm>> -> memref<640xi32, #tpu.memory_space<hbm>>
    %dma_start3A_83 = tpu.memref_slice %arg4[%select_n3A_54, %dma_start3A, %multiple_of3A] : memref<2x1x320000xi32, #tpu.memory_space<hbm>> -> memref<1x1x640xi32, #tpu.memory_space<hbm>>
    %dma_start3A_84 = tpu.memref_squeeze %dma_start3A_83 : memref<1x1x640xi32, #tpu.memory_space<hbm>> -> memref<640xi32, #tpu.memory_space<hbm>>
    tpu.enqueue_dma source(%dma_start3A_84 : memref<640xi32, #tpu.memory_space<hbm>>) target(%arg12 : memref<640xi32, #tpu.memory_space<vmem>>) target_semaphore(%arg15 : memref<!tpu.dma_semaphore, #tpu.memory_space<semaphore_mem>>)
    %dma_start3A_85 = arith.constant 0 : i32
    %dma_start3A_86 = tpu.memref_slice %arg3[%select_n3A, %dma_start3A_85, %multiple_of3A] : memref<8x1x320000xf32, #tpu.memory_space<hbm>> -> memref<1x1x640xf32, #tpu.memory_space<hbm>>
    %dma_start3A_87 = tpu.memref_squeeze %dma_start3A_86 : memref<1x1x640xf32, #tpu.memory_space<hbm>> -> memref<640xf32, #tpu.memory_space<hbm>>
    %dma_start3A_88 = tpu.memref_slice %arg3[%select_n3A, %dma_start3A_85, %multiple_of3A] : memref<8x1x320000xf32, #tpu.memory_space<hbm>> -> memref<1x1x640xf32, #tpu.memory_space<hbm>>
    %dma_start3A_89 = tpu.memref_squeeze %dma_start3A_88 : memref<1x1x640xf32, #tpu.memory_space<hbm>> -> memref<640xf32, #tpu.memory_space<hbm>>
    tpu.enqueue_dma source(%dma_start3A_89 : memref<640xf32, #tpu.memory_space<hbm>>) target(%arg10 : memref<640xf32, #tpu.memory_space<vmem>>) target_semaphore(%arg15 : memref<!tpu.dma_semaphore, #tpu.memory_space<semaphore_mem>>)
    %dma_start3A_90 = arith.constant 0 : i32
    %dma_start3A_91 = tpu.memref_slice %arg2[%select_n3A_54, %select_n3A_70, %dma_start3A_90, %multiple_of3A] : memref<2x4x8x320000xf32, #tpu.memory_space<hbm>> -> memref<1x1x8x640xf32, #tpu.memory_space<hbm>>
    %dma_start3A_92 = tpu.memref_squeeze %dma_start3A_91 : memref<1x1x8x640xf32, #tpu.memory_space<hbm>> -> memref<8x640xf32, #tpu.memory_space<hbm>>
    %dma_start3A_93 = arith.constant 0 : i32
    %dma_start3A_94 = tpu.memref_slice %arg2[%select_n3A_54, %select_n3A_70, %dma_start3A_93, %multiple_of3A] : memref<2x4x8x320000xf32, #tpu.memory_space<hbm>> -> memref<1x1x8x640xf32, #tpu.memory_space<hbm>>
    %dma_start3A_95 = tpu.memref_squeeze %dma_start3A_94 : memref<1x1x8x640xf32, #tpu.memory_space<hbm>> -> memref<8x640xf32, #tpu.memory_space<hbm>>
    tpu.enqueue_dma source(%dma_start3A_95 : memref<8x640xf32, #tpu.memory_space<hbm>>) target(%arg8 : memref<8x640xf32, #tpu.memory_space<vmem>>) target_semaphore(%arg15 : memref<!tpu.dma_semaphore, #tpu.memory_space<semaphore_mem>>)
    %scan3A_96 = arith.constant 0 : i32
    %scan3A_97 = arith.constant 63 : i32
    %scan3A_98 = arith.addi %scan3A_96, %scan3A_97 : i32
    %scan3A_99 = arith.constant 1 : i32
    scf.for %scan3A_102 = %scan3A_96 to %scan3A_98 step %scan3A_99  : i32 {
      %mul3A_103 = arith.constant 2 : i32
      %mul3A_104 = arith.muli %mul3A_103, %scan3A_102 : i32
      %add3A_105 = arith.constant 0 : i32
      %add3A_106 = arith.addi %mul3A_104, %add3A_105 : i32
      %add3A_107 = arith.constant 1 : i32
      %add3A_108 = arith.addi %add3A_106, %add3A_107 : i32
      %lt3A_109 = arith.constant 125 : i32
      %lt3A_110 = arith.cmpi slt, %add3A_108, %lt3A_109 : i32
      %convert_element_type3A = arith.extui %lt3A_110 : i1 to i32
      %cond3A = arith.constant 0 : i32
      %cond3A_111 = arith.cmpi ne, %convert_element_type3A, %cond3A : i32
      scf.if %cond3A_111 {
        %add3A_133 = arith.constant 1 : i32
        %add3A_134 = arith.addi %add3A_106, %add3A_133 : i32
        %mul3A_135 = arith.constant 640 : i32
        %mul3A_136 = arith.muli %add3A_134, %mul3A_135 : i32
        %add3A_137 = arith.addi %mul3A_72, %mul3A_136 : i32
        %multiple_of3A_138 = tpu.assume_multiple %add3A_137, 128 : i32
        %dma_start3A_139 = arith.constant 0 : i32
        %dma_start3A_140 = tpu.memref_slice %arg4[%select_n3A_54, %dma_start3A_139, %multiple_of3A_138] : memref<2x1x320000xi32, #tpu.memory_space<hbm>> -> memref<1x1x640xi32, #tpu.memory_space<hbm>>
        %dma_start3A_141 = tpu.memref_squeeze %dma_start3A_140 : memref<1x1x640xi32, #tpu.memory_space<hbm>> -> memref<640xi32, #tpu.memory_space<hbm>>
        %dma_start3A_142 = tpu.memref_slice %arg4[%select_n3A_54, %dma_start3A_139, %multiple_of3A_138] : memref<2x1x320000xi32, #tpu.memory_space<hbm>> -> memref<1x1x640xi32, #tpu.memory_space<hbm>>
        %dma_start3A_143 = tpu.memref_squeeze %dma_start3A_142 : memref<1x1x640xi32, #tpu.memory_space<hbm>> -> memref<640xi32, #tpu.memory_space<hbm>>
        tpu.enqueue_dma source(%dma_start3A_143 : memref<640xi32, #tpu.memory_space<hbm>>) target(%arg13 : memref<640xi32, #tpu.memory_space<vmem>>) target_semaphore(%arg16 : memref<!tpu.dma_semaphore, #tpu.memory_space<semaphore_mem>>)
        %dma_start3A_144 = arith.constant 0 : i32
        %dma_start3A_145 = tpu.memref_slice %arg3[%select_n3A, %dma_start3A_144, %multiple_of3A_138] : memref<8x1x320000xf32, #tpu.memory_space<hbm>> -> memref<1x1x640xf32, #tpu.memory_space<hbm>>
        %dma_start3A_146 = tpu.memref_squeeze %dma_start3A_145 : memref<1x1x640xf32, #tpu.memory_space<hbm>> -> memref<640xf32, #tpu.memory_space<hbm>>
        %dma_start3A_147 = tpu.memref_slice %arg3[%select_n3A, %dma_start3A_144, %multiple_of3A_138] : memref<8x1x320000xf32, #tpu.memory_space<hbm>> -> memref<1x1x640xf32, #tpu.memory_space<hbm>>
        %dma_start3A_148 = tpu.memref_squeeze %dma_start3A_147 : memref<1x1x640xf32, #tpu.memory_space<hbm>> -> memref<640xf32, #tpu.memory_space<hbm>>
        tpu.enqueue_dma source(%dma_start3A_148 : memref<640xf32, #tpu.memory_space<hbm>>) target(%arg11 : memref<640xf32, #tpu.memory_space<vmem>>) target_semaphore(%arg16 : memref<!tpu.dma_semaphore, #tpu.memory_space<semaphore_mem>>)
        %dma_start3A_149 = arith.constant 0 : i32
        %dma_start3A_150 = tpu.memref_slice %arg2[%select_n3A_54, %select_n3A_70, %dma_start3A_149, %multiple_of3A_138] : memref<2x4x8x320000xf32, #tpu.memory_space<hbm>> -> memref<1x1x8x640xf32, #tpu.memory_space<hbm>>
        %dma_start3A_151 = tpu.memref_squeeze %dma_start3A_150 : memref<1x1x8x640xf32, #tpu.memory_space<hbm>> -> memref<8x640xf32, #tpu.memory_space<hbm>>
        %dma_start3A_152 = arith.constant 0 : i32
        %dma_start3A_153 = tpu.memref_slice %arg2[%select_n3A_54, %select_n3A_70, %dma_start3A_152, %multiple_of3A_138] : memref<2x4x8x320000xf32, #tpu.memory_space<hbm>> -> memref<1x1x8x640xf32, #tpu.memory_space<hbm>>
        %dma_start3A_154 = tpu.memref_squeeze %dma_start3A_153 : memref<1x1x8x640xf32, #tpu.memory_space<hbm>> -> memref<8x640xf32, #tpu.memory_space<hbm>>
        tpu.enqueue_dma source(%dma_start3A_154 : memref<8x640xf32, #tpu.memory_space<hbm>>) target(%arg9 : memref<8x640xf32, #tpu.memory_space<vmem>>) target_semaphore(%arg16 : memref<!tpu.dma_semaphore, #tpu.memory_space<semaphore_mem>>)
      } else {
      }
      %lt3A_112 = arith.constant 125 : i32
      %lt3A_113 = arith.cmpi slt, %add3A_106, %lt3A_112 : i32
      %convert_element_type3A_114 = arith.extui %lt3A_113 : i1 to i32
      %cond3A_115 = arith.constant 0 : i32
      %cond3A_116 = arith.cmpi ne, %convert_element_type3A_114, %cond3A_115 : i32
      scf.if %cond3A_116 {
        %mul3A_133 = arith.constant 640 : i32
        %mul3A_134 = arith.muli %add3A_106, %mul3A_133 : i32
        %add3A_135 = arith.addi %mul3A_72, %mul3A_134 : i32
        %multiple_of3A_136 = tpu.assume_multiple %add3A_135, 128 : i32
        %dma_wait3A = arith.constant 0 : i32
        %dma_wait3A_137 = tpu.memref_slice %arg4[%select_n3A_54, %dma_wait3A, %multiple_of3A_136] : memref<2x1x320000xi32, #tpu.memory_space<hbm>> -> memref<1x1x640xi32, #tpu.memory_space<hbm>>
        %dma_wait3A_138 = tpu.memref_squeeze %dma_wait3A_137 : memref<1x1x640xi32, #tpu.memory_space<hbm>> -> memref<640xi32, #tpu.memory_space<hbm>>
        %dma_wait3A_139 = tpu.memref_slice %arg4[%select_n3A_54, %dma_wait3A, %multiple_of3A_136] : memref<2x1x320000xi32, #tpu.memory_space<hbm>> -> memref<1x1x640xi32, #tpu.memory_space<hbm>>
        %dma_wait3A_140 = tpu.memref_squeeze %dma_wait3A_139 : memref<1x1x640xi32, #tpu.memory_space<hbm>> -> memref<640xi32, #tpu.memory_space<hbm>>
        tpu.wait_dma2 semaphore(%arg15 : memref<!tpu.dma_semaphore, #tpu.memory_space<semaphore_mem>>) src(%dma_wait3A_140 : memref<640xi32, #tpu.memory_space<hbm>>) dst(%arg12 : memref<640xi32, #tpu.memory_space<vmem>>)
        %dma_wait3A_141 = arith.constant 0 : i32
        %dma_wait3A_142 = tpu.memref_slice %arg3[%select_n3A, %dma_wait3A_141, %multiple_of3A_136] : memref<8x1x320000xf32, #tpu.memory_space<hbm>> -> memref<1x1x640xf32, #tpu.memory_space<hbm>>
        %dma_wait3A_143 = tpu.memref_squeeze %dma_wait3A_142 : memref<1x1x640xf32, #tpu.memory_space<hbm>> -> memref<640xf32, #tpu.memory_space<hbm>>
        %dma_wait3A_144 = tpu.memref_slice %arg3[%select_n3A, %dma_wait3A_141, %multiple_of3A_136] : memref<8x1x320000xf32, #tpu.memory_space<hbm>> -> memref<1x1x640xf32, #tpu.memory_space<hbm>>
        %dma_wait3A_145 = tpu.memref_squeeze %dma_wait3A_144 : memref<1x1x640xf32, #tpu.memory_space<hbm>> -> memref<640xf32, #tpu.memory_space<hbm>>
        tpu.wait_dma2 semaphore(%arg15 : memref<!tpu.dma_semaphore, #tpu.memory_space<semaphore_mem>>) src(%dma_wait3A_145 : memref<640xf32, #tpu.memory_space<hbm>>) dst(%arg10 : memref<640xf32, #tpu.memory_space<vmem>>)
        %dma_wait3A_146 = arith.constant 0 : i32
        %dma_wait3A_147 = tpu.memref_slice %arg2[%select_n3A_54, %select_n3A_70, %dma_wait3A_146, %multiple_of3A_136] : memref<2x4x8x320000xf32, #tpu.memory_space<hbm>> -> memref<1x1x8x640xf32, #tpu.memory_space<hbm>>
        %dma_wait3A_148 = tpu.memref_squeeze %dma_wait3A_147 : memref<1x1x8x640xf32, #tpu.memory_space<hbm>> -> memref<8x640xf32, #tpu.memory_space<hbm>>
        %dma_wait3A_149 = arith.constant 0 : i32
        %dma_wait3A_150 = tpu.memref_slice %arg2[%select_n3A_54, %select_n3A_70, %dma_wait3A_149, %multiple_of3A_136] : memref<2x4x8x320000xf32, #tpu.memory_space<hbm>> -> memref<1x1x8x640xf32, #tpu.memory_space<hbm>>
        %dma_wait3A_151 = tpu.memref_squeeze %dma_wait3A_150 : memref<1x1x8x640xf32, #tpu.memory_space<hbm>> -> memref<8x640xf32, #tpu.memory_space<hbm>>
        tpu.wait_dma2 semaphore(%arg15 : memref<!tpu.dma_semaphore, #tpu.memory_space<semaphore_mem>>) src(%dma_wait3A_151 : memref<8x640xf32, #tpu.memory_space<hbm>>) dst(%arg8 : memref<8x640xf32, #tpu.memory_space<vmem>>)
        %scan3A_152 = arith.constant 0 : i32
        %scan3A_153 = arith.constant 40 : i32
        %scan3A_154 = arith.addi %scan3A_152, %scan3A_153 : i32
        %scan3A_155 = arith.constant 1 : i32
        scf.for %scan3A_157 = %scan3A_152 to %scan3A_154 step %scan3A_155  : i32 {
          %mul3A_158 = arith.constant 16 : i32
          %mul3A_159 = arith.muli %scan3A_157, %mul3A_158 : i32
          %multiple_of3A_160 = tpu.assume_multiple %mul3A_159, 8 : i32
          %get3A_161 = arith.index_cast %multiple_of3A_160 : i32 to index
          %get3A_162 = tpu.vector_load %arg10[%get3A_161] {strides = array<i32>} : memref<640xf32, #tpu.memory_space<vmem>>, vector<16xf32>,
          %sub3A_163 = arith.subf %get3A_162, %get3A_78 : vector<16xf32>
          %exp3A = math.exp %sub3A_163 : vector<16xf32>
          %get3A_164 = arith.index_cast %multiple_of3A_160 : i32 to index
          %get3A_165 = tpu.vector_load %arg12[%get3A_164] {strides = array<i32>} : memref<640xi32, #tpu.memory_space<vmem>>, vector<16xi32>,
          %mul3A_166 = arith.constant 10 : i32
          %mul3A_167 = vector.broadcast %mul3A_166 : i32 to vector<16xi32>
          %mul3A_168 = arith.muli %get3A_165, %mul3A_167 : vector<16xi32>
          %get3A_169 = arith.constant 0 : i32
          %get3A_170 = arith.index_cast %get3A_169 : i32 to index
          %get3A_171 = arith.index_cast %multiple_of3A_160 : i32 to index
          %get3A_172 = tpu.vector_load %arg8[%get3A_170, %get3A_171] {strides = array<i32>} : memref<8x640xf32, #tpu.memory_space<vmem>>, vector<16xf32>,
          %add3A_173 = arith.constant 0 : i32
          %add3A_174 = vector.broadcast %add3A_173 : i32 to vector<16xi32>
          %add3A_175 = arith.addi %mul3A_168, %add3A_174 : vector<16xi32>
          %mul3A_176 = arith.mulf %get3A_172, %exp3A : vector<16xf32>
          tpu.vector_store_idx %arg7[%add3A_175], %mul3A_176 {add = true} : memref<100000xf32, #tpu.memory_space<vmem>>[vector<16xi32>], vector<16xf32>,
          %get3A_177 = arith.constant 1 : i32
          %get3A_178 = arith.index_cast %get3A_177 : i32 to index
          %get3A_179 = arith.index_cast %multiple_of3A_160 : i32 to index
          %get3A_180 = tpu.vector_load %arg8[%get3A_178, %get3A_179] {strides = array<i32>} : memref<8x640xf32, #tpu.memory_space<vmem>>, vector<16xf32>,
          %add3A_181 = arith.constant 1 : i32
          %add3A_182 = vector.broadcast %add3A_181 : i32 to vector<16xi32>
          %add3A_183 = arith.addi %mul3A_168, %add3A_182 : vector<16xi32>
          %mul3A_184 = arith.mulf %get3A_180, %exp3A : vector<16xf32>
          tpu.vector_store_idx %arg7[%add3A_183], %mul3A_184 {add = true} : memref<100000xf32, #tpu.memory_space<vmem>>[vector<16xi32>], vector<16xf32>,
          %get3A_185 = arith.constant 2 : i32
          %get3A_186 = arith.index_cast %get3A_185 : i32 to index
          %get3A_187 = arith.index_cast %multiple_of3A_160 : i32 to index
          %get3A_188 = tpu.vector_load %arg8[%get3A_186, %get3A_187] {strides = array<i32>} : memref<8x640xf32, #tpu.memory_space<vmem>>, vector<16xf32>,
          %add3A_189 = arith.constant 2 : i32
          %add3A_190 = vector.broadcast %add3A_189 : i32 to vector<16xi32>
          %add3A_191 = arith.addi %mul3A_168, %add3A_190 : vector<16xi32>
          %mul3A_192 = arith.mulf %get3A_188, %exp3A : vector<16xf32>
          tpu.vector_store_idx %arg7[%add3A_191], %mul3A_192 {add = true} : memref<100000xf32, #tpu.memory_space<vmem>>[vector<16xi32>], vector<16xf32>,
          %get3A_193 = arith.constant 3 : i32
          %get3A_194 = arith.index_cast %get3A_193 : i32 to index
          %get3A_195 = arith.index_cast %multiple_of3A_160 : i32 to index
          %get3A_196 = tpu.vector_load %arg8[%get3A_194, %get3A_195] {strides = array<i32>} : memref<8x640xf32, #tpu.memory_space<vmem>>, vector<16xf32>,
          %add3A_197 = arith.constant 3 : i32
          %add3A_198 = vector.broadcast %add3A_197 : i32 to vector<16xi32>
          %add3A_199 = arith.addi %mul3A_168, %add3A_198 : vector<16xi32>
          %mul3A_200 = arith.mulf %get3A_196, %exp3A : vector<16xf32>
          tpu.vector_store_idx %arg7[%add3A_199], %mul3A_200 {add = true} : memref<100000xf32, #tpu.memory_space<vmem>>[vector<16xi32>], vector<16xf32>,
          %get3A_201 = arith.constant 4 : i32
          %get3A_202 = arith.index_cast %get3A_201 : i32 to index
          %get3A_203 = arith.index_cast %multiple_of3A_160 : i32 to index
          %get3A_204 = tpu.vector_load %arg8[%get3A_202, %get3A_203] {strides = array<i32>} : memref<8x640xf32, #tpu.memory_space<vmem>>, vector<16xf32>,
          %add3A_205 = arith.constant 4 : i32
          %add3A_206 = vector.broadcast %add3A_205 : i32 to vector<16xi32>
          %add3A_207 = arith.addi %mul3A_168, %add3A_206 : vector<16xi32>
          %mul3A_208 = arith.mulf %get3A_204, %exp3A : vector<16xf32>
          tpu.vector_store_idx %arg7[%add3A_207], %mul3A_208 {add = true} : memref<100000xf32, #tpu.memory_space<vmem>>[vector<16xi32>], vector<16xf32>,
          %get3A_209 = arith.constant 5 : i32
          %get3A_210 = arith.index_cast %get3A_209 : i32 to index
          %get3A_211 = arith.index_cast %multiple_of3A_160 : i32 to index
          %get3A_212 = tpu.vector_load %arg8[%get3A_210, %get3A_211] {strides = array<i32>} : memref<8x640xf32, #tpu.memory_space<vmem>>, vector<16xf32>,
          %add3A_213 = arith.constant 5 : i32
          %add3A_214 = vector.broadcast %add3A_213 : i32 to vector<16xi32>
          %add3A_215 = arith.addi %mul3A_168, %add3A_214 : vector<16xi32>
          %mul3A_216 = arith.mulf %get3A_212, %exp3A : vector<16xf32>
          tpu.vector_store_idx %arg7[%add3A_215], %mul3A_216 {add = true} : memref<100000xf32, #tpu.memory_space<vmem>>[vector<16xi32>], vector<16xf32>,
          %get3A_217 = arith.constant 6 : i32
          %get3A_218 = arith.index_cast %get3A_217 : i32 to index
          %get3A_219 = arith.index_cast %multiple_of3A_160 : i32 to index
          %get3A_220 = tpu.vector_load %arg8[%get3A_218, %get3A_219] {strides = array<i32>} : memref<8x640xf32, #tpu.memory_space<vmem>>, vector<16xf32>,
          %add3A_221 = arith.constant 6 : i32
          %add3A_222 = vector.broadcast %add3A_221 : i32 to vector<16xi32>
          %add3A_223 = arith.addi %mul3A_168, %add3A_222 : vector<16xi32>
          %mul3A_224 = arith.mulf %get3A_220, %exp3A : vector<16xf32>
          tpu.vector_store_idx %arg7[%add3A_223], %mul3A_224 {add = true} : memref<100000xf32, #tpu.memory_space<vmem>>[vector<16xi32>], vector<16xf32>,
          %get3A_225 = arith.constant 7 : i32
          %get3A_226 = arith.index_cast %get3A_225 : i32 to index
          %get3A_227 = arith.index_cast %multiple_of3A_160 : i32 to index
          %get3A_228 = tpu.vector_load %arg8[%get3A_226, %get3A_227] {strides = array<i32>} : memref<8x640xf32, #tpu.memory_space<vmem>>, vector<16xf32>,
          %add3A_229 = arith.constant 7 : i32
          %add3A_230 = vector.broadcast %add3A_229 : i32 to vector<16xi32>
          %add3A_231 = arith.addi %mul3A_168, %add3A_230 : vector<16xi32>
          %mul3A_232 = arith.mulf %get3A_228, %exp3A : vector<16xf32>
          tpu.vector_store_idx %arg7[%add3A_231], %mul3A_232 {add = true} : memref<100000xf32, #tpu.memory_space<vmem>>[vector<16xi32>], vector<16xf32>,
          %add3A_233 = arith.constant 8 : i32
          %add3A_234 = vector.broadcast %add3A_233 : i32 to vector<16xi32>
          %add3A_235 = arith.addi %mul3A_168, %add3A_234 : vector<16xi32>
          tpu.vector_store_idx %arg7[%add3A_235], %exp3A {add = true} : memref<100000xf32, #tpu.memory_space<vmem>>[vector<16xi32>], vector<16xf32>,
        }
        %scan3A_156 = arith.constant 40 : i32
      } else {
      }
      %mul3A_117 = arith.constant 2 : i32
      %mul3A_118 = arith.muli %mul3A_117, %scan3A_102 : i32
      %add3A_119 = arith.constant 1 : i32
      %add3A_120 = arith.addi %mul3A_118, %add3A_119 : i32
      %add3A_121 = arith.constant 1 : i32
      %add3A_122 = arith.addi %add3A_120, %add3A_121 : i32
      %lt3A_123 = arith.constant 125 : i32
      %lt3A_124 = arith.cmpi slt, %add3A_122, %lt3A_123 : i32
      %convert_element_type3A_125 = arith.extui %lt3A_124 : i1 to i32
      %cond3A_126 = arith.constant 0 : i32
      %cond3A_127 = arith.cmpi ne, %convert_element_type3A_125, %cond3A_126 : i32
      scf.if %cond3A_127 {
        %add3A_133 = arith.constant 1 : i32
        %add3A_134 = arith.addi %add3A_120, %add3A_133 : i32
        %mul3A_135 = arith.constant 640 : i32
        %mul3A_136 = arith.muli %add3A_134, %mul3A_135 : i32
        %add3A_137 = arith.addi %mul3A_72, %mul3A_136 : i32
        %multiple_of3A_138 = tpu.assume_multiple %add3A_137, 128 : i32
        %dma_start3A_139 = arith.constant 0 : i32
        %dma_start3A_140 = tpu.memref_slice %arg4[%select_n3A_54, %dma_start3A_139, %multiple_of3A_138] : memref<2x1x320000xi32, #tpu.memory_space<hbm>> -> memref<1x1x640xi32, #tpu.memory_space<hbm>>
        %dma_start3A_141 = tpu.memref_squeeze %dma_start3A_140 : memref<1x1x640xi32, #tpu.memory_space<hbm>> -> memref<640xi32, #tpu.memory_space<hbm>>
        %dma_start3A_142 = tpu.memref_slice %arg4[%select_n3A_54, %dma_start3A_139, %multiple_of3A_138] : memref<2x1x320000xi32, #tpu.memory_space<hbm>> -> memref<1x1x640xi32, #tpu.memory_space<hbm>>
        %dma_start3A_143 = tpu.memref_squeeze %dma_start3A_142 : memref<1x1x640xi32, #tpu.memory_space<hbm>> -> memref<640xi32, #tpu.memory_space<hbm>>
        tpu.enqueue_dma source(%dma_start3A_143 : memref<640xi32, #tpu.memory_space<hbm>>) target(%arg12 : memref<640xi32, #tpu.memory_space<vmem>>) target_semaphore(%arg15 : memref<!tpu.dma_semaphore, #tpu.memory_space<semaphore_mem>>)
        %dma_start3A_144 = arith.constant 0 : i32
        %dma_start3A_145 = tpu.memref_slice %arg3[%select_n3A, %dma_start3A_144, %multiple_of3A_138] : memref<8x1x320000xf32, #tpu.memory_space<hbm>> -> memref<1x1x640xf32, #tpu.memory_space<hbm>>
        %dma_start3A_146 = tpu.memref_squeeze %dma_start3A_145 : memref<1x1x640xf32, #tpu.memory_space<hbm>> -> memref<640xf32, #tpu.memory_space<hbm>>
        %dma_start3A_147 = tpu.memref_slice %arg3[%select_n3A, %dma_start3A_144, %multiple_of3A_138] : memref<8x1x320000xf32, #tpu.memory_space<hbm>> -> memref<1x1x640xf32, #tpu.memory_space<hbm>>
        %dma_start3A_148 = tpu.memref_squeeze %dma_start3A_147 : memref<1x1x640xf32, #tpu.memory_space<hbm>> -> memref<640xf32, #tpu.memory_space<hbm>>
        tpu.enqueue_dma source(%dma_start3A_148 : memref<640xf32, #tpu.memory_space<hbm>>) target(%arg10 : memref<640xf32, #tpu.memory_space<vmem>>) target_semaphore(%arg15 : memref<!tpu.dma_semaphore, #tpu.memory_space<semaphore_mem>>)
        %dma_start3A_149 = arith.constant 0 : i32
        %dma_start3A_150 = tpu.memref_slice %arg2[%select_n3A_54, %select_n3A_70, %dma_start3A_149, %multiple_of3A_138] : memref<2x4x8x320000xf32, #tpu.memory_space<hbm>> -> memref<1x1x8x640xf32, #tpu.memory_space<hbm>>
        %dma_start3A_151 = tpu.memref_squeeze %dma_start3A_150 : memref<1x1x8x640xf32, #tpu.memory_space<hbm>> -> memref<8x640xf32, #tpu.memory_space<hbm>>
        %dma_start3A_152 = arith.constant 0 : i32
        %dma_start3A_153 = tpu.memref_slice %arg2[%select_n3A_54, %select_n3A_70, %dma_start3A_152, %multiple_of3A_138] : memref<2x4x8x320000xf32, #tpu.memory_space<hbm>> -> memref<1x1x8x640xf32, #tpu.memory_space<hbm>>
        %dma_start3A_154 = tpu.memref_squeeze %dma_start3A_153 : memref<1x1x8x640xf32, #tpu.memory_space<hbm>> -> memref<8x640xf32, #tpu.memory_space<hbm>>
        tpu.enqueue_dma source(%dma_start3A_154 : memref<8x640xf32, #tpu.memory_space<hbm>>) target(%arg8 : memref<8x640xf32, #tpu.memory_space<vmem>>) target_semaphore(%arg15 : memref<!tpu.dma_semaphore, #tpu.memory_space<semaphore_mem>>)
      } else {
      }
      %lt3A_128 = arith.constant 125 : i32
      %lt3A_129 = arith.cmpi slt, %add3A_120, %lt3A_128 : i32
      %convert_element_type3A_130 = arith.extui %lt3A_129 : i1 to i32
      %cond3A_131 = arith.constant 0 : i32
      %cond3A_132 = arith.cmpi ne, %convert_element_type3A_130, %cond3A_131 : i32
      scf.if %cond3A_132 {
        %mul3A_133 = arith.constant 640 : i32
        %mul3A_134 = arith.muli %add3A_120, %mul3A_133 : i32
        %add3A_135 = arith.addi %mul3A_72, %mul3A_134 : i32
        %multiple_of3A_136 = tpu.assume_multiple %add3A_135, 128 : i32
        %dma_wait3A = arith.constant 0 : i32
        %dma_wait3A_137 = tpu.memref_slice %arg4[%select_n3A_54, %dma_wait3A, %multiple_of3A_136] : memref<2x1x320000xi32, #tpu.memory_space<hbm>> -> memref<1x1x640xi32, #tpu.memory_space<hbm>>
        %dma_wait3A_138 = tpu.memref_squeeze %dma_wait3A_137 : memref<1x1x640xi32, #tpu.memory_space<hbm>> -> memref<640xi32, #tpu.memory_space<hbm>>
        %dma_wait3A_139 = tpu.memref_slice %arg4[%select_n3A_54, %dma_wait3A, %multiple_of3A_136] : memref<2x1x320000xi32, #tpu.memory_space<hbm>> -> memref<1x1x640xi32, #tpu.memory_space<hbm>>
        %dma_wait3A_140 = tpu.memref_squeeze %dma_wait3A_139 : memref<1x1x640xi32, #tpu.memory_space<hbm>> -> memref<640xi32, #tpu.memory_space<hbm>>
        tpu.wait_dma2 semaphore(%arg16 : memref<!tpu.dma_semaphore, #tpu.memory_space<semaphore_mem>>) src(%dma_wait3A_140 : memref<640xi32, #tpu.memory_space<hbm>>) dst(%arg13 : memref<640xi32, #tpu.memory_space<vmem>>)
        %dma_wait3A_141 = arith.constant 0 : i32
        %dma_wait3A_142 = tpu.memref_slice %arg3[%select_n3A, %dma_wait3A_141, %multiple_of3A_136] : memref<8x1x320000xf32, #tpu.memory_space<hbm>> -> memref<1x1x640xf32, #tpu.memory_space<hbm>>
        %dma_wait3A_143 = tpu.memref_squeeze %dma_wait3A_142 : memref<1x1x640xf32, #tpu.memory_space<hbm>> -> memref<640xf32, #tpu.memory_space<hbm>>
        %dma_wait3A_144 = tpu.memref_slice %arg3[%select_n3A, %dma_wait3A_141, %multiple_of3A_136] : memref<8x1x320000xf32, #tpu.memory_space<hbm>> -> memref<1x1x640xf32, #tpu.memory_space<hbm>>
        %dma_wait3A_145 = tpu.memref_squeeze %dma_wait3A_144 : memref<1x1x640xf32, #tpu.memory_space<hbm>> -> memref<640xf32, #tpu.memory_space<hbm>>
        tpu.wait_dma2 semaphore(%arg16 : memref<!tpu.dma_semaphore, #tpu.memory_space<semaphore_mem>>) src(%dma_wait3A_145 : memref<640xf32, #tpu.memory_space<hbm>>) dst(%arg11 : memref<640xf32, #tpu.memory_space<vmem>>)
        %dma_wait3A_146 = arith.constant 0 : i32
        %dma_wait3A_147 = tpu.memref_slice %arg2[%select_n3A_54, %select_n3A_70, %dma_wait3A_146, %multiple_of3A_136] : memref<2x4x8x320000xf32, #tpu.memory_space<hbm>> -> memref<1x1x8x640xf32, #tpu.memory_space<hbm>>
        %dma_wait3A_148 = tpu.memref_squeeze %dma_wait3A_147 : memref<1x1x8x640xf32, #tpu.memory_space<hbm>> -> memref<8x640xf32, #tpu.memory_space<hbm>>
        %dma_wait3A_149 = arith.constant 0 : i32
        %dma_wait3A_150 = tpu.memref_slice %arg2[%select_n3A_54, %select_n3A_70, %dma_wait3A_149, %multiple_of3A_136] : memref<2x4x8x320000xf32, #tpu.memory_space<hbm>> -> memref<1x1x8x640xf32, #tpu.memory_space<hbm>>
        %dma_wait3A_151 = tpu.memref_squeeze %dma_wait3A_150 : memref<1x1x8x640xf32, #tpu.memory_space<hbm>> -> memref<8x640xf32, #tpu.memory_space<hbm>>
        tpu.wait_dma2 semaphore(%arg16 : memref<!tpu.dma_semaphore, #tpu.memory_space<semaphore_mem>>) src(%dma_wait3A_151 : memref<8x640xf32, #tpu.memory_space<hbm>>) dst(%arg9 : memref<8x640xf32, #tpu.memory_space<vmem>>)
        %scan3A_152 = arith.constant 0 : i32
        %scan3A_153 = arith.constant 40 : i32
        %scan3A_154 = arith.addi %scan3A_152, %scan3A_153 : i32
        %scan3A_155 = arith.constant 1 : i32
        scf.for %scan3A_157 = %scan3A_152 to %scan3A_154 step %scan3A_155  : i32 {
          %mul3A_158 = arith.constant 16 : i32
          %mul3A_159 = arith.muli %scan3A_157, %mul3A_158 : i32
          %multiple_of3A_160 = tpu.assume_multiple %mul3A_159, 8 : i32
          %get3A_161 = arith.index_cast %multiple_of3A_160 : i32 to index
          %get3A_162 = tpu.vector_load %arg11[%get3A_161] {strides = array<i32>} : memref<640xf32, #tpu.memory_space<vmem>>, vector<16xf32>,
          %sub3A_163 = arith.subf %get3A_162, %get3A_78 : vector<16xf32>
          %exp3A = math.exp %sub3A_163 : vector<16xf32>
          %get3A_164 = arith.index_cast %multiple_of3A_160 : i32 to index
          %get3A_165 = tpu.vector_load %arg13[%get3A_164] {strides = array<i32>} : memref<640xi32, #tpu.memory_space<vmem>>, vector<16xi32>,
          %mul3A_166 = arith.constant 10 : i32
          %mul3A_167 = vector.broadcast %mul3A_166 : i32 to vector<16xi32>
          %mul3A_168 = arith.muli %get3A_165, %mul3A_167 : vector<16xi32>
          %get3A_169 = arith.constant 0 : i32
          %get3A_170 = arith.index_cast %get3A_169 : i32 to index
          %get3A_171 = arith.index_cast %multiple_of3A_160 : i32 to index
          %get3A_172 = tpu.vector_load %arg9[%get3A_170, %get3A_171] {strides = array<i32>} : memref<8x640xf32, #tpu.memory_space<vmem>>, vector<16xf32>,
          %add3A_173 = arith.constant 0 : i32
          %add3A_174 = vector.broadcast %add3A_173 : i32 to vector<16xi32>
          %add3A_175 = arith.addi %mul3A_168, %add3A_174 : vector<16xi32>
          %mul3A_176 = arith.mulf %get3A_172, %exp3A : vector<16xf32>
          tpu.vector_store_idx %arg7[%add3A_175], %mul3A_176 {add = true} : memref<100000xf32, #tpu.memory_space<vmem>>[vector<16xi32>], vector<16xf32>,
          %get3A_177 = arith.constant 1 : i32
          %get3A_178 = arith.index_cast %get3A_177 : i32 to index
          %get3A_179 = arith.index_cast %multiple_of3A_160 : i32 to index
          %get3A_180 = tpu.vector_load %arg9[%get3A_178, %get3A_179] {strides = array<i32>} : memref<8x640xf32, #tpu.memory_space<vmem>>, vector<16xf32>,
          %add3A_181 = arith.constant 1 : i32
          %add3A_182 = vector.broadcast %add3A_181 : i32 to vector<16xi32>
          %add3A_183 = arith.addi %mul3A_168, %add3A_182 : vector<16xi32>
          %mul3A_184 = arith.mulf %get3A_180, %exp3A : vector<16xf32>
          tpu.vector_store_idx %arg7[%add3A_183], %mul3A_184 {add = true} : memref<100000xf32, #tpu.memory_space<vmem>>[vector<16xi32>], vector<16xf32>,
          %get3A_185 = arith.constant 2 : i32
          %get3A_186 = arith.index_cast %get3A_185 : i32 to index
          %get3A_187 = arith.index_cast %multiple_of3A_160 : i32 to index
          %get3A_188 = tpu.vector_load %arg9[%get3A_186, %get3A_187] {strides = array<i32>} : memref<8x640xf32, #tpu.memory_space<vmem>>, vector<16xf32>,
          %add3A_189 = arith.constant 2 : i32
          %add3A_190 = vector.broadcast %add3A_189 : i32 to vector<16xi32>
          %add3A_191 = arith.addi %mul3A_168, %add3A_190 : vector<16xi32>
          %mul3A_192 = arith.mulf %get3A_188, %exp3A : vector<16xf32>
          tpu.vector_store_idx %arg7[%add3A_191], %mul3A_192 {add = true} : memref<100000xf32, #tpu.memory_space<vmem>>[vector<16xi32>], vector<16xf32>,
          %get3A_193 = arith.constant 3 : i32
          %get3A_194 = arith.index_cast %get3A_193 : i32 to index
          %get3A_195 = arith.index_cast %multiple_of3A_160 : i32 to index
          %get3A_196 = tpu.vector_load %arg9[%get3A_194, %get3A_195] {strides = array<i32>} : memref<8x640xf32, #tpu.memory_space<vmem>>, vector<16xf32>,
          %add3A_197 = arith.constant 3 : i32
          %add3A_198 = vector.broadcast %add3A_197 : i32 to vector<16xi32>
          %add3A_199 = arith.addi %mul3A_168, %add3A_198 : vector<16xi32>
          %mul3A_200 = arith.mulf %get3A_196, %exp3A : vector<16xf32>
          tpu.vector_store_idx %arg7[%add3A_199], %mul3A_200 {add = true} : memref<100000xf32, #tpu.memory_space<vmem>>[vector<16xi32>], vector<16xf32>,
          %get3A_201 = arith.constant 4 : i32
          %get3A_202 = arith.index_cast %get3A_201 : i32 to index
          %get3A_203 = arith.index_cast %multiple_of3A_160 : i32 to index
          %get3A_204 = tpu.vector_load %arg9[%get3A_202, %get3A_203] {strides = array<i32>} : memref<8x640xf32, #tpu.memory_space<vmem>>, vector<16xf32>,
          %add3A_205 = arith.constant 4 : i32
          %add3A_206 = vector.broadcast %add3A_205 : i32 to vector<16xi32>
          %add3A_207 = arith.addi %mul3A_168, %add3A_206 : vector<16xi32>
          %mul3A_208 = arith.mulf %get3A_204, %exp3A : vector<16xf32>
          tpu.vector_store_idx %arg7[%add3A_207], %mul3A_208 {add = true} : memref<100000xf32, #tpu.memory_space<vmem>>[vector<16xi32>], vector<16xf32>,
          %get3A_209 = arith.constant 5 : i32
          %get3A_210 = arith.index_cast %get3A_209 : i32 to index
          %get3A_211 = arith.index_cast %multiple_of3A_160 : i32 to index
          %get3A_212 = tpu.vector_load %arg9[%get3A_210, %get3A_211] {strides = array<i32>} : memref<8x640xf32, #tpu.memory_space<vmem>>, vector<16xf32>,
          %add3A_213 = arith.constant 5 : i32
          %add3A_214 = vector.broadcast %add3A_213 : i32 to vector<16xi32>
          %add3A_215 = arith.addi %mul3A_168, %add3A_214 : vector<16xi32>
          %mul3A_216 = arith.mulf %get3A_212, %exp3A : vector<16xf32>
          tpu.vector_store_idx %arg7[%add3A_215], %mul3A_216 {add = true} : memref<100000xf32, #tpu.memory_space<vmem>>[vector<16xi32>], vector<16xf32>,
          %get3A_217 = arith.constant 6 : i32
          %get3A_218 = arith.index_cast %get3A_217 : i32 to index
          %get3A_219 = arith.index_cast %multiple_of3A_160 : i32 to index
          %get3A_220 = tpu.vector_load %arg9[%get3A_218, %get3A_219] {strides = array<i32>} : memref<8x640xf32, #tpu.memory_space<vmem>>, vector<16xf32>,
          %add3A_221 = arith.constant 6 : i32
          %add3A_222 = vector.broadcast %add3A_221 : i32 to vector<16xi32>
          %add3A_223 = arith.addi %mul3A_168, %add3A_222 : vector<16xi32>
          %mul3A_224 = arith.mulf %get3A_220, %exp3A : vector<16xf32>
          tpu.vector_store_idx %arg7[%add3A_223], %mul3A_224 {add = true} : memref<100000xf32, #tpu.memory_space<vmem>>[vector<16xi32>], vector<16xf32>,
          %get3A_225 = arith.constant 7 : i32
          %get3A_226 = arith.index_cast %get3A_225 : i32 to index
          %get3A_227 = arith.index_cast %multiple_of3A_160 : i32 to index
          %get3A_228 = tpu.vector_load %arg9[%get3A_226, %get3A_227] {strides = array<i32>} : memref<8x640xf32, #tpu.memory_space<vmem>>, vector<16xf32>,
          %add3A_229 = arith.constant 7 : i32
          %add3A_230 = vector.broadcast %add3A_229 : i32 to vector<16xi32>
          %add3A_231 = arith.addi %mul3A_168, %add3A_230 : vector<16xi32>
          %mul3A_232 = arith.mulf %get3A_228, %exp3A : vector<16xf32>
          tpu.vector_store_idx %arg7[%add3A_231], %mul3A_232 {add = true} : memref<100000xf32, #tpu.memory_space<vmem>>[vector<16xi32>], vector<16xf32>,
          %add3A_233 = arith.constant 8 : i32
          %add3A_234 = vector.broadcast %add3A_233 : i32 to vector<16xi32>
          %add3A_235 = arith.addi %mul3A_168, %add3A_234 : vector<16xi32>
          tpu.vector_store_idx %arg7[%add3A_235], %exp3A {add = true} : memref<100000xf32, #tpu.memory_space<vmem>>[vector<16xi32>], vector<16xf32>,
        }
        %scan3A_156 = arith.constant 40 : i32
      } else {
      }
    }
    %scan3A_100 = arith.constant 63 : i32
    %run_scoped3A_101 = arith.constant 0 : i32
    "tpu.region"() ({
      %run_scoped3A_102 = tpu.sem_alloc : memref<!tpu.dma_semaphore, #tpu.memory_space<semaphore_mem>>
      %dma_start3A_103 = arith.constant 0 : i32
      %dma_start3A_104 = tpu.memref_slice %arg6[%add3A, %run_scoped3A_101, %dma_start3A_103] : memref<32x1x100000xf32, #tpu.memory_space<hbm>> -> memref<1x1x100000xf32, #tpu.memory_space<hbm>>
      %dma_start3A_105 = tpu.memref_squeeze %dma_start3A_104 : memref<1x1x100000xf32, #tpu.memory_space<hbm>> -> memref<100000xf32, #tpu.memory_space<hbm>>
      %dma_start3A_106 = arith.constant 0 : i32
      %dma_start3A_107 = tpu.memref_slice %arg6[%add3A, %run_scoped3A_101, %dma_start3A_106] : memref<32x1x100000xf32, #tpu.memory_space<hbm>> -> memref<1x1x100000xf32, #tpu.memory_space<hbm>>
      %dma_start3A_108 = tpu.memref_squeeze %dma_start3A_107 : memref<1x1x100000xf32, #tpu.memory_space<hbm>> -> memref<100000xf32, #tpu.memory_space<hbm>>
      tpu.enqueue_dma source(%arg7 : memref<100000xf32, #tpu.memory_space<vmem>>) target(%dma_start3A_108 : memref<100000xf32, #tpu.memory_space<hbm>>) target_semaphore(%run_scoped3A_102 : memref<!tpu.dma_semaphore, #tpu.memory_space<semaphore_mem>>)
      %dma_wait3A = arith.constant 0 : i32
      %dma_wait3A_109 = tpu.memref_slice %arg6[%add3A, %run_scoped3A_101, %dma_wait3A] : memref<32x1x100000xf32, #tpu.memory_space<hbm>> -> memref<1x1x100000xf32, #tpu.memory_space<hbm>>
      %dma_wait3A_110 = tpu.memref_squeeze %dma_wait3A_109 : memref<1x1x100000xf32, #tpu.memory_space<hbm>> -> memref<100000xf32, #tpu.memory_space<hbm>>
      %dma_wait3A_111 = arith.constant 0 : i32
      %dma_wait3A_112 = tpu.memref_slice %arg6[%add3A, %run_scoped3A_101, %dma_wait3A_111] : memref<32x1x100000xf32, #tpu.memory_space<hbm>> -> memref<1x1x100000xf32, #tpu.memory_space<hbm>>
      %dma_wait3A_113 = tpu.memref_squeeze %dma_wait3A_112 : memref<1x1x100000xf32, #tpu.memory_space<hbm>> -> memref<100000xf32, #tpu.memory_space<hbm>>
      tpu.wait_dma2 semaphore(%run_scoped3A_102 : memref<!tpu.dma_semaphore, #tpu.memory_space<semaphore_mem>>) src(%arg7 : memref<100000xf32, #tpu.memory_space<vmem>>) dst(%dma_wait3A_113 : memref<100000xf32, #tpu.memory_space<hbm>>)
      tpu.yield
    }) : () -> ()
    return
  }
}

#map = affine_map<(d0, d1) -> (0, 0)>
#map1 = affine_map<(d0, d1) -> (0)>
module attributes {stable_mosaic.version = 14 : i64} {
  func.func @k(%arg0: i32, %arg1: i32, %arg2: memref<20000x128xf32, #tpu.memory_space<hbm>>, %arg3: memref<320000xi32, #tpu.memory_space<hbm>>, %arg4: memref<320000xi32, #tpu.memory_space<hbm>>, %arg5: memref<320000x128xf32, #tpu.memory_space<hbm>>, %arg6: memref<320000x128xf32, #tpu.memory_space<hbm>>, %arg7: memref<256xi32, #tpu.memory_space<vmem>>, %arg8: memref<256xi32, #tpu.memory_space<vmem>>, %arg9: memref<256x128xf32, #tpu.memory_space<vmem>>, %arg10: memref<256x128xf32, #tpu.memory_space<vmem>>, %arg11: memref<!tpu.dma_semaphore, #tpu.memory_space<semaphore_mem>>, %arg12: memref<!tpu.dma_semaphore, #tpu.memory_space<semaphore_mem>>) attributes {dimension_semantics = [#tpu.dimension_semantics<core_parallel>, #tpu.dimension_semantics<subcore_parallel>], iteration_bounds = array<i64: 2, 16>, scalar_prefetch = 0 : i64, scratch_operands = 6 : i64, tpu.core_type = #tpu.core_type<sc_vector_subcore>, window_params = [{transform_indices = #map}, {transform_indices = #map1}, {transform_indices = #map1}, {transform_indices = #map}, {transform_indices = #map}]} {
    %mul3A = arith.constant 2 : i32
    %mul3A_0 = arith.muli %arg1, %mul3A : i32
    %add3A = arith.addi %mul3A_0, %arg0 : i32
    %lt3A = arith.constant 2 : i32
    %lt3A_1 = arith.cmpi slt, %add3A, %lt3A : i32
    %jit3A = arith.constant 1 : i32
    %jit3A_2 = arith.constant 0 : i32
    %select_n3A = arith.select %lt3A_1, %jit3A, %jit3A_2 : i32
    %add3A_3 = arith.constant 39 : i32
    %add3A_4 = arith.addi %add3A_3, %select_n3A : i32
    %gt3A = arith.constant 0 : i32
    %gt3A_5 = arith.cmpi sgt, %add3A_4, %gt3A : i32
    %convert_element_type3A = arith.extui %gt3A_5 : i1 to i32
    %cond3A = arith.constant 0 : i32
    %cond3A_6 = arith.cmpi ne, %convert_element_type3A, %cond3A : i32
    scf.if %cond3A_6 {
      %add3A_11 = arith.constant 0 : i32
      %add3A_12 = arith.addi %add3A, %add3A_11 : i32
      %mul3A_13 = arith.constant 256 : i32
      %mul3A_14 = arith.muli %add3A_12, %mul3A_13 : i32
      %multiple_of3A = tpu.assume_multiple %mul3A_14, 128 : i32
      "tpu.region"() ({
        %run_scoped3A = tpu.sem_alloc : memref<!tpu.dma_semaphore, #tpu.memory_space<semaphore_mem>>
        %dma_start3A_17 = tpu.memref_slice %arg3[%multiple_of3A] : memref<320000xi32, #tpu.memory_space<hbm>> -> memref<256xi32, #tpu.memory_space<hbm>>
        %dma_start3A_18 = tpu.memref_slice %arg3[%multiple_of3A] : memref<320000xi32, #tpu.memory_space<hbm>> -> memref<256xi32, #tpu.memory_space<hbm>>
        tpu.enqueue_dma source(%dma_start3A_18 : memref<256xi32, #tpu.memory_space<hbm>>) target(%arg7 : memref<256xi32, #tpu.memory_space<vmem>>) target_semaphore(%run_scoped3A : memref<!tpu.dma_semaphore, #tpu.memory_space<semaphore_mem>>)
        %dma_wait3A = tpu.memref_slice %arg3[%multiple_of3A] : memref<320000xi32, #tpu.memory_space<hbm>> -> memref<256xi32, #tpu.memory_space<hbm>>
        %dma_wait3A_19 = tpu.memref_slice %arg3[%multiple_of3A] : memref<320000xi32, #tpu.memory_space<hbm>> -> memref<256xi32, #tpu.memory_space<hbm>>
        tpu.wait_dma2 semaphore(%run_scoped3A : memref<!tpu.dma_semaphore, #tpu.memory_space<semaphore_mem>>) src(%dma_wait3A_19 : memref<256xi32, #tpu.memory_space<hbm>>) dst(%arg7 : memref<256xi32, #tpu.memory_space<vmem>>)
        tpu.yield
      }) : () -> ()
      %dma_start3A = arith.constant 0 : i32
      %dma_start3A_15 = arith.constant 0 : i32
      %dma_start3A_16 = tpu.memref_slice %arg2[%dma_start3A, %dma_start3A_15] : memref<20000x128xf32, #tpu.memory_space<hbm>> -> memref<20000x128xf32, #tpu.memory_space<hbm>>
      tpu.enqueue_indirect_dma source(%dma_start3A_16 : memref<20000x128xf32, #tpu.memory_space<hbm>>) target(%arg9 : memref<256x128xf32, #tpu.memory_space<vmem>>) offsets(%arg7 : memref<256xi32, #tpu.memory_space<vmem>>) semaphore(%arg11 : memref<!tpu.dma_semaphore, #tpu.memory_space<semaphore_mem>>)
    } else {
    }
    %scan3A = arith.constant 0 : i32
    %scan3A_7 = arith.constant 40 : i32
    %scan3A_8 = arith.addi %scan3A, %scan3A_7 : i32
    %scan3A_9 = arith.constant 1 : i32
    scf.for %scan3A_11 = %scan3A to %scan3A_8 step %scan3A_9  : i32 {
      %lt3A_12 = arith.cmpi slt, %scan3A_11, %add3A_4 : i32
      %convert_element_type3A_13 = arith.extui %lt3A_12 : i1 to i32
      %cond3A_14 = arith.constant 0 : i32
      %cond3A_15 = arith.cmpi ne, %convert_element_type3A_13, %cond3A_14 : i32
      scf.if %cond3A_15 {
        %mul3A_16 = arith.constant 32 : i32
        %mul3A_17 = arith.muli %scan3A_11, %mul3A_16 : i32
        %add3A_18 = arith.addi %add3A, %mul3A_17 : i32
        %mul3A_19 = arith.constant 256 : i32
        %mul3A_20 = arith.muli %add3A_18, %mul3A_19 : i32
        %multiple_of3A = tpu.assume_multiple %mul3A_20, 128 : i32
        "tpu.region"() ({
          %run_scoped3A = tpu.sem_alloc : memref<!tpu.dma_semaphore, #tpu.memory_space<semaphore_mem>>
          %dma_start3A_46 = tpu.memref_slice %arg4[%multiple_of3A] : memref<320000xi32, #tpu.memory_space<hbm>> -> memref<256xi32, #tpu.memory_space<hbm>>
          %dma_start3A_47 = tpu.memref_slice %arg4[%multiple_of3A] : memref<320000xi32, #tpu.memory_space<hbm>> -> memref<256xi32, #tpu.memory_space<hbm>>
          tpu.enqueue_dma source(%dma_start3A_47 : memref<256xi32, #tpu.memory_space<hbm>>) target(%arg8 : memref<256xi32, #tpu.memory_space<vmem>>) target_semaphore(%run_scoped3A : memref<!tpu.dma_semaphore, #tpu.memory_space<semaphore_mem>>)
          %dma_wait3A_48 = tpu.memref_slice %arg4[%multiple_of3A] : memref<320000xi32, #tpu.memory_space<hbm>> -> memref<256xi32, #tpu.memory_space<hbm>>
          %dma_wait3A_49 = tpu.memref_slice %arg4[%multiple_of3A] : memref<320000xi32, #tpu.memory_space<hbm>> -> memref<256xi32, #tpu.memory_space<hbm>>
          tpu.wait_dma2 semaphore(%run_scoped3A : memref<!tpu.dma_semaphore, #tpu.memory_space<semaphore_mem>>) src(%dma_wait3A_49 : memref<256xi32, #tpu.memory_space<hbm>>) dst(%arg8 : memref<256xi32, #tpu.memory_space<vmem>>)
          tpu.yield
        }) : () -> ()
        %dma_start3A = arith.constant 0 : i32
        %dma_start3A_21 = arith.constant 0 : i32
        %dma_start3A_22 = tpu.memref_slice %arg2[%dma_start3A, %dma_start3A_21] : memref<20000x128xf32, #tpu.memory_space<hbm>> -> memref<20000x128xf32, #tpu.memory_space<hbm>>
        tpu.enqueue_indirect_dma source(%dma_start3A_22 : memref<20000x128xf32, #tpu.memory_space<hbm>>) target(%arg10 : memref<256x128xf32, #tpu.memory_space<vmem>>) offsets(%arg8 : memref<256xi32, #tpu.memory_space<vmem>>) semaphore(%arg12 : memref<!tpu.dma_semaphore, #tpu.memory_space<semaphore_mem>>)
        %mul3A_23 = arith.constant 32 : i32
        %mul3A_24 = arith.muli %scan3A_11, %mul3A_23 : i32
        %add3A_25 = arith.addi %add3A, %mul3A_24 : i32
        %mul3A_26 = arith.constant 256 : i32
        %mul3A_27 = arith.muli %add3A_25, %mul3A_26 : i32
        %multiple_of3A_28 = tpu.assume_multiple %mul3A_27, 128 : i32
        %dma_wait3A = arith.constant 0 : i32
        %dma_wait3A_29 = arith.constant 0 : i32
        %dma_wait3A_30 = tpu.memref_slice %arg2[%dma_wait3A, %dma_wait3A_29] : memref<20000x128xf32, #tpu.memory_space<hbm>> -> memref<20000x128xf32, #tpu.memory_space<hbm>>
        tpu.wait_indirect_dma semaphore(%arg11 : memref<!tpu.dma_semaphore, #tpu.memory_space<semaphore_mem>>) src(%dma_wait3A_30 : memref<20000x128xf32, #tpu.memory_space<hbm>>) dst(%arg9 : memref<256x128xf32, #tpu.memory_space<vmem>>)
        "tpu.region"() ({
          %run_scoped3A = tpu.sem_alloc : memref<!tpu.dma_semaphore, #tpu.memory_space<semaphore_mem>>
          %dma_start3A_46 = arith.constant 0 : i32
          %dma_start3A_47 = tpu.memref_slice %arg5[%multiple_of3A_28, %dma_start3A_46] : memref<320000x128xf32, #tpu.memory_space<hbm>> -> memref<256x128xf32, #tpu.memory_space<hbm>>
          %dma_start3A_48 = arith.constant 0 : i32
          %dma_start3A_49 = tpu.memref_slice %arg5[%multiple_of3A_28, %dma_start3A_48] : memref<320000x128xf32, #tpu.memory_space<hbm>> -> memref<256x128xf32, #tpu.memory_space<hbm>>
          tpu.enqueue_dma source(%arg9 : memref<256x128xf32, #tpu.memory_space<vmem>>) target(%dma_start3A_49 : memref<256x128xf32, #tpu.memory_space<hbm>>) target_semaphore(%run_scoped3A : memref<!tpu.dma_semaphore, #tpu.memory_space<semaphore_mem>>)
          %dma_wait3A_50 = arith.constant 0 : i32
          %dma_wait3A_51 = tpu.memref_slice %arg5[%multiple_of3A_28, %dma_wait3A_50] : memref<320000x128xf32, #tpu.memory_space<hbm>> -> memref<256x128xf32, #tpu.memory_space<hbm>>
          %dma_wait3A_52 = arith.constant 0 : i32
          %dma_wait3A_53 = tpu.memref_slice %arg5[%multiple_of3A_28, %dma_wait3A_52] : memref<320000x128xf32, #tpu.memory_space<hbm>> -> memref<256x128xf32, #tpu.memory_space<hbm>>
          tpu.wait_dma2 semaphore(%run_scoped3A : memref<!tpu.dma_semaphore, #tpu.memory_space<semaphore_mem>>) src(%arg9 : memref<256x128xf32, #tpu.memory_space<vmem>>) dst(%dma_wait3A_53 : memref<256x128xf32, #tpu.memory_space<hbm>>)
          tpu.yield
        }) : () -> ()
        %add3A_31 = arith.constant 1 : i32
        %add3A_32 = arith.addi %scan3A_11, %add3A_31 : i32
        %lt3A_33 = arith.cmpi slt, %add3A_32, %add3A_4 : i32
        %convert_element_type3A_34 = arith.extui %lt3A_33 : i1 to i32
        %cond3A_35 = arith.constant 0 : i32
        %cond3A_36 = arith.cmpi ne, %convert_element_type3A_34, %cond3A_35 : i32
        scf.if %cond3A_36 {
          %add3A_46 = arith.constant 1 : i32
          %add3A_47 = arith.addi %scan3A_11, %add3A_46 : i32
          %mul3A_48 = arith.constant 32 : i32
          %mul3A_49 = arith.muli %add3A_47, %mul3A_48 : i32
          %add3A_50 = arith.addi %add3A, %mul3A_49 : i32
          %mul3A_51 = arith.constant 256 : i32
          %mul3A_52 = arith.muli %add3A_50, %mul3A_51 : i32
          %multiple_of3A_53 = tpu.assume_multiple %mul3A_52, 128 : i32
          "tpu.region"() ({
            %run_scoped3A = tpu.sem_alloc : memref<!tpu.dma_semaphore, #tpu.memory_space<semaphore_mem>>
            %dma_start3A_57 = tpu.memref_slice %arg3[%multiple_of3A_53] : memref<320000xi32, #tpu.memory_space<hbm>> -> memref<256xi32, #tpu.memory_space<hbm>>
            %dma_start3A_58 = tpu.memref_slice %arg3[%multiple_of3A_53] : memref<320000xi32, #tpu.memory_space<hbm>> -> memref<256xi32, #tpu.memory_space<hbm>>
            tpu.enqueue_dma source(%dma_start3A_58 : memref<256xi32, #tpu.memory_space<hbm>>) target(%arg7 : memref<256xi32, #tpu.memory_space<vmem>>) target_semaphore(%run_scoped3A : memref<!tpu.dma_semaphore, #tpu.memory_space<semaphore_mem>>)
            %dma_wait3A_59 = tpu.memref_slice %arg3[%multiple_of3A_53] : memref<320000xi32, #tpu.memory_space<hbm>> -> memref<256xi32, #tpu.memory_space<hbm>>
            %dma_wait3A_60 = tpu.memref_slice %arg3[%multiple_of3A_53] : memref<320000xi32, #tpu.memory_space<hbm>> -> memref<256xi32, #tpu.memory_space<hbm>>
            tpu.wait_dma2 semaphore(%run_scoped3A : memref<!tpu.dma_semaphore, #tpu.memory_space<semaphore_mem>>) src(%dma_wait3A_60 : memref<256xi32, #tpu.memory_space<hbm>>) dst(%arg7 : memref<256xi32, #tpu.memory_space<vmem>>)
            tpu.yield
          }) : () -> ()
          %dma_start3A_54 = arith.constant 0 : i32
          %dma_start3A_55 = arith.constant 0 : i32
          %dma_start3A_56 = tpu.memref_slice %arg2[%dma_start3A_54, %dma_start3A_55] : memref<20000x128xf32, #tpu.memory_space<hbm>> -> memref<20000x128xf32, #tpu.memory_space<hbm>>
          tpu.enqueue_indirect_dma source(%dma_start3A_56 : memref<20000x128xf32, #tpu.memory_space<hbm>>) target(%arg9 : memref<256x128xf32, #tpu.memory_space<vmem>>) offsets(%arg7 : memref<256xi32, #tpu.memory_space<vmem>>) semaphore(%arg11 : memref<!tpu.dma_semaphore, #tpu.memory_space<semaphore_mem>>)
        } else {
        }
        %mul3A_37 = arith.constant 32 : i32
        %mul3A_38 = arith.muli %scan3A_11, %mul3A_37 : i32
        %add3A_39 = arith.addi %add3A, %mul3A_38 : i32
        %mul3A_40 = arith.constant 256 : i32
        %mul3A_41 = arith.muli %add3A_39, %mul3A_40 : i32
        %multiple_of3A_42 = tpu.assume_multiple %mul3A_41, 128 : i32
        %dma_wait3A_43 = arith.constant 0 : i32
        %dma_wait3A_44 = arith.constant 0 : i32
        %dma_wait3A_45 = tpu.memref_slice %arg2[%dma_wait3A_43, %dma_wait3A_44] : memref<20000x128xf32, #tpu.memory_space<hbm>> -> memref<20000x128xf32, #tpu.memory_space<hbm>>
        tpu.wait_indirect_dma semaphore(%arg12 : memref<!tpu.dma_semaphore, #tpu.memory_space<semaphore_mem>>) src(%dma_wait3A_45 : memref<20000x128xf32, #tpu.memory_space<hbm>>) dst(%arg10 : memref<256x128xf32, #tpu.memory_space<vmem>>)
        "tpu.region"() ({
          %run_scoped3A = tpu.sem_alloc : memref<!tpu.dma_semaphore, #tpu.memory_space<semaphore_mem>>
          %dma_start3A_46 = arith.constant 0 : i32
          %dma_start3A_47 = tpu.memref_slice %arg6[%multiple_of3A_42, %dma_start3A_46] : memref<320000x128xf32, #tpu.memory_space<hbm>> -> memref<256x128xf32, #tpu.memory_space<hbm>>
          %dma_start3A_48 = arith.constant 0 : i32
          %dma_start3A_49 = tpu.memref_slice %arg6[%multiple_of3A_42, %dma_start3A_48] : memref<320000x128xf32, #tpu.memory_space<hbm>> -> memref<256x128xf32, #tpu.memory_space<hbm>>
          tpu.enqueue_dma source(%arg10 : memref<256x128xf32, #tpu.memory_space<vmem>>) target(%dma_start3A_49 : memref<256x128xf32, #tpu.memory_space<hbm>>) target_semaphore(%run_scoped3A : memref<!tpu.dma_semaphore, #tpu.memory_space<semaphore_mem>>)
          %dma_wait3A_50 = arith.constant 0 : i32
          %dma_wait3A_51 = tpu.memref_slice %arg6[%multiple_of3A_42, %dma_wait3A_50] : memref<320000x128xf32, #tpu.memory_space<hbm>> -> memref<256x128xf32, #tpu.memory_space<hbm>>
          %dma_wait3A_52 = arith.constant 0 : i32
          %dma_wait3A_53 = tpu.memref_slice %arg6[%multiple_of3A_42, %dma_wait3A_52] : memref<320000x128xf32, #tpu.memory_space<hbm>> -> memref<256x128xf32, #tpu.memory_space<hbm>>
          tpu.wait_dma2 semaphore(%run_scoped3A : memref<!tpu.dma_semaphore, #tpu.memory_space<semaphore_mem>>) src(%arg10 : memref<256x128xf32, #tpu.memory_space<vmem>>) dst(%dma_wait3A_53 : memref<256x128xf32, #tpu.memory_space<hbm>>)
          tpu.yield
        }) : () -> ()
      } else {
      }
    }
    %scan3A_10 = arith.constant 40 : i32
    return
  }
}

module attributes {stable_mosaic.version = 14 : i64} {
  func.func @_node_prep_body(%arg0: i32, %arg1: memref<4x400x8xf32, #tpu.memory_space<vmem>>, %arg2: memref<4x400x6xf32, #tpu.memory_space<vmem>>, %arg3: memref<14x64xf32, #tpu.memory_space<vmem>>, %arg4: memref<64xf32, #tpu.memory_space<vmem>>, %arg5: memref<64x32xf32, #tpu.memory_space<vmem>>, %arg6: memref<32xf32, #tpu.memory_space<vmem>>, %arg7: memref<32x32xf32, #tpu.memory_space<vmem>>, %arg8: memref<32xf32, #tpu.memory_space<vmem>>, %arg9: memref<2x400x128xf32, #tpu.memory_space<vmem>>) attributes {dimension_semantics = [#tpu.dimension_semantics<arbitrary>], iteration_bounds = array<i64: 25>, scalar_prefetch = 0 : i64, scratch_operands = 0 : i64, tpu.core_type = #tpu.core_type<tc>, window_params = [{transform_indices = @transform_0, window_bounds = array<i64: 4, 400, 8>}, {transform_indices = @transform_1, window_bounds = array<i64: 4, 400, 6>}, {pipeline_mode = #tpu.pipeline_mode<synchronous>, transform_indices = @transform_2, window_bounds = array<i64: 14, 64>}, {pipeline_mode = #tpu.pipeline_mode<synchronous>, transform_indices = @transform_3, window_bounds = array<i64: 64>}, {pipeline_mode = #tpu.pipeline_mode<synchronous>, transform_indices = @transform_4, window_bounds = array<i64: 64, 32>}, {pipeline_mode = #tpu.pipeline_mode<synchronous>, transform_indices = @transform_5, window_bounds = array<i64: 32>}, {pipeline_mode = #tpu.pipeline_mode<synchronous>, transform_indices = @transform_6, window_bounds = array<i64: 32, 32>}, {pipeline_mode = #tpu.pipeline_mode<synchronous>, transform_indices = @transform_7, window_bounds = array<i64: 32>}, {transform_indices = @transform_8, window_bounds = array<i64: 2, 400, 128>}]} {
    %broadcast_in_dim3A = arith.constant 0.000000e+00 : f32
    %broadcast_in_dim3A_0 = vector.broadcast %broadcast_in_dim3A : f32 to vector<400x2xf32>
    %get3A = arith.constant 0 : index
    %get3A_1 = arith.constant 0 : index
    %get3A_2 = arith.constant 0 : index
    %get3A_3 = vector.load %arg1[%get3A, %get3A_1, %get3A_2] : memref<4x400x8xf32, #tpu.memory_space<vmem>>, vector<1x400x8xf32>
    %get3A_4 = vector.shape_cast %get3A_3 : vector<1x400x8xf32> to vector<400x8xf32>
    %get3A_5 = arith.constant 0 : index
    %get3A_6 = arith.constant 0 : index
    %get3A_7 = arith.constant 0 : index
    %get3A_8 = vector.load %arg2[%get3A_5, %get3A_6, %get3A_7] : memref<4x400x6xf32, #tpu.memory_space<vmem>>, vector<1x400x6xf32>
    %get3A_9 = vector.shape_cast %get3A_8 : vector<1x400x6xf32> to vector<400x6xf32>
    %concatenate3A = tpu.concatenate %get3A_4, %get3A_9 in 1 : vector<400x8xf32>, vector<400x6xf32> -> vector<400x14xf32>
    %get3A_10 = arith.constant 0 : index
    %get3A_11 = arith.constant 0 : index
    %get3A_12 = vector.load %arg3[%get3A_10, %get3A_11] : memref<14x64xf32, #tpu.memory_space<vmem>>, vector<14x64xf32>
    %get3A_13 = arith.constant 0 : index
    %get3A_14 = vector.load %arg4[%get3A_13] : memref<64xf32, #tpu.memory_space<vmem>>, vector<64xf32>
    %get3A_15 = arith.constant 0 : index
    %get3A_16 = arith.constant 0 : index
    %get3A_17 = vector.load %arg5[%get3A_15, %get3A_16] : memref<64x32xf32, #tpu.memory_space<vmem>>, vector<64x32xf32>
    %get3A_18 = arith.constant 0 : index
    %get3A_19 = vector.load %arg6[%get3A_18] : memref<32xf32, #tpu.memory_space<vmem>>, vector<32xf32>
    %get3A_20 = arith.constant 0 : index
    %get3A_21 = arith.constant 0 : index
    %get3A_22 = vector.load %arg7[%get3A_20, %get3A_21] : memref<32x32xf32, #tpu.memory_space<vmem>>, vector<32x32xf32>
    %get3A_23 = arith.constant 0 : index
    %get3A_24 = vector.load %arg8[%get3A_23] : memref<32xf32, #tpu.memory_space<vmem>>, vector<32xf32>
    %dot_general3A = arith.constant dense<0.000000e+00> : vector<400x64xf32>
    %dot_general3A_25 = tpu.matmul %concatenate3A, %get3A_12, %dot_general3A {dimension_numbers = #tpu.dot_dimension_numbers<[1], [0], [0], [1], [0, 0, 1, 1], [], []>, transpose_lhs_hint = false} : vector<400x14xf32>, vector<14x64xf32>, vector<400x64xf32> -> vector<400x64xf32>
    %broadcast_in_dim3A_26 = vector.shape_cast %get3A_14 : vector<64xf32> to vector<1x64xf32>
    %add3A = vector.broadcast %broadcast_in_dim3A_26 : vector<1x64xf32> to vector<400x64xf32>
    %add3A_27 = arith.addf %dot_general3A_25, %add3A : vector<400x64xf32>
    %mul3A = arith.constant -1.44269502 : f32
    %mul3A_28 = vector.broadcast %mul3A : f32 to vector<400x64xf32>
    %mul3A_29 = arith.mulf %add3A_27, %mul3A_28 : vector<400x64xf32>
    %exp23A = math.exp2 %mul3A_29 : vector<400x64xf32>
    %add3A_30 = arith.constant 1.000000e+00 : f32
    %add3A_31 = vector.broadcast %add3A_30 : f32 to vector<400x64xf32>
    %add3A_32 = arith.addf %add3A_31, %exp23A : vector<400x64xf32>
    %reciprocal3A = tpu.reciprocal %add3A_32 {approx = true} : vector<400x64xf32> -> vector<400x64xf32>
    %mul3A_33 = arith.mulf %add3A_27, %reciprocal3A : vector<400x64xf32>
    %dot_general3A_34 = arith.constant dense<0.000000e+00> : vector<400x32xf32>
    %dot_general3A_35 = tpu.matmul %mul3A_33, %get3A_17, %dot_general3A_34 {dimension_numbers = #tpu.dot_dimension_numbers<[1], [0], [0], [1], [0, 0, 1, 1], [], []>, transpose_lhs_hint = false} : vector<400x64xf32>, vector<64x32xf32>, vector<400x32xf32> -> vector<400x32xf32>
    %broadcast_in_dim3A_36 = vector.shape_cast %get3A_19 : vector<32xf32> to vector<1x32xf32>
    %add3A_37 = vector.broadcast %broadcast_in_dim3A_36 : vector<1x32xf32> to vector<400x32xf32>
    %add3A_38 = arith.addf %dot_general3A_35, %add3A_37 : vector<400x32xf32>
    %mul3A_39 = arith.constant -1.44269502 : f32
    %mul3A_40 = vector.broadcast %mul3A_39 : f32 to vector<400x32xf32>
    %mul3A_41 = arith.mulf %add3A_38, %mul3A_40 : vector<400x32xf32>
    %exp23A_42 = math.exp2 %mul3A_41 : vector<400x32xf32>
    %add3A_43 = arith.constant 1.000000e+00 : f32
    %add3A_44 = vector.broadcast %add3A_43 : f32 to vector<400x32xf32>
    %add3A_45 = arith.addf %add3A_44, %exp23A_42 : vector<400x32xf32>
    %reciprocal3A_46 = tpu.reciprocal %add3A_45 {approx = true} : vector<400x32xf32> -> vector<400x32xf32>
    %mul3A_47 = arith.mulf %add3A_38, %reciprocal3A_46 : vector<400x32xf32>
    %dot_general3A_48 = arith.constant dense<0.000000e+00> : vector<400x32xf32>
    %dot_general3A_49 = tpu.matmul %mul3A_47, %get3A_22, %dot_general3A_48 {dimension_numbers = #tpu.dot_dimension_numbers<[1], [0], [0], [1], [0, 0, 1, 1], [], []>, transpose_lhs_hint = false} : vector<400x32xf32>, vector<32x32xf32>, vector<400x32xf32> -> vector<400x32xf32>
    %broadcast_in_dim3A_50 = vector.shape_cast %get3A_24 : vector<32xf32> to vector<1x32xf32>
    %add3A_51 = vector.broadcast %broadcast_in_dim3A_50 : vector<1x32xf32> to vector<400x32xf32>
    %add3A_52 = arith.addf %dot_general3A_49, %add3A_51 : vector<400x32xf32>
    %slice3A = vector.extract_strided_slice %add3A_52 {offsets = [0, 0], sizes = [400, 8], strides = [1, 1]} : vector<400x32xf32> to vector<400x8xf32>
    %slice3A_53 = vector.extract_strided_slice %add3A_52 {offsets = [0, 8], sizes = [400, 8], strides = [1, 1]} : vector<400x32xf32> to vector<400x8xf32>
    %slice3A_54 = vector.extract_strided_slice %add3A_52 {offsets = [0, 16], sizes = [400, 8], strides = [1, 1]} : vector<400x32xf32> to vector<400x8xf32>
    %slice3A_55 = vector.extract_strided_slice %add3A_52 {offsets = [0, 24], sizes = [400, 8], strides = [1, 1]} : vector<400x32xf32> to vector<400x8xf32>
    %concatenate3A_56 = tpu.concatenate %concatenate3A, %slice3A_53, %slice3A, %broadcast_in_dim3A_0 in 1 : vector<400x14xf32>, vector<400x8xf32>, vector<400x8xf32>, vector<400x2xf32> -> vector<400x32xf32>
    %concatenate3A_57 = tpu.concatenate %concatenate3A, %slice3A_54, %slice3A_55, %broadcast_in_dim3A_0 in 1 : vector<400x14xf32>, vector<400x8xf32>, vector<400x8xf32>, vector<400x2xf32> -> vector<400x32xf32>
    %get3A_58 = arith.constant 1 : index
    %get3A_59 = arith.constant 0 : index
    %get3A_60 = arith.constant 0 : index
    %get3A_61 = vector.load %arg1[%get3A_58, %get3A_59, %get3A_60] : memref<4x400x8xf32, #tpu.memory_space<vmem>>, vector<1x400x8xf32>
    %get3A_62 = vector.shape_cast %get3A_61 : vector<1x400x8xf32> to vector<400x8xf32>
    %get3A_63 = arith.constant 1 : index
    %get3A_64 = arith.constant 0 : index
    %get3A_65 = arith.constant 0 : index
    %get3A_66 = vector.load %arg2[%get3A_63, %get3A_64, %get3A_65] : memref<4x400x6xf32, #tpu.memory_space<vmem>>, vector<1x400x6xf32>
    %get3A_67 = vector.shape_cast %get3A_66 : vector<1x400x6xf32> to vector<400x6xf32>
    %concatenate3A_68 = tpu.concatenate %get3A_62, %get3A_67 in 1 : vector<400x8xf32>, vector<400x6xf32> -> vector<400x14xf32>
    %get3A_69 = arith.constant 0 : index
    %get3A_70 = arith.constant 0 : index
    %get3A_71 = vector.load %arg3[%get3A_69, %get3A_70] : memref<14x64xf32, #tpu.memory_space<vmem>>, vector<14x64xf32>
    %get3A_72 = arith.constant 0 : index
    %get3A_73 = vector.load %arg4[%get3A_72] : memref<64xf32, #tpu.memory_space<vmem>>, vector<64xf32>
    %get3A_74 = arith.constant 0 : index
    %get3A_75 = arith.constant 0 : index
    %get3A_76 = vector.load %arg5[%get3A_74, %get3A_75] : memref<64x32xf32, #tpu.memory_space<vmem>>, vector<64x32xf32>
    %get3A_77 = arith.constant 0 : index
    %get3A_78 = vector.load %arg6[%get3A_77] : memref<32xf32, #tpu.memory_space<vmem>>, vector<32xf32>
    %get3A_79 = arith.constant 0 : index
    %get3A_80 = arith.constant 0 : index
    %get3A_81 = vector.load %arg7[%get3A_79, %get3A_80] : memref<32x32xf32, #tpu.memory_space<vmem>>, vector<32x32xf32>
    %get3A_82 = arith.constant 0 : index
    %get3A_83 = vector.load %arg8[%get3A_82] : memref<32xf32, #tpu.memory_space<vmem>>, vector<32xf32>
    %dot_general3A_84 = arith.constant dense<0.000000e+00> : vector<400x64xf32>
    %dot_general3A_85 = tpu.matmul %concatenate3A_68, %get3A_71, %dot_general3A_84 {dimension_numbers = #tpu.dot_dimension_numbers<[1], [0], [0], [1], [0, 0, 1, 1], [], []>, transpose_lhs_hint = false} : vector<400x14xf32>, vector<14x64xf32>, vector<400x64xf32> -> vector<400x64xf32>
    %broadcast_in_dim3A_86 = vector.shape_cast %get3A_73 : vector<64xf32> to vector<1x64xf32>
    %add3A_87 = vector.broadcast %broadcast_in_dim3A_86 : vector<1x64xf32> to vector<400x64xf32>
    %add3A_88 = arith.addf %dot_general3A_85, %add3A_87 : vector<400x64xf32>
    %mul3A_89 = arith.constant -1.44269502 : f32
    %mul3A_90 = vector.broadcast %mul3A_89 : f32 to vector<400x64xf32>
    %mul3A_91 = arith.mulf %add3A_88, %mul3A_90 : vector<400x64xf32>
    %exp23A_92 = math.exp2 %mul3A_91 : vector<400x64xf32>
    %add3A_93 = arith.constant 1.000000e+00 : f32
    %add3A_94 = vector.broadcast %add3A_93 : f32 to vector<400x64xf32>
    %add3A_95 = arith.addf %add3A_94, %exp23A_92 : vector<400x64xf32>
    %reciprocal3A_96 = tpu.reciprocal %add3A_95 {approx = true} : vector<400x64xf32> -> vector<400x64xf32>
    %mul3A_97 = arith.mulf %add3A_88, %reciprocal3A_96 : vector<400x64xf32>
    %dot_general3A_98 = arith.constant dense<0.000000e+00> : vector<400x32xf32>
    %dot_general3A_99 = tpu.matmul %mul3A_97, %get3A_76, %dot_general3A_98 {dimension_numbers = #tpu.dot_dimension_numbers<[1], [0], [0], [1], [0, 0, 1, 1], [], []>, transpose_lhs_hint = false} : vector<400x64xf32>, vector<64x32xf32>, vector<400x32xf32> -> vector<400x32xf32>
    %broadcast_in_dim3A_100 = vector.shape_cast %get3A_78 : vector<32xf32> to vector<1x32xf32>
    %add3A_101 = vector.broadcast %broadcast_in_dim3A_100 : vector<1x32xf32> to vector<400x32xf32>
    %add3A_102 = arith.addf %dot_general3A_99, %add3A_101 : vector<400x32xf32>
    %mul3A_103 = arith.constant -1.44269502 : f32
    %mul3A_104 = vector.broadcast %mul3A_103 : f32 to vector<400x32xf32>
    %mul3A_105 = arith.mulf %add3A_102, %mul3A_104 : vector<400x32xf32>
    %exp23A_106 = math.exp2 %mul3A_105 : vector<400x32xf32>
    %add3A_107 = arith.constant 1.000000e+00 : f32
    %add3A_108 = vector.broadcast %add3A_107 : f32 to vector<400x32xf32>
    %add3A_109 = arith.addf %add3A_108, %exp23A_106 : vector<400x32xf32>
    %reciprocal3A_110 = tpu.reciprocal %add3A_109 {approx = true} : vector<400x32xf32> -> vector<400x32xf32>
    %mul3A_111 = arith.mulf %add3A_102, %reciprocal3A_110 : vector<400x32xf32>
    %dot_general3A_112 = arith.constant dense<0.000000e+00> : vector<400x32xf32>
    %dot_general3A_113 = tpu.matmul %mul3A_111, %get3A_81, %dot_general3A_112 {dimension_numbers = #tpu.dot_dimension_numbers<[1], [0], [0], [1], [0, 0, 1, 1], [], []>, transpose_lhs_hint = false} : vector<400x32xf32>, vector<32x32xf32>, vector<400x32xf32> -> vector<400x32xf32>
    %broadcast_in_dim3A_114 = vector.shape_cast %get3A_83 : vector<32xf32> to vector<1x32xf32>
    %add3A_115 = vector.broadcast %broadcast_in_dim3A_114 : vector<1x32xf32> to vector<400x32xf32>
    %add3A_116 = arith.addf %dot_general3A_113, %add3A_115 : vector<400x32xf32>
    %slice3A_117 = vector.extract_strided_slice %add3A_116 {offsets = [0, 0], sizes = [400, 8], strides = [1, 1]} : vector<400x32xf32> to vector<400x8xf32>
    %slice3A_118 = vector.extract_strided_slice %add3A_116 {offsets = [0, 8], sizes = [400, 8], strides = [1, 1]} : vector<400x32xf32> to vector<400x8xf32>
    %slice3A_119 = vector.extract_strided_slice %add3A_116 {offsets = [0, 16], sizes = [400, 8], strides = [1, 1]} : vector<400x32xf32> to vector<400x8xf32>
    %slice3A_120 = vector.extract_strided_slice %add3A_116 {offsets = [0, 24], sizes = [400, 8], strides = [1, 1]} : vector<400x32xf32> to vector<400x8xf32>
    %concatenate3A_121 = tpu.concatenate %concatenate3A_68, %slice3A_118, %slice3A_117, %broadcast_in_dim3A_0 in 1 : vector<400x14xf32>, vector<400x8xf32>, vector<400x8xf32>, vector<400x2xf32> -> vector<400x32xf32>
    %concatenate3A_122 = tpu.concatenate %concatenate3A_68, %slice3A_119, %slice3A_120, %broadcast_in_dim3A_0 in 1 : vector<400x14xf32>, vector<400x8xf32>, vector<400x8xf32>, vector<400x2xf32> -> vector<400x32xf32>
    %get3A_123 = arith.constant 2 : index
    %get3A_124 = arith.constant 0 : index
    %get3A_125 = arith.constant 0 : index
    %get3A_126 = vector.load %arg1[%get3A_123, %get3A_124, %get3A_125] : memref<4x400x8xf32, #tpu.memory_space<vmem>>, vector<1x400x8xf32>
    %get3A_127 = vector.shape_cast %get3A_126 : vector<1x400x8xf32> to vector<400x8xf32>
    %get3A_128 = arith.constant 2 : index
    %get3A_129 = arith.constant 0 : index
    %get3A_130 = arith.constant 0 : index
    %get3A_131 = vector.load %arg2[%get3A_128, %get3A_129, %get3A_130] : memref<4x400x6xf32, #tpu.memory_space<vmem>>, vector<1x400x6xf32>
    %get3A_132 = vector.shape_cast %get3A_131 : vector<1x400x6xf32> to vector<400x6xf32>
    %concatenate3A_133 = tpu.concatenate %get3A_127, %get3A_132 in 1 : vector<400x8xf32>, vector<400x6xf32> -> vector<400x14xf32>
    %get3A_134 = arith.constant 0 : index
    %get3A_135 = arith.constant 0 : index
    %get3A_136 = vector.load %arg3[%get3A_134, %get3A_135] : memref<14x64xf32, #tpu.memory_space<vmem>>, vector<14x64xf32>
    %get3A_137 = arith.constant 0 : index
    %get3A_138 = vector.load %arg4[%get3A_137] : memref<64xf32, #tpu.memory_space<vmem>>, vector<64xf32>
    %get3A_139 = arith.constant 0 : index
    %get3A_140 = arith.constant 0 : index
    %get3A_141 = vector.load %arg5[%get3A_139, %get3A_140] : memref<64x32xf32, #tpu.memory_space<vmem>>, vector<64x32xf32>
    %get3A_142 = arith.constant 0 : index
    %get3A_143 = vector.load %arg6[%get3A_142] : memref<32xf32, #tpu.memory_space<vmem>>, vector<32xf32>
    %get3A_144 = arith.constant 0 : index
    %get3A_145 = arith.constant 0 : index
    %get3A_146 = vector.load %arg7[%get3A_144, %get3A_145] : memref<32x32xf32, #tpu.memory_space<vmem>>, vector<32x32xf32>
    %get3A_147 = arith.constant 0 : index
    %get3A_148 = vector.load %arg8[%get3A_147] : memref<32xf32, #tpu.memory_space<vmem>>, vector<32xf32>
    %dot_general3A_149 = arith.constant dense<0.000000e+00> : vector<400x64xf32>
    %dot_general3A_150 = tpu.matmul %concatenate3A_133, %get3A_136, %dot_general3A_149 {dimension_numbers = #tpu.dot_dimension_numbers<[1], [0], [0], [1], [0, 0, 1, 1], [], []>, transpose_lhs_hint = false} : vector<400x14xf32>, vector<14x64xf32>, vector<400x64xf32> -> vector<400x64xf32>
    %broadcast_in_dim3A_151 = vector.shape_cast %get3A_138 : vector<64xf32> to vector<1x64xf32>
    %add3A_152 = vector.broadcast %broadcast_in_dim3A_151 : vector<1x64xf32> to vector<400x64xf32>
    %add3A_153 = arith.addf %dot_general3A_150, %add3A_152 : vector<400x64xf32>
    %mul3A_154 = arith.constant -1.44269502 : f32
    %mul3A_155 = vector.broadcast %mul3A_154 : f32 to vector<400x64xf32>
    %mul3A_156 = arith.mulf %add3A_153, %mul3A_155 : vector<400x64xf32>
    %exp23A_157 = math.exp2 %mul3A_156 : vector<400x64xf32>
    %add3A_158 = arith.constant 1.000000e+00 : f32
    %add3A_159 = vector.broadcast %add3A_158 : f32 to vector<400x64xf32>
    %add3A_160 = arith.addf %add3A_159, %exp23A_157 : vector<400x64xf32>
    %reciprocal3A_161 = tpu.reciprocal %add3A_160 {approx = true} : vector<400x64xf32> -> vector<400x64xf32>
    %mul3A_162 = arith.mulf %add3A_153, %reciprocal3A_161 : vector<400x64xf32>
    %dot_general3A_163 = arith.constant dense<0.000000e+00> : vector<400x32xf32>
    %dot_general3A_164 = tpu.matmul %mul3A_162, %get3A_141, %dot_general3A_163 {dimension_numbers = #tpu.dot_dimension_numbers<[1], [0], [0], [1], [0, 0, 1, 1], [], []>, transpose_lhs_hint = false} : vector<400x64xf32>, vector<64x32xf32>, vector<400x32xf32> -> vector<400x32xf32>
    %broadcast_in_dim3A_165 = vector.shape_cast %get3A_143 : vector<32xf32> to vector<1x32xf32>
    %add3A_166 = vector.broadcast %broadcast_in_dim3A_165 : vector<1x32xf32> to vector<400x32xf32>
    %add3A_167 = arith.addf %dot_general3A_164, %add3A_166 : vector<400x32xf32>
    %mul3A_168 = arith.constant -1.44269502 : f32
    %mul3A_169 = vector.broadcast %mul3A_168 : f32 to vector<400x32xf32>
    %mul3A_170 = arith.mulf %add3A_167, %mul3A_169 : vector<400x32xf32>
    %exp23A_171 = math.exp2 %mul3A_170 : vector<400x32xf32>
    %add3A_172 = arith.constant 1.000000e+00 : f32
    %add3A_173 = vector.broadcast %add3A_172 : f32 to vector<400x32xf32>
    %add3A_174 = arith.addf %add3A_173, %exp23A_171 : vector<400x32xf32>
    %reciprocal3A_175 = tpu.reciprocal %add3A_174 {approx = true} : vector<400x32xf32> -> vector<400x32xf32>
    %mul3A_176 = arith.mulf %add3A_167, %reciprocal3A_175 : vector<400x32xf32>
    %dot_general3A_177 = arith.constant dense<0.000000e+00> : vector<400x32xf32>
    %dot_general3A_178 = tpu.matmul %mul3A_176, %get3A_146, %dot_general3A_177 {dimension_numbers = #tpu.dot_dimension_numbers<[1], [0], [0], [1], [0, 0, 1, 1], [], []>, transpose_lhs_hint = false} : vector<400x32xf32>, vector<32x32xf32>, vector<400x32xf32> -> vector<400x32xf32>
    %broadcast_in_dim3A_179 = vector.shape_cast %get3A_148 : vector<32xf32> to vector<1x32xf32>
    %add3A_180 = vector.broadcast %broadcast_in_dim3A_179 : vector<1x32xf32> to vector<400x32xf32>
    %add3A_181 = arith.addf %dot_general3A_178, %add3A_180 : vector<400x32xf32>
    %slice3A_182 = vector.extract_strided_slice %add3A_181 {offsets = [0, 0], sizes = [400, 8], strides = [1, 1]} : vector<400x32xf32> to vector<400x8xf32>
    %slice3A_183 = vector.extract_strided_slice %add3A_181 {offsets = [0, 8], sizes = [400, 8], strides = [1, 1]} : vector<400x32xf32> to vector<400x8xf32>
    %slice3A_184 = vector.extract_strided_slice %add3A_181 {offsets = [0, 16], sizes = [400, 8], strides = [1, 1]} : vector<400x32xf32> to vector<400x8xf32>
    %slice3A_185 = vector.extract_strided_slice %add3A_181 {offsets = [0, 24], sizes = [400, 8], strides = [1, 1]} : vector<400x32xf32> to vector<400x8xf32>
    %concatenate3A_186 = tpu.concatenate %concatenate3A_133, %slice3A_183, %slice3A_182, %broadcast_in_dim3A_0 in 1 : vector<400x14xf32>, vector<400x8xf32>, vector<400x8xf32>, vector<400x2xf32> -> vector<400x32xf32>
    %concatenate3A_187 = tpu.concatenate %concatenate3A_133, %slice3A_184, %slice3A_185, %broadcast_in_dim3A_0 in 1 : vector<400x14xf32>, vector<400x8xf32>, vector<400x8xf32>, vector<400x2xf32> -> vector<400x32xf32>
    %get3A_188 = arith.constant 3 : index
    %get3A_189 = arith.constant 0 : index
    %get3A_190 = arith.constant 0 : index
    %get3A_191 = vector.load %arg1[%get3A_188, %get3A_189, %get3A_190] : memref<4x400x8xf32, #tpu.memory_space<vmem>>, vector<1x400x8xf32>
    %get3A_192 = vector.shape_cast %get3A_191 : vector<1x400x8xf32> to vector<400x8xf32>
    %get3A_193 = arith.constant 3 : index
    %get3A_194 = arith.constant 0 : index
    %get3A_195 = arith.constant 0 : index
    %get3A_196 = vector.load %arg2[%get3A_193, %get3A_194, %get3A_195] : memref<4x400x6xf32, #tpu.memory_space<vmem>>, vector<1x400x6xf32>
    %get3A_197 = vector.shape_cast %get3A_196 : vector<1x400x6xf32> to vector<400x6xf32>
    %concatenate3A_198 = tpu.concatenate %get3A_192, %get3A_197 in 1 : vector<400x8xf32>, vector<400x6xf32> -> vector<400x14xf32>
    %get3A_199 = arith.constant 0 : index
    %get3A_200 = arith.constant 0 : index
    %get3A_201 = vector.load %arg3[%get3A_199, %get3A_200] : memref<14x64xf32, #tpu.memory_space<vmem>>, vector<14x64xf32>
    %get3A_202 = arith.constant 0 : index
    %get3A_203 = vector.load %arg4[%get3A_202] : memref<64xf32, #tpu.memory_space<vmem>>, vector<64xf32>
    %get3A_204 = arith.constant 0 : index
    %get3A_205 = arith.constant 0 : index
    %get3A_206 = vector.load %arg5[%get3A_204, %get3A_205] : memref<64x32xf32, #tpu.memory_space<vmem>>, vector<64x32xf32>
    %get3A_207 = arith.constant 0 : index
    %get3A_208 = vector.load %arg6[%get3A_207] : memref<32xf32, #tpu.memory_space<vmem>>, vector<32xf32>
    %get3A_209 = arith.constant 0 : index
    %get3A_210 = arith.constant 0 : index
    %get3A_211 = vector.load %arg7[%get3A_209, %get3A_210] : memref<32x32xf32, #tpu.memory_space<vmem>>, vector<32x32xf32>
    %get3A_212 = arith.constant 0 : index
    %get3A_213 = vector.load %arg8[%get3A_212] : memref<32xf32, #tpu.memory_space<vmem>>, vector<32xf32>
    %dot_general3A_214 = arith.constant dense<0.000000e+00> : vector<400x64xf32>
    %dot_general3A_215 = tpu.matmul %concatenate3A_198, %get3A_201, %dot_general3A_214 {dimension_numbers = #tpu.dot_dimension_numbers<[1], [0], [0], [1], [0, 0, 1, 1], [], []>, transpose_lhs_hint = false} : vector<400x14xf32>, vector<14x64xf32>, vector<400x64xf32> -> vector<400x64xf32>
    %broadcast_in_dim3A_216 = vector.shape_cast %get3A_203 : vector<64xf32> to vector<1x64xf32>
    %add3A_217 = vector.broadcast %broadcast_in_dim3A_216 : vector<1x64xf32> to vector<400x64xf32>
    %add3A_218 = arith.addf %dot_general3A_215, %add3A_217 : vector<400x64xf32>
    %mul3A_219 = arith.constant -1.44269502 : f32
    %mul3A_220 = vector.broadcast %mul3A_219 : f32 to vector<400x64xf32>
    %mul3A_221 = arith.mulf %add3A_218, %mul3A_220 : vector<400x64xf32>
    %exp23A_222 = math.exp2 %mul3A_221 : vector<400x64xf32>
    %add3A_223 = arith.constant 1.000000e+00 : f32
    %add3A_224 = vector.broadcast %add3A_223 : f32 to vector<400x64xf32>
    %add3A_225 = arith.addf %add3A_224, %exp23A_222 : vector<400x64xf32>
    %reciprocal3A_226 = tpu.reciprocal %add3A_225 {approx = true} : vector<400x64xf32> -> vector<400x64xf32>
    %mul3A_227 = arith.mulf %add3A_218, %reciprocal3A_226 : vector<400x64xf32>
    %dot_general3A_228 = arith.constant dense<0.000000e+00> : vector<400x32xf32>
    %dot_general3A_229 = tpu.matmul %mul3A_227, %get3A_206, %dot_general3A_228 {dimension_numbers = #tpu.dot_dimension_numbers<[1], [0], [0], [1], [0, 0, 1, 1], [], []>, transpose_lhs_hint = false} : vector<400x64xf32>, vector<64x32xf32>, vector<400x32xf32> -> vector<400x32xf32>
    %broadcast_in_dim3A_230 = vector.shape_cast %get3A_208 : vector<32xf32> to vector<1x32xf32>
    %add3A_231 = vector.broadcast %broadcast_in_dim3A_230 : vector<1x32xf32> to vector<400x32xf32>
    %add3A_232 = arith.addf %dot_general3A_229, %add3A_231 : vector<400x32xf32>
    %mul3A_233 = arith.constant -1.44269502 : f32
    %mul3A_234 = vector.broadcast %mul3A_233 : f32 to vector<400x32xf32>
    %mul3A_235 = arith.mulf %add3A_232, %mul3A_234 : vector<400x32xf32>
    %exp23A_236 = math.exp2 %mul3A_235 : vector<400x32xf32>
    %add3A_237 = arith.constant 1.000000e+00 : f32
    %add3A_238 = vector.broadcast %add3A_237 : f32 to vector<400x32xf32>
    %add3A_239 = arith.addf %add3A_238, %exp23A_236 : vector<400x32xf32>
    %reciprocal3A_240 = tpu.reciprocal %add3A_239 {approx = true} : vector<400x32xf32> -> vector<400x32xf32>
    %mul3A_241 = arith.mulf %add3A_232, %reciprocal3A_240 : vector<400x32xf32>
    %dot_general3A_242 = arith.constant dense<0.000000e+00> : vector<400x32xf32>
    %dot_general3A_243 = tpu.matmul %mul3A_241, %get3A_211, %dot_general3A_242 {dimension_numbers = #tpu.dot_dimension_numbers<[1], [0], [0], [1], [0, 0, 1, 1], [], []>, transpose_lhs_hint = false} : vector<400x32xf32>, vector<32x32xf32>, vector<400x32xf32> -> vector<400x32xf32>
    %broadcast_in_dim3A_244 = vector.shape_cast %get3A_213 : vector<32xf32> to vector<1x32xf32>
    %add3A_245 = vector.broadcast %broadcast_in_dim3A_244 : vector<1x32xf32> to vector<400x32xf32>
    %add3A_246 = arith.addf %dot_general3A_243, %add3A_245 : vector<400x32xf32>
    %slice3A_247 = vector.extract_strided_slice %add3A_246 {offsets = [0, 0], sizes = [400, 8], strides = [1, 1]} : vector<400x32xf32> to vector<400x8xf32>
    %slice3A_248 = vector.extract_strided_slice %add3A_246 {offsets = [0, 8], sizes = [400, 8], strides = [1, 1]} : vector<400x32xf32> to vector<400x8xf32>
    %slice3A_249 = vector.extract_strided_slice %add3A_246 {offsets = [0, 16], sizes = [400, 8], strides = [1, 1]} : vector<400x32xf32> to vector<400x8xf32>
    %slice3A_250 = vector.extract_strided_slice %add3A_246 {offsets = [0, 24], sizes = [400, 8], strides = [1, 1]} : vector<400x32xf32> to vector<400x8xf32>
    %concatenate3A_251 = tpu.concatenate %concatenate3A_198, %slice3A_248, %slice3A_247, %broadcast_in_dim3A_0 in 1 : vector<400x14xf32>, vector<400x8xf32>, vector<400x8xf32>, vector<400x2xf32> -> vector<400x32xf32>
    %concatenate3A_252 = tpu.concatenate %concatenate3A_198, %slice3A_249, %slice3A_250, %broadcast_in_dim3A_0 in 1 : vector<400x14xf32>, vector<400x8xf32>, vector<400x8xf32>, vector<400x2xf32> -> vector<400x32xf32>
    %concatenate3A_253 = tpu.concatenate %concatenate3A_56, %concatenate3A_121, %concatenate3A_186, %concatenate3A_251 in 1 : vector<400x32xf32>, vector<400x32xf32>, vector<400x32xf32>, vector<400x32xf32> -> vector<400x128xf32>
    %concatenate3A_254 = tpu.concatenate %concatenate3A_57, %concatenate3A_122, %concatenate3A_187, %concatenate3A_252 in 1 : vector<400x32xf32>, vector<400x32xf32>, vector<400x32xf32>, vector<400x32xf32> -> vector<400x128xf32>
    %stack3A = vector.shape_cast %concatenate3A_253 : vector<400x128xf32> to vector<1x400x128xf32>
    %stack3A_255 = vector.shape_cast %concatenate3A_254 : vector<400x128xf32> to vector<1x400x128xf32>
    %stack3A_256 = tpu.concatenate %stack3A, %stack3A_255 in 0 : vector<1x400x128xf32>, vector<1x400x128xf32> -> vector<2x400x128xf32>
    %swap3A = arith.constant 0 : index
    %swap3A_257 = arith.constant 0 : index
    %swap3A_258 = arith.constant 0 : index
    %swap3A_259 = vector.load %arg9[%swap3A, %swap3A_257, %swap3A_258] : memref<2x400x128xf32, #tpu.memory_space<vmem>>, vector<2x400x128xf32>
    tpu.vector_store %arg9[%swap3A, %swap3A_257, %swap3A_258], %stack3A_256 {strides = array<i32>} : memref<2x400x128xf32, #tpu.memory_space<vmem>>, vector<2x400x128xf32>,
    return
  }
  func.func @transform_0(%arg0: i32) -> (i32, i32, i32) {
    %c0_i32 = arith.constant 0 : i32
    %c0_i32_0 = arith.constant 0 : i32
    %c0_i32_1 = arith.constant 0 : i32
    return %c0_i32, %arg0, %c0_i32_0 : i32, i32, i32
  }
  func.func @transform_1(%arg0: i32) -> (i32, i32, i32) {
    %c0_i32 = arith.constant 0 : i32
    %c0_i32_0 = arith.constant 0 : i32
    %c0_i32_1 = arith.constant 0 : i32
    return %c0_i32, %arg0, %c0_i32_0 : i32, i32, i32
  }
  func.func @transform_2(%arg0: i32) -> (i32, i32) {
    %c0_i32 = arith.constant 0 : i32
    %c0_i32_0 = arith.constant 0 : i32
    %c0_i32_1 = arith.constant 0 : i32
    return %c0_i32, %c0_i32_0 : i32, i32
  }
  func.func @transform_3(%arg0: i32) -> i32 {
    %c0_i32 = arith.constant 0 : i32
    %c0_i32_0 = arith.constant 0 : i32
    return %c0_i32 : i32
  }
  func.func @transform_4(%arg0: i32) -> (i32, i32) {
    %c0_i32 = arith.constant 0 : i32
    %c0_i32_0 = arith.constant 0 : i32
    %c0_i32_1 = arith.constant 0 : i32
    return %c0_i32, %c0_i32_0 : i32, i32
  }
  func.func @transform_5(%arg0: i32) -> i32 {
    %c0_i32 = arith.constant 0 : i32
    %c0_i32_0 = arith.constant 0 : i32
    return %c0_i32 : i32
  }
  func.func @transform_6(%arg0: i32) -> (i32, i32) {
    %c0_i32 = arith.constant 0 : i32
    %c0_i32_0 = arith.constant 0 : i32
    %c0_i32_1 = arith.constant 0 : i32
    return %c0_i32, %c0_i32_0 : i32, i32
  }
  func.func @transform_7(%arg0: i32) -> i32 {
    %c0_i32 = arith.constant 0 : i32
    %c0_i32_0 = arith.constant 0 : i32
    return %c0_i32 : i32
  }
  func.func @transform_8(%arg0: i32) -> (i32, i32, i32) {
    %c0_i32 = arith.constant 0 : i32
    %c0_i32_0 = arith.constant 0 : i32
    %c0_i32_1 = arith.constant 0 : i32
    return %c0_i32, %arg0, %c0_i32_0 : i32, i32, i32
  }
}

module attributes {stable_mosaic.version = 14 : i64} {
  func.func @_edge_body(%arg0: i32, %arg1: memref<2560x128xf32, #tpu.memory_space<vmem>>, %arg2: memref<2560x128xf32, #tpu.memory_space<vmem>>, %arg3: memref<4x2560x8xf32, #tpu.memory_space<vmem>>, %arg4: memref<64x32xf32, #tpu.memory_space<vmem>>, %arg5: memref<64x32xf32, #tpu.memory_space<vmem>>, %arg6: memref<64x8xf32, #tpu.memory_space<vmem>>, %arg7: memref<64xf32, #tpu.memory_space<vmem>>, %arg8: memref<32x64xf32, #tpu.memory_space<vmem>>, %arg9: memref<32xf32, #tpu.memory_space<vmem>>, %arg10: memref<24x32xf32, #tpu.memory_space<vmem>>, %arg11: memref<24xf32, #tpu.memory_space<vmem>>, %arg12: memref<2x32xf32, #tpu.memory_space<vmem>>, %arg13: memref<4x2560x8xf32, #tpu.memory_space<vmem>>, %arg14: memref<2x4x8x2560xf32, #tpu.memory_space<vmem>>, %arg15: memref<8x1x2560xf32, #tpu.memory_space<vmem>>, %arg16: memref<8x1x128xf32, #tpu.memory_space<vmem>>) attributes {dimension_semantics = [#tpu.dimension_semantics<arbitrary>], iteration_bounds = array<i64: 125>, scalar_prefetch = 0 : i64, scratch_operands = 0 : i64, tpu.core_type = #tpu.core_type<tc>, window_params = [{transform_indices = @transform_0, window_bounds = array<i64: 2560, 128>}, {transform_indices = @transform_1, window_bounds = array<i64: 2560, 128>}, {transform_indices = @transform_2, window_bounds = array<i64: 4, 2560, 8>}, {pipeline_mode = #tpu.pipeline_mode<synchronous>, transform_indices = @transform_3, window_bounds = array<i64: 64, 32>}, {pipeline_mode = #tpu.pipeline_mode<synchronous>, transform_indices = @transform_4, window_bounds = array<i64: 64, 32>}, {pipeline_mode = #tpu.pipeline_mode<synchronous>, transform_indices = @transform_5, window_bounds = array<i64: 64, 8>}, {pipeline_mode = #tpu.pipeline_mode<synchronous>, transform_indices = @transform_6, window_bounds = array<i64: 64>}, {pipeline_mode = #tpu.pipeline_mode<synchronous>, transform_indices = @transform_7, window_bounds = array<i64: 32, 64>}, {pipeline_mode = #tpu.pipeline_mode<synchronous>, transform_indices = @transform_8, window_bounds = array<i64: 32>}, {pipeline_mode = #tpu.pipeline_mode<synchronous>, transform_indices = @transform_9, window_bounds = array<i64: 24, 32>}, {pipeline_mode = #tpu.pipeline_mode<synchronous>, transform_indices = @transform_10, window_bounds = array<i64: 24>}, {pipeline_mode = #tpu.pipeline_mode<synchronous>, transform_indices = @transform_11, window_bounds = array<i64: 2, 32>}, {transform_indices = @transform_12, window_bounds = array<i64: 4, 2560, 8>}, {transform_indices = @transform_13, window_bounds = array<i64: 2, 4, 8, 2560>}, {transform_indices = @transform_14, window_bounds = array<i64: 8, 1, 2560>}, {pipeline_mode = #tpu.pipeline_mode<synchronous>, transform_indices = @transform_15, window_bounds = array<i64: 8, 1, 128>}]} {
    %eq3A = arith.constant 0 : i32
    %eq3A_0 = arith.cmpi eq, %arg0, %eq3A : i32
    %convert_element_type3A = arith.extui %eq3A_0 : i1 to i32
    %cond3A = arith.constant 0 : i32
    %cond3A_1 = arith.cmpi ne, %convert_element_type3A, %cond3A : i32
    scf.if %cond3A_1 {
      %broadcast_in_dim3A_551 = arith.constant 0xFF800000 : f32
      %broadcast_in_dim3A_552 = vector.broadcast %broadcast_in_dim3A_551 : f32 to vector<8x1x128xf32>
      %swap3A_553 = arith.constant 0 : index
      %swap3A_554 = arith.constant 0 : index
      %swap3A_555 = arith.constant 0 : index
      %swap3A_556 = vector.load %arg16[%swap3A_553, %swap3A_554, %swap3A_555] : memref<8x1x128xf32, #tpu.memory_space<vmem>>, vector<8x1x128xf32>
      tpu.vector_store %arg16[%swap3A_553, %swap3A_554, %swap3A_555], %broadcast_in_dim3A_552 {strides = array<i32>} : memref<8x1x128xf32, #tpu.memory_space<vmem>>, vector<8x1x128xf32>,
    } else {
    }
    %get3A = arith.constant 0 : index
    %get3A_2 = arith.constant 0 : index
    %get3A_3 = vector.load %arg1[%get3A, %get3A_2] : memref<2560x128xf32, #tpu.memory_space<vmem>>, vector<2560x128xf32>
    %transpose3A = tpu.transpose %get3A_3, [1, 0] : vector<2560x128xf32> -> vector<128x2560xf32>
    %get3A_4 = arith.constant 0 : index
    %get3A_5 = arith.constant 0 : index
    %get3A_6 = vector.load %arg2[%get3A_4, %get3A_5] : memref<2560x128xf32, #tpu.memory_space<vmem>>, vector<2560x128xf32>
    %transpose3A_7 = tpu.transpose %get3A_6, [1, 0] : vector<2560x128xf32> -> vector<128x2560xf32>
    %slice3A = vector.extract_strided_slice %transpose3A {offsets = [0, 0], sizes = [32, 2560], strides = [1, 1]} : vector<128x2560xf32> to vector<32x2560xf32>
    %slice3A_8 = vector.extract_strided_slice %transpose3A_7 {offsets = [0, 0], sizes = [32, 2560], strides = [1, 1]} : vector<128x2560xf32> to vector<32x2560xf32>
    %get3A_9 = arith.constant 0 : index
    %get3A_10 = arith.constant 0 : index
    %get3A_11 = arith.constant 0 : index
    %get3A_12 = vector.load %arg3[%get3A_9, %get3A_10, %get3A_11] : memref<4x2560x8xf32, #tpu.memory_space<vmem>>, vector<1x2560x8xf32>
    %get3A_13 = vector.shape_cast %get3A_12 : vector<1x2560x8xf32> to vector<2560x8xf32>
    %transpose3A_14 = tpu.transpose %get3A_13, [1, 0] : vector<2560x8xf32> -> vector<8x2560xf32>
    %get3A_15 = arith.constant 0 : index
    %get3A_16 = arith.constant 0 : index
    %get3A_17 = vector.load %arg4[%get3A_15, %get3A_16] : memref<64x32xf32, #tpu.memory_space<vmem>>, vector<64x32xf32>
    %dot_general3A = arith.constant dense<0.000000e+00> : vector<64x2560xf32>
    %dot_general3A_18 = tpu.matmul %get3A_17, %slice3A, %dot_general3A {dimension_numbers = #tpu.dot_dimension_numbers<[1], [0], [0], [1], [0, 0, 1, 1], [], []>, transpose_lhs_hint = false} : vector<64x32xf32>, vector<32x2560xf32>, vector<64x2560xf32> -> vector<64x2560xf32>
    %get3A_19 = arith.constant 0 : index
    %get3A_20 = arith.constant 0 : index
    %get3A_21 = vector.load %arg5[%get3A_19, %get3A_20] : memref<64x32xf32, #tpu.memory_space<vmem>>, vector<64x32xf32>
    %dot_general3A_22 = arith.constant dense<0.000000e+00> : vector<64x2560xf32>
    %dot_general3A_23 = tpu.matmul %get3A_21, %slice3A_8, %dot_general3A_22 {dimension_numbers = #tpu.dot_dimension_numbers<[1], [0], [0], [1], [0, 0, 1, 1], [], []>, transpose_lhs_hint = false} : vector<64x32xf32>, vector<32x2560xf32>, vector<64x2560xf32> -> vector<64x2560xf32>
    %add3A = arith.addf %dot_general3A_18, %dot_general3A_23 : vector<64x2560xf32>
    %get3A_24 = arith.constant 0 : index
    %get3A_25 = arith.constant 0 : index
    %get3A_26 = vector.load %arg6[%get3A_24, %get3A_25] : memref<64x8xf32, #tpu.memory_space<vmem>>, vector<64x8xf32>
    %dot_general3A_27 = arith.constant dense<0.000000e+00> : vector<64x2560xf32>
    %dot_general3A_28 = tpu.matmul %get3A_26, %transpose3A_14, %dot_general3A_27 {dimension_numbers = #tpu.dot_dimension_numbers<[1], [0], [0], [1], [0, 0, 1, 1], [], []>, transpose_lhs_hint = false} : vector<64x8xf32>, vector<8x2560xf32>, vector<64x2560xf32> -> vector<64x2560xf32>
    %add3A_29 = arith.addf %add3A, %dot_general3A_28 : vector<64x2560xf32>
    %get3A_30 = arith.constant 0 : index
    %get3A_31 = vector.load %arg7[%get3A_30] : memref<64xf32, #tpu.memory_space<vmem>>, vector<64xf32>
    %broadcast_in_dim3A = vector.shape_cast %get3A_31 : vector<64xf32> to vector<64x1xf32>
    %add3A_32 = vector.broadcast %broadcast_in_dim3A : vector<64x1xf32> to vector<64x2560xf32>
    %add3A_33 = arith.addf %add3A_29, %add3A_32 : vector<64x2560xf32>
    %mul3A = arith.constant -1.44269502 : f32
    %mul3A_34 = vector.broadcast %mul3A : f32 to vector<64x2560xf32>
    %mul3A_35 = arith.mulf %add3A_33, %mul3A_34 : vector<64x2560xf32>
    %exp23A = math.exp2 %mul3A_35 : vector<64x2560xf32>
    %add3A_36 = arith.constant 1.000000e+00 : f32
    %add3A_37 = vector.broadcast %add3A_36 : f32 to vector<64x2560xf32>
    %add3A_38 = arith.addf %add3A_37, %exp23A : vector<64x2560xf32>
    %reciprocal3A = tpu.reciprocal %add3A_38 {approx = true} : vector<64x2560xf32> -> vector<64x2560xf32>
    %mul3A_39 = arith.mulf %add3A_33, %reciprocal3A : vector<64x2560xf32>
    %get3A_40 = arith.constant 0 : index
    %get3A_41 = arith.constant 0 : index
    %get3A_42 = vector.load %arg8[%get3A_40, %get3A_41] : memref<32x64xf32, #tpu.memory_space<vmem>>, vector<32x64xf32>
    %dot_general3A_43 = arith.constant dense<0.000000e+00> : vector<32x2560xf32>
    %dot_general3A_44 = tpu.matmul %get3A_42, %mul3A_39, %dot_general3A_43 {dimension_numbers = #tpu.dot_dimension_numbers<[1], [0], [0], [1], [0, 0, 1, 1], [], []>, transpose_lhs_hint = false} : vector<32x64xf32>, vector<64x2560xf32>, vector<32x2560xf32> -> vector<32x2560xf32>
    %get3A_45 = arith.constant 0 : index
    %get3A_46 = vector.load %arg9[%get3A_45] : memref<32xf32, #tpu.memory_space<vmem>>, vector<32xf32>
    %broadcast_in_dim3A_47 = vector.shape_cast %get3A_46 : vector<32xf32> to vector<32x1xf32>
    %add3A_48 = vector.broadcast %broadcast_in_dim3A_47 : vector<32x1xf32> to vector<32x2560xf32>
    %add3A_49 = arith.addf %dot_general3A_44, %add3A_48 : vector<32x2560xf32>
    %mul3A_50 = arith.constant -1.44269502 : f32
    %mul3A_51 = vector.broadcast %mul3A_50 : f32 to vector<32x2560xf32>
    %mul3A_52 = arith.mulf %add3A_49, %mul3A_51 : vector<32x2560xf32>
    %exp23A_53 = math.exp2 %mul3A_52 : vector<32x2560xf32>
    %add3A_54 = arith.constant 1.000000e+00 : f32
    %add3A_55 = vector.broadcast %add3A_54 : f32 to vector<32x2560xf32>
    %add3A_56 = arith.addf %add3A_55, %exp23A_53 : vector<32x2560xf32>
    %reciprocal3A_57 = tpu.reciprocal %add3A_56 {approx = true} : vector<32x2560xf32> -> vector<32x2560xf32>
    %mul3A_58 = arith.mulf %add3A_49, %reciprocal3A_57 : vector<32x2560xf32>
    %get3A_59 = arith.constant 0 : index
    %get3A_60 = arith.constant 0 : index
    %get3A_61 = vector.load %arg10[%get3A_59, %get3A_60] : memref<24x32xf32, #tpu.memory_space<vmem>>, vector<24x32xf32>
    %dot_general3A_62 = arith.constant dense<0.000000e+00> : vector<24x2560xf32>
    %dot_general3A_63 = tpu.matmul %get3A_61, %mul3A_58, %dot_general3A_62 {dimension_numbers = #tpu.dot_dimension_numbers<[1], [0], [0], [1], [0, 0, 1, 1], [], []>, transpose_lhs_hint = false} : vector<24x32xf32>, vector<32x2560xf32>, vector<24x2560xf32> -> vector<24x2560xf32>
    %get3A_64 = arith.constant 0 : index
    %get3A_65 = vector.load %arg11[%get3A_64] : memref<24xf32, #tpu.memory_space<vmem>>, vector<24xf32>
    %broadcast_in_dim3A_66 = vector.shape_cast %get3A_65 : vector<24xf32> to vector<24x1xf32>
    %add3A_67 = vector.broadcast %broadcast_in_dim3A_66 : vector<24x1xf32> to vector<24x2560xf32>
    %add3A_68 = arith.addf %dot_general3A_63, %add3A_67 : vector<24x2560xf32>
    %slice3A_69 = vector.extract_strided_slice %add3A_68 {offsets = [0, 0], sizes = [8, 2560], strides = [1, 1]} : vector<24x2560xf32> to vector<8x2560xf32>
    %add3A_70 = arith.addf %transpose3A_14, %slice3A_69 : vector<8x2560xf32>
    %jit3A = arith.constant -1.000000e+02 : f32
    %jit3A_71 = arith.constant 1.000000e+02 : f32
    %max3A = vector.broadcast %jit3A : f32 to vector<8x2560xf32>
    %max3A_72 = arith.maximumf %max3A, %add3A_70 : vector<8x2560xf32>
    %min3A = vector.broadcast %jit3A_71 : f32 to vector<8x2560xf32>
    %min3A_73 = arith.minimumf %min3A, %max3A_72 : vector<8x2560xf32>
    %transpose3A_74 = tpu.transpose %min3A_73, [1, 0] : vector<8x2560xf32> -> vector<2560x8xf32>
    %slice3A_75 = vector.extract_strided_slice %add3A_68 {offsets = [8, 0], sizes = [8, 2560], strides = [1, 1]} : vector<24x2560xf32> to vector<8x2560xf32>
    %slice3A_76 = vector.extract_strided_slice %add3A_68 {offsets = [16, 0], sizes = [8, 2560], strides = [1, 1]} : vector<24x2560xf32> to vector<8x2560xf32>
    %get3A_77 = arith.constant 0 : index
    %get3A_78 = arith.constant 0 : index
    %get3A_79 = vector.load %arg12[%get3A_77, %get3A_78] : memref<2x32xf32, #tpu.memory_space<vmem>>, vector<2x32xf32>
    %mul3A_80 = arith.mulf %slice3A, %slice3A_8 : vector<32x2560xf32>
    %dot_general3A_81 = arith.constant dense<0.000000e+00> : vector<2x2560xf32>
    %dot_general3A_82 = tpu.matmul %get3A_79, %mul3A_80, %dot_general3A_81 {dimension_numbers = #tpu.dot_dimension_numbers<[1], [0], [0], [1], [0, 0, 1, 1], [], []>, transpose_lhs_hint = false} : vector<2x32xf32>, vector<32x2560xf32>, vector<2x2560xf32> -> vector<2x2560xf32>
    %slice3A_83 = vector.extract_strided_slice %dot_general3A_82 {offsets = [0, 0], sizes = [1, 2560], strides = [1, 1]} : vector<2x2560xf32> to vector<1x2560xf32>
    %squeeze3A = vector.shape_cast %slice3A_83 : vector<1x2560xf32> to vector<2560xf32>
    %slice3A_84 = vector.extract_strided_slice %dot_general3A_82 {offsets = [1, 0], sizes = [1, 2560], strides = [1, 1]} : vector<2x2560xf32> to vector<1x2560xf32>
    %squeeze3A_85 = vector.shape_cast %slice3A_84 : vector<1x2560xf32> to vector<2560xf32>
    %get3A_86 = arith.constant 0 : index
    %get3A_87 = arith.constant 0 : index
    %get3A_88 = arith.constant 0 : index
    %get3A_89 = vector.load %arg16[%get3A_86, %get3A_87, %get3A_88] : memref<8x1x128xf32, #tpu.memory_space<vmem>>, vector<1x1x128xf32>
    %get3A_90 = vector.shape_cast %get3A_89 : vector<1x1x128xf32> to vector<128xf32>
    %slice3A_91 = vector.extract_strided_slice %dot_general3A_82 {offsets = [0, 0], sizes = [1, 2560], strides = [1, 1]} : vector<2x2560xf32> to vector<1x2560xf32>
    %squeeze3A_92 = vector.shape_cast %slice3A_91 : vector<1x2560xf32> to vector<2560xf32>
    %reduce_max3A = vector.shape_cast %squeeze3A_92 : vector<2560xf32> to vector<1x2560xf32>
    %reduce_max3A_93 = arith.constant dense<0xFF800000> : vector<1xf32>
    %reduce_max3A_94 = vector.multi_reduction <maximumf>, %reduce_max3A, %reduce_max3A_93 [1] : vector<1x2560xf32> to vector<1xf32>
    %reduce_max3A_95 = vector.shape_cast %reduce_max3A_94 : vector<1xf32> to vector<1x1xf32>
    %reduce_max3A_96 = vector.extract %reduce_max3A_95[0, 0] : f32 from vector<1x1xf32>
    %max3A_97 = vector.broadcast %reduce_max3A_96 : f32 to vector<128xf32>
    %max3A_98 = arith.maximumf %get3A_90, %max3A_97 : vector<128xf32>
    %swap3A = arith.constant 0 : index
    %swap3A_99 = arith.constant 0 : index
    %swap3A_100 = arith.constant 0 : index
    %swap3A_101 = vector.load %arg16[%swap3A, %swap3A_99, %swap3A_100] : memref<8x1x128xf32, #tpu.memory_space<vmem>>, vector<1x1x128xf32>
    %swap3A_102 = vector.shape_cast %swap3A_101 : vector<1x1x128xf32> to vector<128xf32>
    %swap3A_103 = vector.shape_cast %max3A_98 : vector<128xf32> to vector<1x1x128xf32>
    tpu.vector_store %arg16[%swap3A, %swap3A_99, %swap3A_100], %swap3A_103 {strides = array<i32>} : memref<8x1x128xf32, #tpu.memory_space<vmem>>, vector<1x1x128xf32>,
    %get3A_104 = arith.constant 4 : index
    %get3A_105 = arith.constant 0 : index
    %get3A_106 = arith.constant 0 : index
    %get3A_107 = vector.load %arg16[%get3A_104, %get3A_105, %get3A_106] : memref<8x1x128xf32, #tpu.memory_space<vmem>>, vector<1x1x128xf32>
    %get3A_108 = vector.shape_cast %get3A_107 : vector<1x1x128xf32> to vector<128xf32>
    %slice3A_109 = vector.extract_strided_slice %dot_general3A_82 {offsets = [1, 0], sizes = [1, 2560], strides = [1, 1]} : vector<2x2560xf32> to vector<1x2560xf32>
    %squeeze3A_110 = vector.shape_cast %slice3A_109 : vector<1x2560xf32> to vector<2560xf32>
    %reduce_max3A_111 = vector.shape_cast %squeeze3A_110 : vector<2560xf32> to vector<1x2560xf32>
    %reduce_max3A_112 = arith.constant dense<0xFF800000> : vector<1xf32>
    %reduce_max3A_113 = vector.multi_reduction <maximumf>, %reduce_max3A_111, %reduce_max3A_112 [1] : vector<1x2560xf32> to vector<1xf32>
    %reduce_max3A_114 = vector.shape_cast %reduce_max3A_113 : vector<1xf32> to vector<1x1xf32>
    %reduce_max3A_115 = vector.extract %reduce_max3A_114[0, 0] : f32 from vector<1x1xf32>
    %max3A_116 = vector.broadcast %reduce_max3A_115 : f32 to vector<128xf32>
    %max3A_117 = arith.maximumf %get3A_108, %max3A_116 : vector<128xf32>
    %swap3A_118 = arith.constant 4 : index
    %swap3A_119 = arith.constant 0 : index
    %swap3A_120 = arith.constant 0 : index
    %swap3A_121 = vector.load %arg16[%swap3A_118, %swap3A_119, %swap3A_120] : memref<8x1x128xf32, #tpu.memory_space<vmem>>, vector<1x1x128xf32>
    %swap3A_122 = vector.shape_cast %swap3A_121 : vector<1x1x128xf32> to vector<128xf32>
    %swap3A_123 = vector.shape_cast %max3A_117 : vector<128xf32> to vector<1x1x128xf32>
    tpu.vector_store %arg16[%swap3A_118, %swap3A_119, %swap3A_120], %swap3A_123 {strides = array<i32>} : memref<8x1x128xf32, #tpu.memory_space<vmem>>, vector<1x1x128xf32>,
    %slice3A_124 = vector.extract_strided_slice %transpose3A {offsets = [32, 0], sizes = [32, 2560], strides = [1, 1]} : vector<128x2560xf32> to vector<32x2560xf32>
    %slice3A_125 = vector.extract_strided_slice %transpose3A_7 {offsets = [32, 0], sizes = [32, 2560], strides = [1, 1]} : vector<128x2560xf32> to vector<32x2560xf32>
    %get3A_126 = arith.constant 1 : index
    %get3A_127 = arith.constant 0 : index
    %get3A_128 = arith.constant 0 : index
    %get3A_129 = vector.load %arg3[%get3A_126, %get3A_127, %get3A_128] : memref<4x2560x8xf32, #tpu.memory_space<vmem>>, vector<1x2560x8xf32>
    %get3A_130 = vector.shape_cast %get3A_129 : vector<1x2560x8xf32> to vector<2560x8xf32>
    %transpose3A_131 = tpu.transpose %get3A_130, [1, 0] : vector<2560x8xf32> -> vector<8x2560xf32>
    %get3A_132 = arith.constant 0 : index
    %get3A_133 = arith.constant 0 : index
    %get3A_134 = vector.load %arg4[%get3A_132, %get3A_133] : memref<64x32xf32, #tpu.memory_space<vmem>>, vector<64x32xf32>
    %dot_general3A_135 = arith.constant dense<0.000000e+00> : vector<64x2560xf32>
    %dot_general3A_136 = tpu.matmul %get3A_134, %slice3A_124, %dot_general3A_135 {dimension_numbers = #tpu.dot_dimension_numbers<[1], [0], [0], [1], [0, 0, 1, 1], [], []>, transpose_lhs_hint = false} : vector<64x32xf32>, vector<32x2560xf32>, vector<64x2560xf32> -> vector<64x2560xf32>
    %get3A_137 = arith.constant 0 : index
    %get3A_138 = arith.constant 0 : index
    %get3A_139 = vector.load %arg5[%get3A_137, %get3A_138] : memref<64x32xf32, #tpu.memory_space<vmem>>, vector<64x32xf32>
    %dot_general3A_140 = arith.constant dense<0.000000e+00> : vector<64x2560xf32>
    %dot_general3A_141 = tpu.matmul %get3A_139, %slice3A_125, %dot_general3A_140 {dimension_numbers = #tpu.dot_dimension_numbers<[1], [0], [0], [1], [0, 0, 1, 1], [], []>, transpose_lhs_hint = false} : vector<64x32xf32>, vector<32x2560xf32>, vector<64x2560xf32> -> vector<64x2560xf32>
    %add3A_142 = arith.addf %dot_general3A_136, %dot_general3A_141 : vector<64x2560xf32>
    %get3A_143 = arith.constant 0 : index
    %get3A_144 = arith.constant 0 : index
    %get3A_145 = vector.load %arg6[%get3A_143, %get3A_144] : memref<64x8xf32, #tpu.memory_space<vmem>>, vector<64x8xf32>
    %dot_general3A_146 = arith.constant dense<0.000000e+00> : vector<64x2560xf32>
    %dot_general3A_147 = tpu.matmul %get3A_145, %transpose3A_131, %dot_general3A_146 {dimension_numbers = #tpu.dot_dimension_numbers<[1], [0], [0], [1], [0, 0, 1, 1], [], []>, transpose_lhs_hint = false} : vector<64x8xf32>, vector<8x2560xf32>, vector<64x2560xf32> -> vector<64x2560xf32>
    %add3A_148 = arith.addf %add3A_142, %dot_general3A_147 : vector<64x2560xf32>
    %get3A_149 = arith.constant 0 : index
    %get3A_150 = vector.load %arg7[%get3A_149] : memref<64xf32, #tpu.memory_space<vmem>>, vector<64xf32>
    %broadcast_in_dim3A_151 = vector.shape_cast %get3A_150 : vector<64xf32> to vector<64x1xf32>
    %add3A_152 = vector.broadcast %broadcast_in_dim3A_151 : vector<64x1xf32> to vector<64x2560xf32>
    %add3A_153 = arith.addf %add3A_148, %add3A_152 : vector<64x2560xf32>
    %mul3A_154 = arith.constant -1.44269502 : f32
    %mul3A_155 = vector.broadcast %mul3A_154 : f32 to vector<64x2560xf32>
    %mul3A_156 = arith.mulf %add3A_153, %mul3A_155 : vector<64x2560xf32>
    %exp23A_157 = math.exp2 %mul3A_156 : vector<64x2560xf32>
    %add3A_158 = arith.constant 1.000000e+00 : f32
    %add3A_159 = vector.broadcast %add3A_158 : f32 to vector<64x2560xf32>
    %add3A_160 = arith.addf %add3A_159, %exp23A_157 : vector<64x2560xf32>
    %reciprocal3A_161 = tpu.reciprocal %add3A_160 {approx = true} : vector<64x2560xf32> -> vector<64x2560xf32>
    %mul3A_162 = arith.mulf %add3A_153, %reciprocal3A_161 : vector<64x2560xf32>
    %get3A_163 = arith.constant 0 : index
    %get3A_164 = arith.constant 0 : index
    %get3A_165 = vector.load %arg8[%get3A_163, %get3A_164] : memref<32x64xf32, #tpu.memory_space<vmem>>, vector<32x64xf32>
    %dot_general3A_166 = arith.constant dense<0.000000e+00> : vector<32x2560xf32>
    %dot_general3A_167 = tpu.matmul %get3A_165, %mul3A_162, %dot_general3A_166 {dimension_numbers = #tpu.dot_dimension_numbers<[1], [0], [0], [1], [0, 0, 1, 1], [], []>, transpose_lhs_hint = false} : vector<32x64xf32>, vector<64x2560xf32>, vector<32x2560xf32> -> vector<32x2560xf32>
    %get3A_168 = arith.constant 0 : index
    %get3A_169 = vector.load %arg9[%get3A_168] : memref<32xf32, #tpu.memory_space<vmem>>, vector<32xf32>
    %broadcast_in_dim3A_170 = vector.shape_cast %get3A_169 : vector<32xf32> to vector<32x1xf32>
    %add3A_171 = vector.broadcast %broadcast_in_dim3A_170 : vector<32x1xf32> to vector<32x2560xf32>
    %add3A_172 = arith.addf %dot_general3A_167, %add3A_171 : vector<32x2560xf32>
    %mul3A_173 = arith.constant -1.44269502 : f32
    %mul3A_174 = vector.broadcast %mul3A_173 : f32 to vector<32x2560xf32>
    %mul3A_175 = arith.mulf %add3A_172, %mul3A_174 : vector<32x2560xf32>
    %exp23A_176 = math.exp2 %mul3A_175 : vector<32x2560xf32>
    %add3A_177 = arith.constant 1.000000e+00 : f32
    %add3A_178 = vector.broadcast %add3A_177 : f32 to vector<32x2560xf32>
    %add3A_179 = arith.addf %add3A_178, %exp23A_176 : vector<32x2560xf32>
    %reciprocal3A_180 = tpu.reciprocal %add3A_179 {approx = true} : vector<32x2560xf32> -> vector<32x2560xf32>
    %mul3A_181 = arith.mulf %add3A_172, %reciprocal3A_180 : vector<32x2560xf32>
    %get3A_182 = arith.constant 0 : index
    %get3A_183 = arith.constant 0 : index
    %get3A_184 = vector.load %arg10[%get3A_182, %get3A_183] : memref<24x32xf32, #tpu.memory_space<vmem>>, vector<24x32xf32>
    %dot_general3A_185 = arith.constant dense<0.000000e+00> : vector<24x2560xf32>
    %dot_general3A_186 = tpu.matmul %get3A_184, %mul3A_181, %dot_general3A_185 {dimension_numbers = #tpu.dot_dimension_numbers<[1], [0], [0], [1], [0, 0, 1, 1], [], []>, transpose_lhs_hint = false} : vector<24x32xf32>, vector<32x2560xf32>, vector<24x2560xf32> -> vector<24x2560xf32>
    %get3A_187 = arith.constant 0 : index
    %get3A_188 = vector.load %arg11[%get3A_187] : memref<24xf32, #tpu.memory_space<vmem>>, vector<24xf32>
    %broadcast_in_dim3A_189 = vector.shape_cast %get3A_188 : vector<24xf32> to vector<24x1xf32>
    %add3A_190 = vector.broadcast %broadcast_in_dim3A_189 : vector<24x1xf32> to vector<24x2560xf32>
    %add3A_191 = arith.addf %dot_general3A_186, %add3A_190 : vector<24x2560xf32>
    %slice3A_192 = vector.extract_strided_slice %add3A_191 {offsets = [0, 0], sizes = [8, 2560], strides = [1, 1]} : vector<24x2560xf32> to vector<8x2560xf32>
    %add3A_193 = arith.addf %transpose3A_131, %slice3A_192 : vector<8x2560xf32>
    %jit3A_194 = arith.constant -1.000000e+02 : f32
    %jit3A_195 = arith.constant 1.000000e+02 : f32
    %max3A_196 = vector.broadcast %jit3A_194 : f32 to vector<8x2560xf32>
    %max3A_197 = arith.maximumf %max3A_196, %add3A_193 : vector<8x2560xf32>
    %min3A_198 = vector.broadcast %jit3A_195 : f32 to vector<8x2560xf32>
    %min3A_199 = arith.minimumf %min3A_198, %max3A_197 : vector<8x2560xf32>
    %transpose3A_200 = tpu.transpose %min3A_199, [1, 0] : vector<8x2560xf32> -> vector<2560x8xf32>
    %slice3A_201 = vector.extract_strided_slice %add3A_191 {offsets = [8, 0], sizes = [8, 2560], strides = [1, 1]} : vector<24x2560xf32> to vector<8x2560xf32>
    %slice3A_202 = vector.extract_strided_slice %add3A_191 {offsets = [16, 0], sizes = [8, 2560], strides = [1, 1]} : vector<24x2560xf32> to vector<8x2560xf32>
    %get3A_203 = arith.constant 0 : index
    %get3A_204 = arith.constant 0 : index
    %get3A_205 = vector.load %arg12[%get3A_203, %get3A_204] : memref<2x32xf32, #tpu.memory_space<vmem>>, vector<2x32xf32>
    %mul3A_206 = arith.mulf %slice3A_124, %slice3A_125 : vector<32x2560xf32>
    %dot_general3A_207 = arith.constant dense<0.000000e+00> : vector<2x2560xf32>
    %dot_general3A_208 = tpu.matmul %get3A_205, %mul3A_206, %dot_general3A_207 {dimension_numbers = #tpu.dot_dimension_numbers<[1], [0], [0], [1], [0, 0, 1, 1], [], []>, transpose_lhs_hint = false} : vector<2x32xf32>, vector<32x2560xf32>, vector<2x2560xf32> -> vector<2x2560xf32>
    %slice3A_209 = vector.extract_strided_slice %dot_general3A_208 {offsets = [0, 0], sizes = [1, 2560], strides = [1, 1]} : vector<2x2560xf32> to vector<1x2560xf32>
    %squeeze3A_210 = vector.shape_cast %slice3A_209 : vector<1x2560xf32> to vector<2560xf32>
    %slice3A_211 = vector.extract_strided_slice %dot_general3A_208 {offsets = [1, 0], sizes = [1, 2560], strides = [1, 1]} : vector<2x2560xf32> to vector<1x2560xf32>
    %squeeze3A_212 = vector.shape_cast %slice3A_211 : vector<1x2560xf32> to vector<2560xf32>
    %get3A_213 = arith.constant 1 : index
    %get3A_214 = arith.constant 0 : index
    %get3A_215 = arith.constant 0 : index
    %get3A_216 = vector.load %arg16[%get3A_213, %get3A_214, %get3A_215] : memref<8x1x128xf32, #tpu.memory_space<vmem>>, vector<1x1x128xf32>
    %get3A_217 = vector.shape_cast %get3A_216 : vector<1x1x128xf32> to vector<128xf32>
    %slice3A_218 = vector.extract_strided_slice %dot_general3A_208 {offsets = [0, 0], sizes = [1, 2560], strides = [1, 1]} : vector<2x2560xf32> to vector<1x2560xf32>
    %squeeze3A_219 = vector.shape_cast %slice3A_218 : vector<1x2560xf32> to vector<2560xf32>
    %reduce_max3A_220 = vector.shape_cast %squeeze3A_219 : vector<2560xf32> to vector<1x2560xf32>
    %reduce_max3A_221 = arith.constant dense<0xFF800000> : vector<1xf32>
    %reduce_max3A_222 = vector.multi_reduction <maximumf>, %reduce_max3A_220, %reduce_max3A_221 [1] : vector<1x2560xf32> to vector<1xf32>
    %reduce_max3A_223 = vector.shape_cast %reduce_max3A_222 : vector<1xf32> to vector<1x1xf32>
    %reduce_max3A_224 = vector.extract %reduce_max3A_223[0, 0] : f32 from vector<1x1xf32>
    %max3A_225 = vector.broadcast %reduce_max3A_224 : f32 to vector<128xf32>
    %max3A_226 = arith.maximumf %get3A_217, %max3A_225 : vector<128xf32>
    %swap3A_227 = arith.constant 1 : index
    %swap3A_228 = arith.constant 0 : index
    %swap3A_229 = arith.constant 0 : index
    %swap3A_230 = vector.load %arg16[%swap3A_227, %swap3A_228, %swap3A_229] : memref<8x1x128xf32, #tpu.memory_space<vmem>>, vector<1x1x128xf32>
    %swap3A_231 = vector.shape_cast %swap3A_230 : vector<1x1x128xf32> to vector<128xf32>
    %swap3A_232 = vector.shape_cast %max3A_226 : vector<128xf32> to vector<1x1x128xf32>
    tpu.vector_store %arg16[%swap3A_227, %swap3A_228, %swap3A_229], %swap3A_232 {strides = array<i32>} : memref<8x1x128xf32, #tpu.memory_space<vmem>>, vector<1x1x128xf32>,
    %get3A_233 = arith.constant 5 : index
    %get3A_234 = arith.constant 0 : index
    %get3A_235 = arith.constant 0 : index
    %get3A_236 = vector.load %arg16[%get3A_233, %get3A_234, %get3A_235] : memref<8x1x128xf32, #tpu.memory_space<vmem>>, vector<1x1x128xf32>
    %get3A_237 = vector.shape_cast %get3A_236 : vector<1x1x128xf32> to vector<128xf32>
    %slice3A_238 = vector.extract_strided_slice %dot_general3A_208 {offsets = [1, 0], sizes = [1, 2560], strides = [1, 1]} : vector<2x2560xf32> to vector<1x2560xf32>
    %squeeze3A_239 = vector.shape_cast %slice3A_238 : vector<1x2560xf32> to vector<2560xf32>
    %reduce_max3A_240 = vector.shape_cast %squeeze3A_239 : vector<2560xf32> to vector<1x2560xf32>
    %reduce_max3A_241 = arith.constant dense<0xFF800000> : vector<1xf32>
    %reduce_max3A_242 = vector.multi_reduction <maximumf>, %reduce_max3A_240, %reduce_max3A_241 [1] : vector<1x2560xf32> to vector<1xf32>
    %reduce_max3A_243 = vector.shape_cast %reduce_max3A_242 : vector<1xf32> to vector<1x1xf32>
    %reduce_max3A_244 = vector.extract %reduce_max3A_243[0, 0] : f32 from vector<1x1xf32>
    %max3A_245 = vector.broadcast %reduce_max3A_244 : f32 to vector<128xf32>
    %max3A_246 = arith.maximumf %get3A_237, %max3A_245 : vector<128xf32>
    %swap3A_247 = arith.constant 5 : index
    %swap3A_248 = arith.constant 0 : index
    %swap3A_249 = arith.constant 0 : index
    %swap3A_250 = vector.load %arg16[%swap3A_247, %swap3A_248, %swap3A_249] : memref<8x1x128xf32, #tpu.memory_space<vmem>>, vector<1x1x128xf32>
    %swap3A_251 = vector.shape_cast %swap3A_250 : vector<1x1x128xf32> to vector<128xf32>
    %swap3A_252 = vector.shape_cast %max3A_246 : vector<128xf32> to vector<1x1x128xf32>
    tpu.vector_store %arg16[%swap3A_247, %swap3A_248, %swap3A_249], %swap3A_252 {strides = array<i32>} : memref<8x1x128xf32, #tpu.memory_space<vmem>>, vector<1x1x128xf32>,
    %slice3A_253 = vector.extract_strided_slice %transpose3A {offsets = [64, 0], sizes = [32, 2560], strides = [1, 1]} : vector<128x2560xf32> to vector<32x2560xf32>
    %slice3A_254 = vector.extract_strided_slice %transpose3A_7 {offsets = [64, 0], sizes = [32, 2560], strides = [1, 1]} : vector<128x2560xf32> to vector<32x2560xf32>
    %get3A_255 = arith.constant 2 : index
    %get3A_256 = arith.constant 0 : index
    %get3A_257 = arith.constant 0 : index
    %get3A_258 = vector.load %arg3[%get3A_255, %get3A_256, %get3A_257] : memref<4x2560x8xf32, #tpu.memory_space<vmem>>, vector<1x2560x8xf32>
    %get3A_259 = vector.shape_cast %get3A_258 : vector<1x2560x8xf32> to vector<2560x8xf32>
    %transpose3A_260 = tpu.transpose %get3A_259, [1, 0] : vector<2560x8xf32> -> vector<8x2560xf32>
    %get3A_261 = arith.constant 0 : index
    %get3A_262 = arith.constant 0 : index
    %get3A_263 = vector.load %arg4[%get3A_261, %get3A_262] : memref<64x32xf32, #tpu.memory_space<vmem>>, vector<64x32xf32>
    %dot_general3A_264 = arith.constant dense<0.000000e+00> : vector<64x2560xf32>
    %dot_general3A_265 = tpu.matmul %get3A_263, %slice3A_253, %dot_general3A_264 {dimension_numbers = #tpu.dot_dimension_numbers<[1], [0], [0], [1], [0, 0, 1, 1], [], []>, transpose_lhs_hint = false} : vector<64x32xf32>, vector<32x2560xf32>, vector<64x2560xf32> -> vector<64x2560xf32>
    %get3A_266 = arith.constant 0 : index
    %get3A_267 = arith.constant 0 : index
    %get3A_268 = vector.load %arg5[%get3A_266, %get3A_267] : memref<64x32xf32, #tpu.memory_space<vmem>>, vector<64x32xf32>
    %dot_general3A_269 = arith.constant dense<0.000000e+00> : vector<64x2560xf32>
    %dot_general3A_270 = tpu.matmul %get3A_268, %slice3A_254, %dot_general3A_269 {dimension_numbers = #tpu.dot_dimension_numbers<[1], [0], [0], [1], [0, 0, 1, 1], [], []>, transpose_lhs_hint = false} : vector<64x32xf32>, vector<32x2560xf32>, vector<64x2560xf32> -> vector<64x2560xf32>
    %add3A_271 = arith.addf %dot_general3A_265, %dot_general3A_270 : vector<64x2560xf32>
    %get3A_272 = arith.constant 0 : index
    %get3A_273 = arith.constant 0 : index
    %get3A_274 = vector.load %arg6[%get3A_272, %get3A_273] : memref<64x8xf32, #tpu.memory_space<vmem>>, vector<64x8xf32>
    %dot_general3A_275 = arith.constant dense<0.000000e+00> : vector<64x2560xf32>
    %dot_general3A_276 = tpu.matmul %get3A_274, %transpose3A_260, %dot_general3A_275 {dimension_numbers = #tpu.dot_dimension_numbers<[1], [0], [0], [1], [0, 0, 1, 1], [], []>, transpose_lhs_hint = false} : vector<64x8xf32>, vector<8x2560xf32>, vector<64x2560xf32> -> vector<64x2560xf32>
    %add3A_277 = arith.addf %add3A_271, %dot_general3A_276 : vector<64x2560xf32>
    %get3A_278 = arith.constant 0 : index
    %get3A_279 = vector.load %arg7[%get3A_278] : memref<64xf32, #tpu.memory_space<vmem>>, vector<64xf32>
    %broadcast_in_dim3A_280 = vector.shape_cast %get3A_279 : vector<64xf32> to vector<64x1xf32>
    %add3A_281 = vector.broadcast %broadcast_in_dim3A_280 : vector<64x1xf32> to vector<64x2560xf32>
    %add3A_282 = arith.addf %add3A_277, %add3A_281 : vector<64x2560xf32>
    %mul3A_283 = arith.constant -1.44269502 : f32
    %mul3A_284 = vector.broadcast %mul3A_283 : f32 to vector<64x2560xf32>
    %mul3A_285 = arith.mulf %add3A_282, %mul3A_284 : vector<64x2560xf32>
    %exp23A_286 = math.exp2 %mul3A_285 : vector<64x2560xf32>
    %add3A_287 = arith.constant 1.000000e+00 : f32
    %add3A_288 = vector.broadcast %add3A_287 : f32 to vector<64x2560xf32>
    %add3A_289 = arith.addf %add3A_288, %exp23A_286 : vector<64x2560xf32>
    %reciprocal3A_290 = tpu.reciprocal %add3A_289 {approx = true} : vector<64x2560xf32> -> vector<64x2560xf32>
    %mul3A_291 = arith.mulf %add3A_282, %reciprocal3A_290 : vector<64x2560xf32>
    %get3A_292 = arith.constant 0 : index
    %get3A_293 = arith.constant 0 : index
    %get3A_294 = vector.load %arg8[%get3A_292, %get3A_293] : memref<32x64xf32, #tpu.memory_space<vmem>>, vector<32x64xf32>
    %dot_general3A_295 = arith.constant dense<0.000000e+00> : vector<32x2560xf32>
    %dot_general3A_296 = tpu.matmul %get3A_294, %mul3A_291, %dot_general3A_295 {dimension_numbers = #tpu.dot_dimension_numbers<[1], [0], [0], [1], [0, 0, 1, 1], [], []>, transpose_lhs_hint = false} : vector<32x64xf32>, vector<64x2560xf32>, vector<32x2560xf32> -> vector<32x2560xf32>
    %get3A_297 = arith.constant 0 : index
    %get3A_298 = vector.load %arg9[%get3A_297] : memref<32xf32, #tpu.memory_space<vmem>>, vector<32xf32>
    %broadcast_in_dim3A_299 = vector.shape_cast %get3A_298 : vector<32xf32> to vector<32x1xf32>
    %add3A_300 = vector.broadcast %broadcast_in_dim3A_299 : vector<32x1xf32> to vector<32x2560xf32>
    %add3A_301 = arith.addf %dot_general3A_296, %add3A_300 : vector<32x2560xf32>
    %mul3A_302 = arith.constant -1.44269502 : f32
    %mul3A_303 = vector.broadcast %mul3A_302 : f32 to vector<32x2560xf32>
    %mul3A_304 = arith.mulf %add3A_301, %mul3A_303 : vector<32x2560xf32>
    %exp23A_305 = math.exp2 %mul3A_304 : vector<32x2560xf32>
    %add3A_306 = arith.constant 1.000000e+00 : f32
    %add3A_307 = vector.broadcast %add3A_306 : f32 to vector<32x2560xf32>
    %add3A_308 = arith.addf %add3A_307, %exp23A_305 : vector<32x2560xf32>
    %reciprocal3A_309 = tpu.reciprocal %add3A_308 {approx = true} : vector<32x2560xf32> -> vector<32x2560xf32>
    %mul3A_310 = arith.mulf %add3A_301, %reciprocal3A_309 : vector<32x2560xf32>
    %get3A_311 = arith.constant 0 : index
    %get3A_312 = arith.constant 0 : index
    %get3A_313 = vector.load %arg10[%get3A_311, %get3A_312] : memref<24x32xf32, #tpu.memory_space<vmem>>, vector<24x32xf32>
    %dot_general3A_314 = arith.constant dense<0.000000e+00> : vector<24x2560xf32>
    %dot_general3A_315 = tpu.matmul %get3A_313, %mul3A_310, %dot_general3A_314 {dimension_numbers = #tpu.dot_dimension_numbers<[1], [0], [0], [1], [0, 0, 1, 1], [], []>, transpose_lhs_hint = false} : vector<24x32xf32>, vector<32x2560xf32>, vector<24x2560xf32> -> vector<24x2560xf32>
    %get3A_316 = arith.constant 0 : index
    %get3A_317 = vector.load %arg11[%get3A_316] : memref<24xf32, #tpu.memory_space<vmem>>, vector<24xf32>
    %broadcast_in_dim3A_318 = vector.shape_cast %get3A_317 : vector<24xf32> to vector<24x1xf32>
    %add3A_319 = vector.broadcast %broadcast_in_dim3A_318 : vector<24x1xf32> to vector<24x2560xf32>
    %add3A_320 = arith.addf %dot_general3A_315, %add3A_319 : vector<24x2560xf32>
    %slice3A_321 = vector.extract_strided_slice %add3A_320 {offsets = [0, 0], sizes = [8, 2560], strides = [1, 1]} : vector<24x2560xf32> to vector<8x2560xf32>
    %add3A_322 = arith.addf %transpose3A_260, %slice3A_321 : vector<8x2560xf32>
    %jit3A_323 = arith.constant -1.000000e+02 : f32
    %jit3A_324 = arith.constant 1.000000e+02 : f32
    %max3A_325 = vector.broadcast %jit3A_323 : f32 to vector<8x2560xf32>
    %max3A_326 = arith.maximumf %max3A_325, %add3A_322 : vector<8x2560xf32>
    %min3A_327 = vector.broadcast %jit3A_324 : f32 to vector<8x2560xf32>
    %min3A_328 = arith.minimumf %min3A_327, %max3A_326 : vector<8x2560xf32>
    %transpose3A_329 = tpu.transpose %min3A_328, [1, 0] : vector<8x2560xf32> -> vector<2560x8xf32>
    %slice3A_330 = vector.extract_strided_slice %add3A_320 {offsets = [8, 0], sizes = [8, 2560], strides = [1, 1]} : vector<24x2560xf32> to vector<8x2560xf32>
    %slice3A_331 = vector.extract_strided_slice %add3A_320 {offsets = [16, 0], sizes = [8, 2560], strides = [1, 1]} : vector<24x2560xf32> to vector<8x2560xf32>
    %get3A_332 = arith.constant 0 : index
    %get3A_333 = arith.constant 0 : index
    %get3A_334 = vector.load %arg12[%get3A_332, %get3A_333] : memref<2x32xf32, #tpu.memory_space<vmem>>, vector<2x32xf32>
    %mul3A_335 = arith.mulf %slice3A_253, %slice3A_254 : vector<32x2560xf32>
    %dot_general3A_336 = arith.constant dense<0.000000e+00> : vector<2x2560xf32>
    %dot_general3A_337 = tpu.matmul %get3A_334, %mul3A_335, %dot_general3A_336 {dimension_numbers = #tpu.dot_dimension_numbers<[1], [0], [0], [1], [0, 0, 1, 1], [], []>, transpose_lhs_hint = false} : vector<2x32xf32>, vector<32x2560xf32>, vector<2x2560xf32> -> vector<2x2560xf32>
    %slice3A_338 = vector.extract_strided_slice %dot_general3A_337 {offsets = [0, 0], sizes = [1, 2560], strides = [1, 1]} : vector<2x2560xf32> to vector<1x2560xf32>
    %squeeze3A_339 = vector.shape_cast %slice3A_338 : vector<1x2560xf32> to vector<2560xf32>
    %slice3A_340 = vector.extract_strided_slice %dot_general3A_337 {offsets = [1, 0], sizes = [1, 2560], strides = [1, 1]} : vector<2x2560xf32> to vector<1x2560xf32>
    %squeeze3A_341 = vector.shape_cast %slice3A_340 : vector<1x2560xf32> to vector<2560xf32>
    %get3A_342 = arith.constant 2 : index
    %get3A_343 = arith.constant 0 : index
    %get3A_344 = arith.constant 0 : index
    %get3A_345 = vector.load %arg16[%get3A_342, %get3A_343, %get3A_344] : memref<8x1x128xf32, #tpu.memory_space<vmem>>, vector<1x1x128xf32>
    %get3A_346 = vector.shape_cast %get3A_345 : vector<1x1x128xf32> to vector<128xf32>
    %slice3A_347 = vector.extract_strided_slice %dot_general3A_337 {offsets = [0, 0], sizes = [1, 2560], strides = [1, 1]} : vector<2x2560xf32> to vector<1x2560xf32>
    %squeeze3A_348 = vector.shape_cast %slice3A_347 : vector<1x2560xf32> to vector<2560xf32>
    %reduce_max3A_349 = vector.shape_cast %squeeze3A_348 : vector<2560xf32> to vector<1x2560xf32>
    %reduce_max3A_350 = arith.constant dense<0xFF800000> : vector<1xf32>
    %reduce_max3A_351 = vector.multi_reduction <maximumf>, %reduce_max3A_349, %reduce_max3A_350 [1] : vector<1x2560xf32> to vector<1xf32>
    %reduce_max3A_352 = vector.shape_cast %reduce_max3A_351 : vector<1xf32> to vector<1x1xf32>
    %reduce_max3A_353 = vector.extract %reduce_max3A_352[0, 0] : f32 from vector<1x1xf32>
    %max3A_354 = vector.broadcast %reduce_max3A_353 : f32 to vector<128xf32>
    %max3A_355 = arith.maximumf %get3A_346, %max3A_354 : vector<128xf32>
    %swap3A_356 = arith.constant 2 : index
    %swap3A_357 = arith.constant 0 : index
    %swap3A_358 = arith.constant 0 : index
    %swap3A_359 = vector.load %arg16[%swap3A_356, %swap3A_357, %swap3A_358] : memref<8x1x128xf32, #tpu.memory_space<vmem>>, vector<1x1x128xf32>
    %swap3A_360 = vector.shape_cast %swap3A_359 : vector<1x1x128xf32> to vector<128xf32>
    %swap3A_361 = vector.shape_cast %max3A_355 : vector<128xf32> to vector<1x1x128xf32>
    tpu.vector_store %arg16[%swap3A_356, %swap3A_357, %swap3A_358], %swap3A_361 {strides = array<i32>} : memref<8x1x128xf32, #tpu.memory_space<vmem>>, vector<1x1x128xf32>,
    %get3A_362 = arith.constant 6 : index
    %get3A_363 = arith.constant 0 : index
    %get3A_364 = arith.constant 0 : index
    %get3A_365 = vector.load %arg16[%get3A_362, %get3A_363, %get3A_364] : memref<8x1x128xf32, #tpu.memory_space<vmem>>, vector<1x1x128xf32>
    %get3A_366 = vector.shape_cast %get3A_365 : vector<1x1x128xf32> to vector<128xf32>
    %slice3A_367 = vector.extract_strided_slice %dot_general3A_337 {offsets = [1, 0], sizes = [1, 2560], strides = [1, 1]} : vector<2x2560xf32> to vector<1x2560xf32>
    %squeeze3A_368 = vector.shape_cast %slice3A_367 : vector<1x2560xf32> to vector<2560xf32>
    %reduce_max3A_369 = vector.shape_cast %squeeze3A_368 : vector<2560xf32> to vector<1x2560xf32>
    %reduce_max3A_370 = arith.constant dense<0xFF800000> : vector<1xf32>
    %reduce_max3A_371 = vector.multi_reduction <maximumf>, %reduce_max3A_369, %reduce_max3A_370 [1] : vector<1x2560xf32> to vector<1xf32>
    %reduce_max3A_372 = vector.shape_cast %reduce_max3A_371 : vector<1xf32> to vector<1x1xf32>
    %reduce_max3A_373 = vector.extract %reduce_max3A_372[0, 0] : f32 from vector<1x1xf32>
    %max3A_374 = vector.broadcast %reduce_max3A_373 : f32 to vector<128xf32>
    %max3A_375 = arith.maximumf %get3A_366, %max3A_374 : vector<128xf32>
    %swap3A_376 = arith.constant 6 : index
    %swap3A_377 = arith.constant 0 : index
    %swap3A_378 = arith.constant 0 : index
    %swap3A_379 = vector.load %arg16[%swap3A_376, %swap3A_377, %swap3A_378] : memref<8x1x128xf32, #tpu.memory_space<vmem>>, vector<1x1x128xf32>
    %swap3A_380 = vector.shape_cast %swap3A_379 : vector<1x1x128xf32> to vector<128xf32>
    %swap3A_381 = vector.shape_cast %max3A_375 : vector<128xf32> to vector<1x1x128xf32>
    tpu.vector_store %arg16[%swap3A_376, %swap3A_377, %swap3A_378], %swap3A_381 {strides = array<i32>} : memref<8x1x128xf32, #tpu.memory_space<vmem>>, vector<1x1x128xf32>,
    %slice3A_382 = vector.extract_strided_slice %transpose3A {offsets = [96, 0], sizes = [32, 2560], strides = [1, 1]} : vector<128x2560xf32> to vector<32x2560xf32>
    %slice3A_383 = vector.extract_strided_slice %transpose3A_7 {offsets = [96, 0], sizes = [32, 2560], strides = [1, 1]} : vector<128x2560xf32> to vector<32x2560xf32>
    %get3A_384 = arith.constant 3 : index
    %get3A_385 = arith.constant 0 : index
    %get3A_386 = arith.constant 0 : index
    %get3A_387 = vector.load %arg3[%get3A_384, %get3A_385, %get3A_386] : memref<4x2560x8xf32, #tpu.memory_space<vmem>>, vector<1x2560x8xf32>
    %get3A_388 = vector.shape_cast %get3A_387 : vector<1x2560x8xf32> to vector<2560x8xf32>
    %transpose3A_389 = tpu.transpose %get3A_388, [1, 0] : vector<2560x8xf32> -> vector<8x2560xf32>
    %get3A_390 = arith.constant 0 : index
    %get3A_391 = arith.constant 0 : index
    %get3A_392 = vector.load %arg4[%get3A_390, %get3A_391] : memref<64x32xf32, #tpu.memory_space<vmem>>, vector<64x32xf32>
    %dot_general3A_393 = arith.constant dense<0.000000e+00> : vector<64x2560xf32>
    %dot_general3A_394 = tpu.matmul %get3A_392, %slice3A_382, %dot_general3A_393 {dimension_numbers = #tpu.dot_dimension_numbers<[1], [0], [0], [1], [0, 0, 1, 1], [], []>, transpose_lhs_hint = false} : vector<64x32xf32>, vector<32x2560xf32>, vector<64x2560xf32> -> vector<64x2560xf32>
    %get3A_395 = arith.constant 0 : index
    %get3A_396 = arith.constant 0 : index
    %get3A_397 = vector.load %arg5[%get3A_395, %get3A_396] : memref<64x32xf32, #tpu.memory_space<vmem>>, vector<64x32xf32>
    %dot_general3A_398 = arith.constant dense<0.000000e+00> : vector<64x2560xf32>
    %dot_general3A_399 = tpu.matmul %get3A_397, %slice3A_383, %dot_general3A_398 {dimension_numbers = #tpu.dot_dimension_numbers<[1], [0], [0], [1], [0, 0, 1, 1], [], []>, transpose_lhs_hint = false} : vector<64x32xf32>, vector<32x2560xf32>, vector<64x2560xf32> -> vector<64x2560xf32>
    %add3A_400 = arith.addf %dot_general3A_394, %dot_general3A_399 : vector<64x2560xf32>
    %get3A_401 = arith.constant 0 : index
    %get3A_402 = arith.constant 0 : index
    %get3A_403 = vector.load %arg6[%get3A_401, %get3A_402] : memref<64x8xf32, #tpu.memory_space<vmem>>, vector<64x8xf32>
    %dot_general3A_404 = arith.constant dense<0.000000e+00> : vector<64x2560xf32>
    %dot_general3A_405 = tpu.matmul %get3A_403, %transpose3A_389, %dot_general3A_404 {dimension_numbers = #tpu.dot_dimension_numbers<[1], [0], [0], [1], [0, 0, 1, 1], [], []>, transpose_lhs_hint = false} : vector<64x8xf32>, vector<8x2560xf32>, vector<64x2560xf32> -> vector<64x2560xf32>
    %add3A_406 = arith.addf %add3A_400, %dot_general3A_405 : vector<64x2560xf32>
    %get3A_407 = arith.constant 0 : index
    %get3A_408 = vector.load %arg7[%get3A_407] : memref<64xf32, #tpu.memory_space<vmem>>, vector<64xf32>
    %broadcast_in_dim3A_409 = vector.shape_cast %get3A_408 : vector<64xf32> to vector<64x1xf32>
    %add3A_410 = vector.broadcast %broadcast_in_dim3A_409 : vector<64x1xf32> to vector<64x2560xf32>
    %add3A_411 = arith.addf %add3A_406, %add3A_410 : vector<64x2560xf32>
    %mul3A_412 = arith.constant -1.44269502 : f32
    %mul3A_413 = vector.broadcast %mul3A_412 : f32 to vector<64x2560xf32>
    %mul3A_414 = arith.mulf %add3A_411, %mul3A_413 : vector<64x2560xf32>
    %exp23A_415 = math.exp2 %mul3A_414 : vector<64x2560xf32>
    %add3A_416 = arith.constant 1.000000e+00 : f32
    %add3A_417 = vector.broadcast %add3A_416 : f32 to vector<64x2560xf32>
    %add3A_418 = arith.addf %add3A_417, %exp23A_415 : vector<64x2560xf32>
    %reciprocal3A_419 = tpu.reciprocal %add3A_418 {approx = true} : vector<64x2560xf32> -> vector<64x2560xf32>
    %mul3A_420 = arith.mulf %add3A_411, %reciprocal3A_419 : vector<64x2560xf32>
    %get3A_421 = arith.constant 0 : index
    %get3A_422 = arith.constant 0 : index
    %get3A_423 = vector.load %arg8[%get3A_421, %get3A_422] : memref<32x64xf32, #tpu.memory_space<vmem>>, vector<32x64xf32>
    %dot_general3A_424 = arith.constant dense<0.000000e+00> : vector<32x2560xf32>
    %dot_general3A_425 = tpu.matmul %get3A_423, %mul3A_420, %dot_general3A_424 {dimension_numbers = #tpu.dot_dimension_numbers<[1], [0], [0], [1], [0, 0, 1, 1], [], []>, transpose_lhs_hint = false} : vector<32x64xf32>, vector<64x2560xf32>, vector<32x2560xf32> -> vector<32x2560xf32>
    %get3A_426 = arith.constant 0 : index
    %get3A_427 = vector.load %arg9[%get3A_426] : memref<32xf32, #tpu.memory_space<vmem>>, vector<32xf32>
    %broadcast_in_dim3A_428 = vector.shape_cast %get3A_427 : vector<32xf32> to vector<32x1xf32>
    %add3A_429 = vector.broadcast %broadcast_in_dim3A_428 : vector<32x1xf32> to vector<32x2560xf32>
    %add3A_430 = arith.addf %dot_general3A_425, %add3A_429 : vector<32x2560xf32>
    %mul3A_431 = arith.constant -1.44269502 : f32
    %mul3A_432 = vector.broadcast %mul3A_431 : f32 to vector<32x2560xf32>
    %mul3A_433 = arith.mulf %add3A_430, %mul3A_432 : vector<32x2560xf32>
    %exp23A_434 = math.exp2 %mul3A_433 : vector<32x2560xf32>
    %add3A_435 = arith.constant 1.000000e+00 : f32
    %add3A_436 = vector.broadcast %add3A_435 : f32 to vector<32x2560xf32>
    %add3A_437 = arith.addf %add3A_436, %exp23A_434 : vector<32x2560xf32>
    %reciprocal3A_438 = tpu.reciprocal %add3A_437 {approx = true} : vector<32x2560xf32> -> vector<32x2560xf32>
    %mul3A_439 = arith.mulf %add3A_430, %reciprocal3A_438 : vector<32x2560xf32>
    %get3A_440 = arith.constant 0 : index
    %get3A_441 = arith.constant 0 : index
    %get3A_442 = vector.load %arg10[%get3A_440, %get3A_441] : memref<24x32xf32, #tpu.memory_space<vmem>>, vector<24x32xf32>
    %dot_general3A_443 = arith.constant dense<0.000000e+00> : vector<24x2560xf32>
    %dot_general3A_444 = tpu.matmul %get3A_442, %mul3A_439, %dot_general3A_443 {dimension_numbers = #tpu.dot_dimension_numbers<[1], [0], [0], [1], [0, 0, 1, 1], [], []>, transpose_lhs_hint = false} : vector<24x32xf32>, vector<32x2560xf32>, vector<24x2560xf32> -> vector<24x2560xf32>
    %get3A_445 = arith.constant 0 : index
    %get3A_446 = vector.load %arg11[%get3A_445] : memref<24xf32, #tpu.memory_space<vmem>>, vector<24xf32>
    %broadcast_in_dim3A_447 = vector.shape_cast %get3A_446 : vector<24xf32> to vector<24x1xf32>
    %add3A_448 = vector.broadcast %broadcast_in_dim3A_447 : vector<24x1xf32> to vector<24x2560xf32>
    %add3A_449 = arith.addf %dot_general3A_444, %add3A_448 : vector<24x2560xf32>
    %slice3A_450 = vector.extract_strided_slice %add3A_449 {offsets = [0, 0], sizes = [8, 2560], strides = [1, 1]} : vector<24x2560xf32> to vector<8x2560xf32>
    %add3A_451 = arith.addf %transpose3A_389, %slice3A_450 : vector<8x2560xf32>
    %jit3A_452 = arith.constant -1.000000e+02 : f32
    %jit3A_453 = arith.constant 1.000000e+02 : f32
    %max3A_454 = vector.broadcast %jit3A_452 : f32 to vector<8x2560xf32>
    %max3A_455 = arith.maximumf %max3A_454, %add3A_451 : vector<8x2560xf32>
    %min3A_456 = vector.broadcast %jit3A_453 : f32 to vector<8x2560xf32>
    %min3A_457 = arith.minimumf %min3A_456, %max3A_455 : vector<8x2560xf32>
    %transpose3A_458 = tpu.transpose %min3A_457, [1, 0] : vector<8x2560xf32> -> vector<2560x8xf32>
    %slice3A_459 = vector.extract_strided_slice %add3A_449 {offsets = [8, 0], sizes = [8, 2560], strides = [1, 1]} : vector<24x2560xf32> to vector<8x2560xf32>
    %slice3A_460 = vector.extract_strided_slice %add3A_449 {offsets = [16, 0], sizes = [8, 2560], strides = [1, 1]} : vector<24x2560xf32> to vector<8x2560xf32>
    %get3A_461 = arith.constant 0 : index
    %get3A_462 = arith.constant 0 : index
    %get3A_463 = vector.load %arg12[%get3A_461, %get3A_462] : memref<2x32xf32, #tpu.memory_space<vmem>>, vector<2x32xf32>
    %mul3A_464 = arith.mulf %slice3A_382, %slice3A_383 : vector<32x2560xf32>
    %dot_general3A_465 = arith.constant dense<0.000000e+00> : vector<2x2560xf32>
    %dot_general3A_466 = tpu.matmul %get3A_463, %mul3A_464, %dot_general3A_465 {dimension_numbers = #tpu.dot_dimension_numbers<[1], [0], [0], [1], [0, 0, 1, 1], [], []>, transpose_lhs_hint = false} : vector<2x32xf32>, vector<32x2560xf32>, vector<2x2560xf32> -> vector<2x2560xf32>
    %slice3A_467 = vector.extract_strided_slice %dot_general3A_466 {offsets = [0, 0], sizes = [1, 2560], strides = [1, 1]} : vector<2x2560xf32> to vector<1x2560xf32>
    %squeeze3A_468 = vector.shape_cast %slice3A_467 : vector<1x2560xf32> to vector<2560xf32>
    %slice3A_469 = vector.extract_strided_slice %dot_general3A_466 {offsets = [1, 0], sizes = [1, 2560], strides = [1, 1]} : vector<2x2560xf32> to vector<1x2560xf32>
    %squeeze3A_470 = vector.shape_cast %slice3A_469 : vector<1x2560xf32> to vector<2560xf32>
    %get3A_471 = arith.constant 3 : index
    %get3A_472 = arith.constant 0 : index
    %get3A_473 = arith.constant 0 : index
    %get3A_474 = vector.load %arg16[%get3A_471, %get3A_472, %get3A_473] : memref<8x1x128xf32, #tpu.memory_space<vmem>>, vector<1x1x128xf32>
    %get3A_475 = vector.shape_cast %get3A_474 : vector<1x1x128xf32> to vector<128xf32>
    %slice3A_476 = vector.extract_strided_slice %dot_general3A_466 {offsets = [0, 0], sizes = [1, 2560], strides = [1, 1]} : vector<2x2560xf32> to vector<1x2560xf32>
    %squeeze3A_477 = vector.shape_cast %slice3A_476 : vector<1x2560xf32> to vector<2560xf32>
    %reduce_max3A_478 = vector.shape_cast %squeeze3A_477 : vector<2560xf32> to vector<1x2560xf32>
    %reduce_max3A_479 = arith.constant dense<0xFF800000> : vector<1xf32>
    %reduce_max3A_480 = vector.multi_reduction <maximumf>, %reduce_max3A_478, %reduce_max3A_479 [1] : vector<1x2560xf32> to vector<1xf32>
    %reduce_max3A_481 = vector.shape_cast %reduce_max3A_480 : vector<1xf32> to vector<1x1xf32>
    %reduce_max3A_482 = vector.extract %reduce_max3A_481[0, 0] : f32 from vector<1x1xf32>
    %max3A_483 = vector.broadcast %reduce_max3A_482 : f32 to vector<128xf32>
    %max3A_484 = arith.maximumf %get3A_475, %max3A_483 : vector<128xf32>
    %swap3A_485 = arith.constant 3 : index
    %swap3A_486 = arith.constant 0 : index
    %swap3A_487 = arith.constant 0 : index
    %swap3A_488 = vector.load %arg16[%swap3A_485, %swap3A_486, %swap3A_487] : memref<8x1x128xf32, #tpu.memory_space<vmem>>, vector<1x1x128xf32>
    %swap3A_489 = vector.shape_cast %swap3A_488 : vector<1x1x128xf32> to vector<128xf32>
    %swap3A_490 = vector.shape_cast %max3A_484 : vector<128xf32> to vector<1x1x128xf32>
    tpu.vector_store %arg16[%swap3A_485, %swap3A_486, %swap3A_487], %swap3A_490 {strides = array<i32>} : memref<8x1x128xf32, #tpu.memory_space<vmem>>, vector<1x1x128xf32>,
    %get3A_491 = arith.constant 7 : index
    %get3A_492 = arith.constant 0 : index
    %get3A_493 = arith.constant 0 : index
    %get3A_494 = vector.load %arg16[%get3A_491, %get3A_492, %get3A_493] : memref<8x1x128xf32, #tpu.memory_space<vmem>>, vector<1x1x128xf32>
    %get3A_495 = vector.shape_cast %get3A_494 : vector<1x1x128xf32> to vector<128xf32>
    %slice3A_496 = vector.extract_strided_slice %dot_general3A_466 {offsets = [1, 0], sizes = [1, 2560], strides = [1, 1]} : vector<2x2560xf32> to vector<1x2560xf32>
    %squeeze3A_497 = vector.shape_cast %slice3A_496 : vector<1x2560xf32> to vector<2560xf32>
    %reduce_max3A_498 = vector.shape_cast %squeeze3A_497 : vector<2560xf32> to vector<1x2560xf32>
    %reduce_max3A_499 = arith.constant dense<0xFF800000> : vector<1xf32>
    %reduce_max3A_500 = vector.multi_reduction <maximumf>, %reduce_max3A_498, %reduce_max3A_499 [1] : vector<1x2560xf32> to vector<1xf32>
    %reduce_max3A_501 = vector.shape_cast %reduce_max3A_500 : vector<1xf32> to vector<1x1xf32>
    %reduce_max3A_502 = vector.extract %reduce_max3A_501[0, 0] : f32 from vector<1x1xf32>
    %max3A_503 = vector.broadcast %reduce_max3A_502 : f32 to vector<128xf32>
    %max3A_504 = arith.maximumf %get3A_495, %max3A_503 : vector<128xf32>
    %swap3A_505 = arith.constant 7 : index
    %swap3A_506 = arith.constant 0 : index
    %swap3A_507 = arith.constant 0 : index
    %swap3A_508 = vector.load %arg16[%swap3A_505, %swap3A_506, %swap3A_507] : memref<8x1x128xf32, #tpu.memory_space<vmem>>, vector<1x1x128xf32>
    %swap3A_509 = vector.shape_cast %swap3A_508 : vector<1x1x128xf32> to vector<128xf32>
    %swap3A_510 = vector.shape_cast %max3A_504 : vector<128xf32> to vector<1x1x128xf32>
    tpu.vector_store %arg16[%swap3A_505, %swap3A_506, %swap3A_507], %swap3A_510 {strides = array<i32>} : memref<8x1x128xf32, #tpu.memory_space<vmem>>, vector<1x1x128xf32>,
    %stack3A = vector.shape_cast %transpose3A_74 : vector<2560x8xf32> to vector<1x2560x8xf32>
    %stack3A_511 = vector.shape_cast %transpose3A_200 : vector<2560x8xf32> to vector<1x2560x8xf32>
    %stack3A_512 = vector.shape_cast %transpose3A_329 : vector<2560x8xf32> to vector<1x2560x8xf32>
    %stack3A_513 = vector.shape_cast %transpose3A_458 : vector<2560x8xf32> to vector<1x2560x8xf32>
    %stack3A_514 = tpu.concatenate %stack3A, %stack3A_511, %stack3A_512, %stack3A_513 in 0 : vector<1x2560x8xf32>, vector<1x2560x8xf32>, vector<1x2560x8xf32>, vector<1x2560x8xf32> -> vector<4x2560x8xf32>
    %swap3A_515 = arith.constant 0 : index
    %swap3A_516 = arith.constant 0 : index
    %swap3A_517 = arith.constant 0 : index
    %swap3A_518 = vector.load %arg13[%swap3A_515, %swap3A_516, %swap3A_517] : memref<4x2560x8xf32, #tpu.memory_space<vmem>>, vector<4x2560x8xf32>
    tpu.vector_store %arg13[%swap3A_515, %swap3A_516, %swap3A_517], %stack3A_514 {strides = array<i32>} : memref<4x2560x8xf32, #tpu.memory_space<vmem>>, vector<4x2560x8xf32>,
    %stack3A_519 = vector.shape_cast %slice3A_75 : vector<8x2560xf32> to vector<1x8x2560xf32>
    %stack3A_520 = vector.shape_cast %slice3A_201 : vector<8x2560xf32> to vector<1x8x2560xf32>
    %stack3A_521 = vector.shape_cast %slice3A_330 : vector<8x2560xf32> to vector<1x8x2560xf32>
    %stack3A_522 = vector.shape_cast %slice3A_459 : vector<8x2560xf32> to vector<1x8x2560xf32>
    %stack3A_523 = tpu.concatenate %stack3A_519, %stack3A_520, %stack3A_521, %stack3A_522 in 0 : vector<1x8x2560xf32>, vector<1x8x2560xf32>, vector<1x8x2560xf32>, vector<1x8x2560xf32> -> vector<4x8x2560xf32>
    %stack3A_524 = vector.shape_cast %slice3A_76 : vector<8x2560xf32> to vector<1x8x2560xf32>
    %stack3A_525 = vector.shape_cast %slice3A_202 : vector<8x2560xf32> to vector<1x8x2560xf32>
    %stack3A_526 = vector.shape_cast %slice3A_331 : vector<8x2560xf32> to vector<1x8x2560xf32>
    %stack3A_527 = vector.shape_cast %slice3A_460 : vector<8x2560xf32> to vector<1x8x2560xf32>
    %stack3A_528 = tpu.concatenate %stack3A_524, %stack3A_525, %stack3A_526, %stack3A_527 in 0 : vector<1x8x2560xf32>, vector<1x8x2560xf32>, vector<1x8x2560xf32>, vector<1x8x2560xf32> -> vector<4x8x2560xf32>
    %stack3A_529 = vector.shape_cast %stack3A_523 : vector<4x8x2560xf32> to vector<1x4x8x2560xf32>
    %stack3A_530 = vector.shape_cast %stack3A_528 : vector<4x8x2560xf32> to vector<1x4x8x2560xf32>
    %stack3A_531 = tpu.concatenate %stack3A_529, %stack3A_530 in 0 : vector<1x4x8x2560xf32>, vector<1x4x8x2560xf32> -> vector<2x4x8x2560xf32>
    %swap3A_532 = arith.constant 0 : index
    %swap3A_533 = arith.constant 0 : index
    %swap3A_534 = arith.constant 0 : index
    %swap3A_535 = arith.constant 0 : index
    %swap3A_536 = vector.load %arg14[%swap3A_532, %swap3A_533, %swap3A_534, %swap3A_535] : memref<2x4x8x2560xf32, #tpu.memory_space<vmem>>, vector<2x4x8x2560xf32>
    tpu.vector_store %arg14[%swap3A_532, %swap3A_533, %swap3A_534, %swap3A_535], %stack3A_531 {strides = array<i32>} : memref<2x4x8x2560xf32, #tpu.memory_space<vmem>>, vector<2x4x8x2560xf32>,
    %stack3A_537 = vector.shape_cast %squeeze3A : vector<2560xf32> to vector<1x2560xf32>
    %stack3A_538 = vector.shape_cast %squeeze3A_210 : vector<2560xf32> to vector<1x2560xf32>
    %stack3A_539 = vector.shape_cast %squeeze3A_339 : vector<2560xf32> to vector<1x2560xf32>
    %stack3A_540 = vector.shape_cast %squeeze3A_468 : vector<2560xf32> to vector<1x2560xf32>
    %stack3A_541 = vector.shape_cast %squeeze3A_85 : vector<2560xf32> to vector<1x2560xf32>
    %stack3A_542 = vector.shape_cast %squeeze3A_212 : vector<2560xf32> to vector<1x2560xf32>
    %stack3A_543 = vector.shape_cast %squeeze3A_341 : vector<2560xf32> to vector<1x2560xf32>
    %stack3A_544 = vector.shape_cast %squeeze3A_470 : vector<2560xf32> to vector<1x2560xf32>
    %stack3A_545 = tpu.concatenate %stack3A_537, %stack3A_538, %stack3A_539, %stack3A_540, %stack3A_541, %stack3A_542, %stack3A_543, %stack3A_544 in 0 : vector<1x2560xf32>, vector<1x2560xf32>, vector<1x2560xf32>, vector<1x2560xf32>, vector<1x2560xf32>, vector<1x2560xf32>, vector<1x2560xf32>, vector<1x2560xf32> -> vector<8x2560xf32>
    %broadcast_in_dim3A_546 = vector.shape_cast %stack3A_545 : vector<8x2560xf32> to vector<8x1x2560xf32>
    %swap3A_547 = arith.constant 0 : index
    %swap3A_548 = arith.constant 0 : index
    %swap3A_549 = arith.constant 0 : index
    %swap3A_550 = vector.load %arg15[%swap3A_547, %swap3A_548, %swap3A_549] : memref<8x1x2560xf32, #tpu.memory_space<vmem>>, vector<8x1x2560xf32>
    tpu.vector_store %arg15[%swap3A_547, %swap3A_548, %swap3A_549], %broadcast_in_dim3A_546 {strides = array<i32>} : memref<8x1x2560xf32, #tpu.memory_space<vmem>>, vector<8x1x2560xf32>,
    return
  }
  func.func @transform_0(%arg0: i32) -> (i32, i32) {
    %c0_i32 = arith.constant 0 : i32
    %c0_i32_0 = arith.constant 0 : i32
    return %arg0, %c0_i32 : i32, i32
  }
  func.func @transform_1(%arg0: i32) -> (i32, i32) {
    %c0_i32 = arith.constant 0 : i32
    %c0_i32_0 = arith.constant 0 : i32
    return %arg0, %c0_i32 : i32, i32
  }
  func.func @transform_2(%arg0: i32) -> (i32, i32, i32) {
    %c0_i32 = arith.constant 0 : i32
    %c0_i32_0 = arith.constant 0 : i32
    %c0_i32_1 = arith.constant 0 : i32
    return %c0_i32, %arg0, %c0_i32_0 : i32, i32, i32
  }
  func.func @transform_3(%arg0: i32) -> (i32, i32) {
    %c0_i32 = arith.constant 0 : i32
    %c0_i32_0 = arith.constant 0 : i32
    %c0_i32_1 = arith.constant 0 : i32
    return %c0_i32, %c0_i32_0 : i32, i32
  }
  func.func @transform_4(%arg0: i32) -> (i32, i32) {
    %c0_i32 = arith.constant 0 : i32
    %c0_i32_0 = arith.constant 0 : i32
    %c0_i32_1 = arith.constant 0 : i32
    return %c0_i32, %c0_i32_0 : i32, i32
  }
  func.func @transform_5(%arg0: i32) -> (i32, i32) {
    %c0_i32 = arith.constant 0 : i32
    %c0_i32_0 = arith.constant 0 : i32
    %c0_i32_1 = arith.constant 0 : i32
    return %c0_i32, %c0_i32_0 : i32, i32
  }
  func.func @transform_6(%arg0: i32) -> i32 {
    %c0_i32 = arith.constant 0 : i32
    %c0_i32_0 = arith.constant 0 : i32
    return %c0_i32 : i32
  }
  func.func @transform_7(%arg0: i32) -> (i32, i32) {
    %c0_i32 = arith.constant 0 : i32
    %c0_i32_0 = arith.constant 0 : i32
    %c0_i32_1 = arith.constant 0 : i32
    return %c0_i32, %c0_i32_0 : i32, i32
  }
  func.func @transform_8(%arg0: i32) -> i32 {
    %c0_i32 = arith.constant 0 : i32
    %c0_i32_0 = arith.constant 0 : i32
    return %c0_i32 : i32
  }
  func.func @transform_9(%arg0: i32) -> (i32, i32) {
    %c0_i32 = arith.constant 0 : i32
    %c0_i32_0 = arith.constant 0 : i32
    %c0_i32_1 = arith.constant 0 : i32
    return %c0_i32, %c0_i32_0 : i32, i32
  }
  func.func @transform_10(%arg0: i32) -> i32 {
    %c0_i32 = arith.constant 0 : i32
    %c0_i32_0 = arith.constant 0 : i32
    return %c0_i32 : i32
  }
  func.func @transform_11(%arg0: i32) -> (i32, i32) {
    %c0_i32 = arith.constant 0 : i32
    %c0_i32_0 = arith.constant 0 : i32
    %c0_i32_1 = arith.constant 0 : i32
    return %c0_i32, %c0_i32_0 : i32, i32
  }
  func.func @transform_12(%arg0: i32) -> (i32, i32, i32) {
    %c0_i32 = arith.constant 0 : i32
    %c0_i32_0 = arith.constant 0 : i32
    %c0_i32_1 = arith.constant 0 : i32
    return %c0_i32, %arg0, %c0_i32_0 : i32, i32, i32
  }
  func.func @transform_13(%arg0: i32) -> (i32, i32, i32, i32) {
    %c0_i32 = arith.constant 0 : i32
    %c0_i32_0 = arith.constant 0 : i32
    %c0_i32_1 = arith.constant 0 : i32
    %c0_i32_2 = arith.constant 0 : i32
    return %c0_i32, %c0_i32_0, %c0_i32_1, %arg0 : i32, i32, i32, i32
  }
  func.func @transform_14(%arg0: i32) -> (i32, i32, i32) {
    %c0_i32 = arith.constant 0 : i32
    %c0_i32_0 = arith.constant 0 : i32
    %c0_i32_1 = arith.constant 0 : i32
    return %c0_i32, %c0_i32_0, %arg0 : i32, i32, i32
  }
  func.func @transform_15(%arg0: i32) -> (i32, i32, i32) {
    %c0_i32 = arith.constant 0 : i32
    %c0_i32_0 = arith.constant 0 : i32
    %c0_i32_1 = arith.constant 0 : i32
    %c0_i32_2 = arith.constant 0 : i32
    return %c0_i32, %c0_i32_0, %c0_i32_1 : i32, i32, i32
  }
}

module attributes {stable_mosaic.version = 14 : i64} {
  func.func @_final_body(%arg0: i32, %arg1: memref<32x400x10xf32, #tpu.memory_space<vmem>>, %arg2: memref<4x400x8xf32, #tpu.memory_space<vmem>>, %arg3: memref<4x400x6xf32, #tpu.memory_space<vmem>>, %arg4: memref<30x64xf32, #tpu.memory_space<vmem>>, %arg5: memref<64xf32, #tpu.memory_space<vmem>>, %arg6: memref<64x32xf32, #tpu.memory_space<vmem>>, %arg7: memref<32xf32, #tpu.memory_space<vmem>>, %arg8: memref<32x8xf32, #tpu.memory_space<vmem>>, %arg9: memref<8xf32, #tpu.memory_space<vmem>>, %arg10: memref<4x400x8xf32, #tpu.memory_space<vmem>>) attributes {dimension_semantics = [#tpu.dimension_semantics<arbitrary>], iteration_bounds = array<i64: 25>, scalar_prefetch = 0 : i64, scratch_operands = 0 : i64, tpu.core_type = #tpu.core_type<tc>, window_params = [{transform_indices = @transform_0, window_bounds = array<i64: 32, 400, 10>}, {transform_indices = @transform_1, window_bounds = array<i64: 4, 400, 8>}, {transform_indices = @transform_2, window_bounds = array<i64: 4, 400, 6>}, {pipeline_mode = #tpu.pipeline_mode<synchronous>, transform_indices = @transform_3, window_bounds = array<i64: 30, 64>}, {pipeline_mode = #tpu.pipeline_mode<synchronous>, transform_indices = @transform_4, window_bounds = array<i64: 64>}, {pipeline_mode = #tpu.pipeline_mode<synchronous>, transform_indices = @transform_5, window_bounds = array<i64: 64, 32>}, {pipeline_mode = #tpu.pipeline_mode<synchronous>, transform_indices = @transform_6, window_bounds = array<i64: 32>}, {pipeline_mode = #tpu.pipeline_mode<synchronous>, transform_indices = @transform_7, window_bounds = array<i64: 32, 8>}, {pipeline_mode = #tpu.pipeline_mode<synchronous>, transform_indices = @transform_8, window_bounds = array<i64: 8>}, {transform_indices = @transform_9, window_bounds = array<i64: 4, 400, 8>}]} {
    %get3A = arith.constant 0 : index
    %get3A_0 = arith.constant 0 : index
    %get3A_1 = arith.constant 0 : index
    %get3A_2 = vector.load %arg1[%get3A, %get3A_0, %get3A_1] : memref<32x400x10xf32, #tpu.memory_space<vmem>>, vector<32x400x10xf32>
    %reshape3A = vector.shape_cast %get3A_2 : vector<32x400x10xf32> to vector<8x4x400x10xf32>
    %reduce_sum3A = arith.constant dense<0.000000e+00> : vector<8x400x10xf32>
    %reduce_sum3A_3 = vector.multi_reduction <add>, %reshape3A, %reduce_sum3A [1] : vector<8x4x400x10xf32> to vector<8x400x10xf32>
    %slice3A = vector.extract_strided_slice %reduce_sum3A_3 {offsets = [0, 0, 8], sizes = [1, 400, 1], strides = [1, 1, 1]} : vector<8x400x10xf32> to vector<1x400x1xf32>
    %squeeze3A = vector.shape_cast %slice3A : vector<1x400x1xf32> to vector<400xf32>
    %max3A = arith.constant 1.000000e-30 : f32
    %max3A_4 = vector.broadcast %max3A : f32 to vector<400xf32>
    %max3A_5 = arith.maximumf %squeeze3A, %max3A_4 : vector<400xf32>
    %slice3A_6 = vector.extract_strided_slice %reduce_sum3A_3 {offsets = [0, 0, 0], sizes = [1, 400, 8], strides = [1, 1, 1]} : vector<8x400x10xf32> to vector<1x400x8xf32>
    %squeeze3A_7 = vector.shape_cast %slice3A_6 : vector<1x400x8xf32> to vector<400x8xf32>
    %broadcast_in_dim3A = vector.shape_cast %max3A_5 : vector<400xf32> to vector<400x1xf32>
    %div3A = vector.broadcast %broadcast_in_dim3A : vector<400x1xf32> to vector<400x8xf32>
    %div3A_8 = arith.divf %squeeze3A_7, %div3A : vector<400x8xf32>
    %slice3A_9 = vector.extract_strided_slice %reduce_sum3A_3 {offsets = [4, 0, 8], sizes = [1, 400, 1], strides = [1, 1, 1]} : vector<8x400x10xf32> to vector<1x400x1xf32>
    %squeeze3A_10 = vector.shape_cast %slice3A_9 : vector<1x400x1xf32> to vector<400xf32>
    %max3A_11 = arith.constant 1.000000e-30 : f32
    %max3A_12 = vector.broadcast %max3A_11 : f32 to vector<400xf32>
    %max3A_13 = arith.maximumf %squeeze3A_10, %max3A_12 : vector<400xf32>
    %slice3A_14 = vector.extract_strided_slice %reduce_sum3A_3 {offsets = [4, 0, 0], sizes = [1, 400, 8], strides = [1, 1, 1]} : vector<8x400x10xf32> to vector<1x400x8xf32>
    %squeeze3A_15 = vector.shape_cast %slice3A_14 : vector<1x400x8xf32> to vector<400x8xf32>
    %broadcast_in_dim3A_16 = vector.shape_cast %max3A_13 : vector<400xf32> to vector<400x1xf32>
    %div3A_17 = vector.broadcast %broadcast_in_dim3A_16 : vector<400x1xf32> to vector<400x8xf32>
    %div3A_18 = arith.divf %squeeze3A_15, %div3A_17 : vector<400x8xf32>
    %get3A_19 = arith.constant 0 : index
    %get3A_20 = arith.constant 0 : index
    %get3A_21 = arith.constant 0 : index
    %get3A_22 = vector.load %arg2[%get3A_19, %get3A_20, %get3A_21] : memref<4x400x8xf32, #tpu.memory_space<vmem>>, vector<1x400x8xf32>
    %get3A_23 = vector.shape_cast %get3A_22 : vector<1x400x8xf32> to vector<400x8xf32>
    %get3A_24 = arith.constant 0 : index
    %get3A_25 = arith.constant 0 : index
    %get3A_26 = arith.constant 0 : index
    %get3A_27 = vector.load %arg3[%get3A_24, %get3A_25, %get3A_26] : memref<4x400x6xf32, #tpu.memory_space<vmem>>, vector<1x400x6xf32>
    %get3A_28 = vector.shape_cast %get3A_27 : vector<1x400x6xf32> to vector<400x6xf32>
    %concatenate3A = tpu.concatenate %get3A_23, %div3A_8, %div3A_18, %get3A_28 in 1 : vector<400x8xf32>, vector<400x8xf32>, vector<400x8xf32>, vector<400x6xf32> -> vector<400x30xf32>
    %get3A_29 = arith.constant 0 : index
    %get3A_30 = arith.constant 0 : index
    %get3A_31 = vector.load %arg4[%get3A_29, %get3A_30] : memref<30x64xf32, #tpu.memory_space<vmem>>, vector<30x64xf32>
    %get3A_32 = arith.constant 0 : index
    %get3A_33 = vector.load %arg5[%get3A_32] : memref<64xf32, #tpu.memory_space<vmem>>, vector<64xf32>
    %get3A_34 = arith.constant 0 : index
    %get3A_35 = arith.constant 0 : index
    %get3A_36 = vector.load %arg6[%get3A_34, %get3A_35] : memref<64x32xf32, #tpu.memory_space<vmem>>, vector<64x32xf32>
    %get3A_37 = arith.constant 0 : index
    %get3A_38 = vector.load %arg7[%get3A_37] : memref<32xf32, #tpu.memory_space<vmem>>, vector<32xf32>
    %get3A_39 = arith.constant 0 : index
    %get3A_40 = arith.constant 0 : index
    %get3A_41 = vector.load %arg8[%get3A_39, %get3A_40] : memref<32x8xf32, #tpu.memory_space<vmem>>, vector<32x8xf32>
    %get3A_42 = arith.constant 0 : index
    %get3A_43 = vector.load %arg9[%get3A_42] : memref<8xf32, #tpu.memory_space<vmem>>, vector<8xf32>
    %dot_general3A = arith.constant dense<0.000000e+00> : vector<400x64xf32>
    %dot_general3A_44 = tpu.matmul %concatenate3A, %get3A_31, %dot_general3A {dimension_numbers = #tpu.dot_dimension_numbers<[1], [0], [0], [1], [0, 0, 1, 1], [], []>, transpose_lhs_hint = false} : vector<400x30xf32>, vector<30x64xf32>, vector<400x64xf32> -> vector<400x64xf32>
    %broadcast_in_dim3A_45 = vector.shape_cast %get3A_33 : vector<64xf32> to vector<1x64xf32>
    %add3A = vector.broadcast %broadcast_in_dim3A_45 : vector<1x64xf32> to vector<400x64xf32>
    %add3A_46 = arith.addf %dot_general3A_44, %add3A : vector<400x64xf32>
    %mul3A = arith.constant -1.44269502 : f32
    %mul3A_47 = vector.broadcast %mul3A : f32 to vector<400x64xf32>
    %mul3A_48 = arith.mulf %add3A_46, %mul3A_47 : vector<400x64xf32>
    %exp23A = math.exp2 %mul3A_48 : vector<400x64xf32>
    %add3A_49 = arith.constant 1.000000e+00 : f32
    %add3A_50 = vector.broadcast %add3A_49 : f32 to vector<400x64xf32>
    %add3A_51 = arith.addf %add3A_50, %exp23A : vector<400x64xf32>
    %reciprocal3A = tpu.reciprocal %add3A_51 {approx = true} : vector<400x64xf32> -> vector<400x64xf32>
    %mul3A_52 = arith.mulf %add3A_46, %reciprocal3A : vector<400x64xf32>
    %dot_general3A_53 = arith.constant dense<0.000000e+00> : vector<400x32xf32>
    %dot_general3A_54 = tpu.matmul %mul3A_52, %get3A_36, %dot_general3A_53 {dimension_numbers = #tpu.dot_dimension_numbers<[1], [0], [0], [1], [0, 0, 1, 1], [], []>, transpose_lhs_hint = false} : vector<400x64xf32>, vector<64x32xf32>, vector<400x32xf32> -> vector<400x32xf32>
    %broadcast_in_dim3A_55 = vector.shape_cast %get3A_38 : vector<32xf32> to vector<1x32xf32>
    %add3A_56 = vector.broadcast %broadcast_in_dim3A_55 : vector<1x32xf32> to vector<400x32xf32>
    %add3A_57 = arith.addf %dot_general3A_54, %add3A_56 : vector<400x32xf32>
    %mul3A_58 = arith.constant -1.44269502 : f32
    %mul3A_59 = vector.broadcast %mul3A_58 : f32 to vector<400x32xf32>
    %mul3A_60 = arith.mulf %add3A_57, %mul3A_59 : vector<400x32xf32>
    %exp23A_61 = math.exp2 %mul3A_60 : vector<400x32xf32>
    %add3A_62 = arith.constant 1.000000e+00 : f32
    %add3A_63 = vector.broadcast %add3A_62 : f32 to vector<400x32xf32>
    %add3A_64 = arith.addf %add3A_63, %exp23A_61 : vector<400x32xf32>
    %reciprocal3A_65 = tpu.reciprocal %add3A_64 {approx = true} : vector<400x32xf32> -> vector<400x32xf32>
    %mul3A_66 = arith.mulf %add3A_57, %reciprocal3A_65 : vector<400x32xf32>
    %dot_general3A_67 = arith.constant dense<0.000000e+00> : vector<400x8xf32>
    %dot_general3A_68 = tpu.matmul %mul3A_66, %get3A_41, %dot_general3A_67 {dimension_numbers = #tpu.dot_dimension_numbers<[1], [0], [0], [1], [0, 0, 1, 1], [], []>, transpose_lhs_hint = false} : vector<400x32xf32>, vector<32x8xf32>, vector<400x8xf32> -> vector<400x8xf32>
    %broadcast_in_dim3A_69 = vector.shape_cast %get3A_43 : vector<8xf32> to vector<1x8xf32>
    %add3A_70 = vector.broadcast %broadcast_in_dim3A_69 : vector<1x8xf32> to vector<400x8xf32>
    %add3A_71 = arith.addf %dot_general3A_68, %add3A_70 : vector<400x8xf32>
    %get3A_72 = arith.constant 0 : index
    %get3A_73 = arith.constant 0 : index
    %get3A_74 = arith.constant 0 : index
    %get3A_75 = vector.load %arg2[%get3A_72, %get3A_73, %get3A_74] : memref<4x400x8xf32, #tpu.memory_space<vmem>>, vector<1x400x8xf32>
    %get3A_76 = vector.shape_cast %get3A_75 : vector<1x400x8xf32> to vector<400x8xf32>
    %add3A_77 = arith.addf %get3A_76, %add3A_71 : vector<400x8xf32>
    %jit3A = arith.constant -1.000000e+02 : f32
    %jit3A_78 = arith.constant 1.000000e+02 : f32
    %max3A_79 = vector.broadcast %jit3A : f32 to vector<400x8xf32>
    %max3A_80 = arith.maximumf %max3A_79, %add3A_77 : vector<400x8xf32>
    %min3A = vector.broadcast %jit3A_78 : f32 to vector<400x8xf32>
    %min3A_81 = arith.minimumf %min3A, %max3A_80 : vector<400x8xf32>
    %slice3A_82 = vector.extract_strided_slice %reduce_sum3A_3 {offsets = [1, 0, 8], sizes = [1, 400, 1], strides = [1, 1, 1]} : vector<8x400x10xf32> to vector<1x400x1xf32>
    %squeeze3A_83 = vector.shape_cast %slice3A_82 : vector<1x400x1xf32> to vector<400xf32>
    %max3A_84 = arith.constant 1.000000e-30 : f32
    %max3A_85 = vector.broadcast %max3A_84 : f32 to vector<400xf32>
    %max3A_86 = arith.maximumf %squeeze3A_83, %max3A_85 : vector<400xf32>
    %slice3A_87 = vector.extract_strided_slice %reduce_sum3A_3 {offsets = [1, 0, 0], sizes = [1, 400, 8], strides = [1, 1, 1]} : vector<8x400x10xf32> to vector<1x400x8xf32>
    %squeeze3A_88 = vector.shape_cast %slice3A_87 : vector<1x400x8xf32> to vector<400x8xf32>
    %broadcast_in_dim3A_89 = vector.shape_cast %max3A_86 : vector<400xf32> to vector<400x1xf32>
    %div3A_90 = vector.broadcast %broadcast_in_dim3A_89 : vector<400x1xf32> to vector<400x8xf32>
    %div3A_91 = arith.divf %squeeze3A_88, %div3A_90 : vector<400x8xf32>
    %slice3A_92 = vector.extract_strided_slice %reduce_sum3A_3 {offsets = [5, 0, 8], sizes = [1, 400, 1], strides = [1, 1, 1]} : vector<8x400x10xf32> to vector<1x400x1xf32>
    %squeeze3A_93 = vector.shape_cast %slice3A_92 : vector<1x400x1xf32> to vector<400xf32>
    %max3A_94 = arith.constant 1.000000e-30 : f32
    %max3A_95 = vector.broadcast %max3A_94 : f32 to vector<400xf32>
    %max3A_96 = arith.maximumf %squeeze3A_93, %max3A_95 : vector<400xf32>
    %slice3A_97 = vector.extract_strided_slice %reduce_sum3A_3 {offsets = [5, 0, 0], sizes = [1, 400, 8], strides = [1, 1, 1]} : vector<8x400x10xf32> to vector<1x400x8xf32>
    %squeeze3A_98 = vector.shape_cast %slice3A_97 : vector<1x400x8xf32> to vector<400x8xf32>
    %broadcast_in_dim3A_99 = vector.shape_cast %max3A_96 : vector<400xf32> to vector<400x1xf32>
    %div3A_100 = vector.broadcast %broadcast_in_dim3A_99 : vector<400x1xf32> to vector<400x8xf32>
    %div3A_101 = arith.divf %squeeze3A_98, %div3A_100 : vector<400x8xf32>
    %get3A_102 = arith.constant 1 : index
    %get3A_103 = arith.constant 0 : index
    %get3A_104 = arith.constant 0 : index
    %get3A_105 = vector.load %arg2[%get3A_102, %get3A_103, %get3A_104] : memref<4x400x8xf32, #tpu.memory_space<vmem>>, vector<1x400x8xf32>
    %get3A_106 = vector.shape_cast %get3A_105 : vector<1x400x8xf32> to vector<400x8xf32>
    %get3A_107 = arith.constant 1 : index
    %get3A_108 = arith.constant 0 : index
    %get3A_109 = arith.constant 0 : index
    %get3A_110 = vector.load %arg3[%get3A_107, %get3A_108, %get3A_109] : memref<4x400x6xf32, #tpu.memory_space<vmem>>, vector<1x400x6xf32>
    %get3A_111 = vector.shape_cast %get3A_110 : vector<1x400x6xf32> to vector<400x6xf32>
    %concatenate3A_112 = tpu.concatenate %get3A_106, %div3A_91, %div3A_101, %get3A_111 in 1 : vector<400x8xf32>, vector<400x8xf32>, vector<400x8xf32>, vector<400x6xf32> -> vector<400x30xf32>
    %get3A_113 = arith.constant 0 : index
    %get3A_114 = arith.constant 0 : index
    %get3A_115 = vector.load %arg4[%get3A_113, %get3A_114] : memref<30x64xf32, #tpu.memory_space<vmem>>, vector<30x64xf32>
    %get3A_116 = arith.constant 0 : index
    %get3A_117 = vector.load %arg5[%get3A_116] : memref<64xf32, #tpu.memory_space<vmem>>, vector<64xf32>
    %get3A_118 = arith.constant 0 : index
    %get3A_119 = arith.constant 0 : index
    %get3A_120 = vector.load %arg6[%get3A_118, %get3A_119] : memref<64x32xf32, #tpu.memory_space<vmem>>, vector<64x32xf32>
    %get3A_121 = arith.constant 0 : index
    %get3A_122 = vector.load %arg7[%get3A_121] : memref<32xf32, #tpu.memory_space<vmem>>, vector<32xf32>
    %get3A_123 = arith.constant 0 : index
    %get3A_124 = arith.constant 0 : index
    %get3A_125 = vector.load %arg8[%get3A_123, %get3A_124] : memref<32x8xf32, #tpu.memory_space<vmem>>, vector<32x8xf32>
    %get3A_126 = arith.constant 0 : index
    %get3A_127 = vector.load %arg9[%get3A_126] : memref<8xf32, #tpu.memory_space<vmem>>, vector<8xf32>
    %dot_general3A_128 = arith.constant dense<0.000000e+00> : vector<400x64xf32>
    %dot_general3A_129 = tpu.matmul %concatenate3A_112, %get3A_115, %dot_general3A_128 {dimension_numbers = #tpu.dot_dimension_numbers<[1], [0], [0], [1], [0, 0, 1, 1], [], []>, transpose_lhs_hint = false} : vector<400x30xf32>, vector<30x64xf32>, vector<400x64xf32> -> vector<400x64xf32>
    %broadcast_in_dim3A_130 = vector.shape_cast %get3A_117 : vector<64xf32> to vector<1x64xf32>
    %add3A_131 = vector.broadcast %broadcast_in_dim3A_130 : vector<1x64xf32> to vector<400x64xf32>
    %add3A_132 = arith.addf %dot_general3A_129, %add3A_131 : vector<400x64xf32>
    %mul3A_133 = arith.constant -1.44269502 : f32
    %mul3A_134 = vector.broadcast %mul3A_133 : f32 to vector<400x64xf32>
    %mul3A_135 = arith.mulf %add3A_132, %mul3A_134 : vector<400x64xf32>
    %exp23A_136 = math.exp2 %mul3A_135 : vector<400x64xf32>
    %add3A_137 = arith.constant 1.000000e+00 : f32
    %add3A_138 = vector.broadcast %add3A_137 : f32 to vector<400x64xf32>
    %add3A_139 = arith.addf %add3A_138, %exp23A_136 : vector<400x64xf32>
    %reciprocal3A_140 = tpu.reciprocal %add3A_139 {approx = true} : vector<400x64xf32> -> vector<400x64xf32>
    %mul3A_141 = arith.mulf %add3A_132, %reciprocal3A_140 : vector<400x64xf32>
    %dot_general3A_142 = arith.constant dense<0.000000e+00> : vector<400x32xf32>
    %dot_general3A_143 = tpu.matmul %mul3A_141, %get3A_120, %dot_general3A_142 {dimension_numbers = #tpu.dot_dimension_numbers<[1], [0], [0], [1], [0, 0, 1, 1], [], []>, transpose_lhs_hint = false} : vector<400x64xf32>, vector<64x32xf32>, vector<400x32xf32> -> vector<400x32xf32>
    %broadcast_in_dim3A_144 = vector.shape_cast %get3A_122 : vector<32xf32> to vector<1x32xf32>
    %add3A_145 = vector.broadcast %broadcast_in_dim3A_144 : vector<1x32xf32> to vector<400x32xf32>
    %add3A_146 = arith.addf %dot_general3A_143, %add3A_145 : vector<400x32xf32>
    %mul3A_147 = arith.constant -1.44269502 : f32
    %mul3A_148 = vector.broadcast %mul3A_147 : f32 to vector<400x32xf32>
    %mul3A_149 = arith.mulf %add3A_146, %mul3A_148 : vector<400x32xf32>
    %exp23A_150 = math.exp2 %mul3A_149 : vector<400x32xf32>
    %add3A_151 = arith.constant 1.000000e+00 : f32
    %add3A_152 = vector.broadcast %add3A_151 : f32 to vector<400x32xf32>
    %add3A_153 = arith.addf %add3A_152, %exp23A_150 : vector<400x32xf32>
    %reciprocal3A_154 = tpu.reciprocal %add3A_153 {approx = true} : vector<400x32xf32> -> vector<400x32xf32>
    %mul3A_155 = arith.mulf %add3A_146, %reciprocal3A_154 : vector<400x32xf32>
    %dot_general3A_156 = arith.constant dense<0.000000e+00> : vector<400x8xf32>
    %dot_general3A_157 = tpu.matmul %mul3A_155, %get3A_125, %dot_general3A_156 {dimension_numbers = #tpu.dot_dimension_numbers<[1], [0], [0], [1], [0, 0, 1, 1], [], []>, transpose_lhs_hint = false} : vector<400x32xf32>, vector<32x8xf32>, vector<400x8xf32> -> vector<400x8xf32>
    %broadcast_in_dim3A_158 = vector.shape_cast %get3A_127 : vector<8xf32> to vector<1x8xf32>
    %add3A_159 = vector.broadcast %broadcast_in_dim3A_158 : vector<1x8xf32> to vector<400x8xf32>
    %add3A_160 = arith.addf %dot_general3A_157, %add3A_159 : vector<400x8xf32>
    %get3A_161 = arith.constant 1 : index
    %get3A_162 = arith.constant 0 : index
    %get3A_163 = arith.constant 0 : index
    %get3A_164 = vector.load %arg2[%get3A_161, %get3A_162, %get3A_163] : memref<4x400x8xf32, #tpu.memory_space<vmem>>, vector<1x400x8xf32>
    %get3A_165 = vector.shape_cast %get3A_164 : vector<1x400x8xf32> to vector<400x8xf32>
    %add3A_166 = arith.addf %get3A_165, %add3A_160 : vector<400x8xf32>
    %jit3A_167 = arith.constant -1.000000e+02 : f32
    %jit3A_168 = arith.constant 1.000000e+02 : f32
    %max3A_169 = vector.broadcast %jit3A_167 : f32 to vector<400x8xf32>
    %max3A_170 = arith.maximumf %max3A_169, %add3A_166 : vector<400x8xf32>
    %min3A_171 = vector.broadcast %jit3A_168 : f32 to vector<400x8xf32>
    %min3A_172 = arith.minimumf %min3A_171, %max3A_170 : vector<400x8xf32>
    %slice3A_173 = vector.extract_strided_slice %reduce_sum3A_3 {offsets = [2, 0, 8], sizes = [1, 400, 1], strides = [1, 1, 1]} : vector<8x400x10xf32> to vector<1x400x1xf32>
    %squeeze3A_174 = vector.shape_cast %slice3A_173 : vector<1x400x1xf32> to vector<400xf32>
    %max3A_175 = arith.constant 1.000000e-30 : f32
    %max3A_176 = vector.broadcast %max3A_175 : f32 to vector<400xf32>
    %max3A_177 = arith.maximumf %squeeze3A_174, %max3A_176 : vector<400xf32>
    %slice3A_178 = vector.extract_strided_slice %reduce_sum3A_3 {offsets = [2, 0, 0], sizes = [1, 400, 8], strides = [1, 1, 1]} : vector<8x400x10xf32> to vector<1x400x8xf32>
    %squeeze3A_179 = vector.shape_cast %slice3A_178 : vector<1x400x8xf32> to vector<400x8xf32>
    %broadcast_in_dim3A_180 = vector.shape_cast %max3A_177 : vector<400xf32> to vector<400x1xf32>
    %div3A_181 = vector.broadcast %broadcast_in_dim3A_180 : vector<400x1xf32> to vector<400x8xf32>
    %div3A_182 = arith.divf %squeeze3A_179, %div3A_181 : vector<400x8xf32>
    %slice3A_183 = vector.extract_strided_slice %reduce_sum3A_3 {offsets = [6, 0, 8], sizes = [1, 400, 1], strides = [1, 1, 1]} : vector<8x400x10xf32> to vector<1x400x1xf32>
    %squeeze3A_184 = vector.shape_cast %slice3A_183 : vector<1x400x1xf32> to vector<400xf32>
    %max3A_185 = arith.constant 1.000000e-30 : f32
    %max3A_186 = vector.broadcast %max3A_185 : f32 to vector<400xf32>
    %max3A_187 = arith.maximumf %squeeze3A_184, %max3A_186 : vector<400xf32>
    %slice3A_188 = vector.extract_strided_slice %reduce_sum3A_3 {offsets = [6, 0, 0], sizes = [1, 400, 8], strides = [1, 1, 1]} : vector<8x400x10xf32> to vector<1x400x8xf32>
    %squeeze3A_189 = vector.shape_cast %slice3A_188 : vector<1x400x8xf32> to vector<400x8xf32>
    %broadcast_in_dim3A_190 = vector.shape_cast %max3A_187 : vector<400xf32> to vector<400x1xf32>
    %div3A_191 = vector.broadcast %broadcast_in_dim3A_190 : vector<400x1xf32> to vector<400x8xf32>
    %div3A_192 = arith.divf %squeeze3A_189, %div3A_191 : vector<400x8xf32>
    %get3A_193 = arith.constant 2 : index
    %get3A_194 = arith.constant 0 : index
    %get3A_195 = arith.constant 0 : index
    %get3A_196 = vector.load %arg2[%get3A_193, %get3A_194, %get3A_195] : memref<4x400x8xf32, #tpu.memory_space<vmem>>, vector<1x400x8xf32>
    %get3A_197 = vector.shape_cast %get3A_196 : vector<1x400x8xf32> to vector<400x8xf32>
    %get3A_198 = arith.constant 2 : index
    %get3A_199 = arith.constant 0 : index
    %get3A_200 = arith.constant 0 : index
    %get3A_201 = vector.load %arg3[%get3A_198, %get3A_199, %get3A_200] : memref<4x400x6xf32, #tpu.memory_space<vmem>>, vector<1x400x6xf32>
    %get3A_202 = vector.shape_cast %get3A_201 : vector<1x400x6xf32> to vector<400x6xf32>
    %concatenate3A_203 = tpu.concatenate %get3A_197, %div3A_182, %div3A_192, %get3A_202 in 1 : vector<400x8xf32>, vector<400x8xf32>, vector<400x8xf32>, vector<400x6xf32> -> vector<400x30xf32>
    %get3A_204 = arith.constant 0 : index
    %get3A_205 = arith.constant 0 : index
    %get3A_206 = vector.load %arg4[%get3A_204, %get3A_205] : memref<30x64xf32, #tpu.memory_space<vmem>>, vector<30x64xf32>
    %get3A_207 = arith.constant 0 : index
    %get3A_208 = vector.load %arg5[%get3A_207] : memref<64xf32, #tpu.memory_space<vmem>>, vector<64xf32>
    %get3A_209 = arith.constant 0 : index
    %get3A_210 = arith.constant 0 : index
    %get3A_211 = vector.load %arg6[%get3A_209, %get3A_210] : memref<64x32xf32, #tpu.memory_space<vmem>>, vector<64x32xf32>
    %get3A_212 = arith.constant 0 : index
    %get3A_213 = vector.load %arg7[%get3A_212] : memref<32xf32, #tpu.memory_space<vmem>>, vector<32xf32>
    %get3A_214 = arith.constant 0 : index
    %get3A_215 = arith.constant 0 : index
    %get3A_216 = vector.load %arg8[%get3A_214, %get3A_215] : memref<32x8xf32, #tpu.memory_space<vmem>>, vector<32x8xf32>
    %get3A_217 = arith.constant 0 : index
    %get3A_218 = vector.load %arg9[%get3A_217] : memref<8xf32, #tpu.memory_space<vmem>>, vector<8xf32>
    %dot_general3A_219 = arith.constant dense<0.000000e+00> : vector<400x64xf32>
    %dot_general3A_220 = tpu.matmul %concatenate3A_203, %get3A_206, %dot_general3A_219 {dimension_numbers = #tpu.dot_dimension_numbers<[1], [0], [0], [1], [0, 0, 1, 1], [], []>, transpose_lhs_hint = false} : vector<400x30xf32>, vector<30x64xf32>, vector<400x64xf32> -> vector<400x64xf32>
    %broadcast_in_dim3A_221 = vector.shape_cast %get3A_208 : vector<64xf32> to vector<1x64xf32>
    %add3A_222 = vector.broadcast %broadcast_in_dim3A_221 : vector<1x64xf32> to vector<400x64xf32>
    %add3A_223 = arith.addf %dot_general3A_220, %add3A_222 : vector<400x64xf32>
    %mul3A_224 = arith.constant -1.44269502 : f32
    %mul3A_225 = vector.broadcast %mul3A_224 : f32 to vector<400x64xf32>
    %mul3A_226 = arith.mulf %add3A_223, %mul3A_225 : vector<400x64xf32>
    %exp23A_227 = math.exp2 %mul3A_226 : vector<400x64xf32>
    %add3A_228 = arith.constant 1.000000e+00 : f32
    %add3A_229 = vector.broadcast %add3A_228 : f32 to vector<400x64xf32>
    %add3A_230 = arith.addf %add3A_229, %exp23A_227 : vector<400x64xf32>
    %reciprocal3A_231 = tpu.reciprocal %add3A_230 {approx = true} : vector<400x64xf32> -> vector<400x64xf32>
    %mul3A_232 = arith.mulf %add3A_223, %reciprocal3A_231 : vector<400x64xf32>
    %dot_general3A_233 = arith.constant dense<0.000000e+00> : vector<400x32xf32>
    %dot_general3A_234 = tpu.matmul %mul3A_232, %get3A_211, %dot_general3A_233 {dimension_numbers = #tpu.dot_dimension_numbers<[1], [0], [0], [1], [0, 0, 1, 1], [], []>, transpose_lhs_hint = false} : vector<400x64xf32>, vector<64x32xf32>, vector<400x32xf32> -> vector<400x32xf32>
    %broadcast_in_dim3A_235 = vector.shape_cast %get3A_213 : vector<32xf32> to vector<1x32xf32>
    %add3A_236 = vector.broadcast %broadcast_in_dim3A_235 : vector<1x32xf32> to vector<400x32xf32>
    %add3A_237 = arith.addf %dot_general3A_234, %add3A_236 : vector<400x32xf32>
    %mul3A_238 = arith.constant -1.44269502 : f32
    %mul3A_239 = vector.broadcast %mul3A_238 : f32 to vector<400x32xf32>
    %mul3A_240 = arith.mulf %add3A_237, %mul3A_239 : vector<400x32xf32>
    %exp23A_241 = math.exp2 %mul3A_240 : vector<400x32xf32>
    %add3A_242 = arith.constant 1.000000e+00 : f32
    %add3A_243 = vector.broadcast %add3A_242 : f32 to vector<400x32xf32>
    %add3A_244 = arith.addf %add3A_243, %exp23A_241 : vector<400x32xf32>
    %reciprocal3A_245 = tpu.reciprocal %add3A_244 {approx = true} : vector<400x32xf32> -> vector<400x32xf32>
    %mul3A_246 = arith.mulf %add3A_237, %reciprocal3A_245 : vector<400x32xf32>
    %dot_general3A_247 = arith.constant dense<0.000000e+00> : vector<400x8xf32>
    %dot_general3A_248 = tpu.matmul %mul3A_246, %get3A_216, %dot_general3A_247 {dimension_numbers = #tpu.dot_dimension_numbers<[1], [0], [0], [1], [0, 0, 1, 1], [], []>, transpose_lhs_hint = false} : vector<400x32xf32>, vector<32x8xf32>, vector<400x8xf32> -> vector<400x8xf32>
    %broadcast_in_dim3A_249 = vector.shape_cast %get3A_218 : vector<8xf32> to vector<1x8xf32>
    %add3A_250 = vector.broadcast %broadcast_in_dim3A_249 : vector<1x8xf32> to vector<400x8xf32>
    %add3A_251 = arith.addf %dot_general3A_248, %add3A_250 : vector<400x8xf32>
    %get3A_252 = arith.constant 2 : index
    %get3A_253 = arith.constant 0 : index
    %get3A_254 = arith.constant 0 : index
    %get3A_255 = vector.load %arg2[%get3A_252, %get3A_253, %get3A_254] : memref<4x400x8xf32, #tpu.memory_space<vmem>>, vector<1x400x8xf32>
    %get3A_256 = vector.shape_cast %get3A_255 : vector<1x400x8xf32> to vector<400x8xf32>
    %add3A_257 = arith.addf %get3A_256, %add3A_251 : vector<400x8xf32>
    %jit3A_258 = arith.constant -1.000000e+02 : f32
    %jit3A_259 = arith.constant 1.000000e+02 : f32
    %max3A_260 = vector.broadcast %jit3A_258 : f32 to vector<400x8xf32>
    %max3A_261 = arith.maximumf %max3A_260, %add3A_257 : vector<400x8xf32>
    %min3A_262 = vector.broadcast %jit3A_259 : f32 to vector<400x8xf32>
    %min3A_263 = arith.minimumf %min3A_262, %max3A_261 : vector<400x8xf32>
    %slice3A_264 = vector.extract_strided_slice %reduce_sum3A_3 {offsets = [3, 0, 8], sizes = [1, 400, 1], strides = [1, 1, 1]} : vector<8x400x10xf32> to vector<1x400x1xf32>
    %squeeze3A_265 = vector.shape_cast %slice3A_264 : vector<1x400x1xf32> to vector<400xf32>
    %max3A_266 = arith.constant 1.000000e-30 : f32
    %max3A_267 = vector.broadcast %max3A_266 : f32 to vector<400xf32>
    %max3A_268 = arith.maximumf %squeeze3A_265, %max3A_267 : vector<400xf32>
    %slice3A_269 = vector.extract_strided_slice %reduce_sum3A_3 {offsets = [3, 0, 0], sizes = [1, 400, 8], strides = [1, 1, 1]} : vector<8x400x10xf32> to vector<1x400x8xf32>
    %squeeze3A_270 = vector.shape_cast %slice3A_269 : vector<1x400x8xf32> to vector<400x8xf32>
    %broadcast_in_dim3A_271 = vector.shape_cast %max3A_268 : vector<400xf32> to vector<400x1xf32>
    %div3A_272 = vector.broadcast %broadcast_in_dim3A_271 : vector<400x1xf32> to vector<400x8xf32>
    %div3A_273 = arith.divf %squeeze3A_270, %div3A_272 : vector<400x8xf32>
    %slice3A_274 = vector.extract_strided_slice %reduce_sum3A_3 {offsets = [7, 0, 8], sizes = [1, 400, 1], strides = [1, 1, 1]} : vector<8x400x10xf32> to vector<1x400x1xf32>
    %squeeze3A_275 = vector.shape_cast %slice3A_274 : vector<1x400x1xf32> to vector<400xf32>
    %max3A_276 = arith.constant 1.000000e-30 : f32
    %max3A_277 = vector.broadcast %max3A_276 : f32 to vector<400xf32>
    %max3A_278 = arith.maximumf %squeeze3A_275, %max3A_277 : vector<400xf32>
    %slice3A_279 = vector.extract_strided_slice %reduce_sum3A_3 {offsets = [7, 0, 0], sizes = [1, 400, 8], strides = [1, 1, 1]} : vector<8x400x10xf32> to vector<1x400x8xf32>
    %squeeze3A_280 = vector.shape_cast %slice3A_279 : vector<1x400x8xf32> to vector<400x8xf32>
    %broadcast_in_dim3A_281 = vector.shape_cast %max3A_278 : vector<400xf32> to vector<400x1xf32>
    %div3A_282 = vector.broadcast %broadcast_in_dim3A_281 : vector<400x1xf32> to vector<400x8xf32>
    %div3A_283 = arith.divf %squeeze3A_280, %div3A_282 : vector<400x8xf32>
    %get3A_284 = arith.constant 3 : index
    %get3A_285 = arith.constant 0 : index
    %get3A_286 = arith.constant 0 : index
    %get3A_287 = vector.load %arg2[%get3A_284, %get3A_285, %get3A_286] : memref<4x400x8xf32, #tpu.memory_space<vmem>>, vector<1x400x8xf32>
    %get3A_288 = vector.shape_cast %get3A_287 : vector<1x400x8xf32> to vector<400x8xf32>
    %get3A_289 = arith.constant 3 : index
    %get3A_290 = arith.constant 0 : index
    %get3A_291 = arith.constant 0 : index
    %get3A_292 = vector.load %arg3[%get3A_289, %get3A_290, %get3A_291] : memref<4x400x6xf32, #tpu.memory_space<vmem>>, vector<1x400x6xf32>
    %get3A_293 = vector.shape_cast %get3A_292 : vector<1x400x6xf32> to vector<400x6xf32>
    %concatenate3A_294 = tpu.concatenate %get3A_288, %div3A_273, %div3A_283, %get3A_293 in 1 : vector<400x8xf32>, vector<400x8xf32>, vector<400x8xf32>, vector<400x6xf32> -> vector<400x30xf32>
    %get3A_295 = arith.constant 0 : index
    %get3A_296 = arith.constant 0 : index
    %get3A_297 = vector.load %arg4[%get3A_295, %get3A_296] : memref<30x64xf32, #tpu.memory_space<vmem>>, vector<30x64xf32>
    %get3A_298 = arith.constant 0 : index
    %get3A_299 = vector.load %arg5[%get3A_298] : memref<64xf32, #tpu.memory_space<vmem>>, vector<64xf32>
    %get3A_300 = arith.constant 0 : index
    %get3A_301 = arith.constant 0 : index
    %get3A_302 = vector.load %arg6[%get3A_300, %get3A_301] : memref<64x32xf32, #tpu.memory_space<vmem>>, vector<64x32xf32>
    %get3A_303 = arith.constant 0 : index
    %get3A_304 = vector.load %arg7[%get3A_303] : memref<32xf32, #tpu.memory_space<vmem>>, vector<32xf32>
    %get3A_305 = arith.constant 0 : index
    %get3A_306 = arith.constant 0 : index
    %get3A_307 = vector.load %arg8[%get3A_305, %get3A_306] : memref<32x8xf32, #tpu.memory_space<vmem>>, vector<32x8xf32>
    %get3A_308 = arith.constant 0 : index
    %get3A_309 = vector.load %arg9[%get3A_308] : memref<8xf32, #tpu.memory_space<vmem>>, vector<8xf32>
    %dot_general3A_310 = arith.constant dense<0.000000e+00> : vector<400x64xf32>
    %dot_general3A_311 = tpu.matmul %concatenate3A_294, %get3A_297, %dot_general3A_310 {dimension_numbers = #tpu.dot_dimension_numbers<[1], [0], [0], [1], [0, 0, 1, 1], [], []>, transpose_lhs_hint = false} : vector<400x30xf32>, vector<30x64xf32>, vector<400x64xf32> -> vector<400x64xf32>
    %broadcast_in_dim3A_312 = vector.shape_cast %get3A_299 : vector<64xf32> to vector<1x64xf32>
    %add3A_313 = vector.broadcast %broadcast_in_dim3A_312 : vector<1x64xf32> to vector<400x64xf32>
    %add3A_314 = arith.addf %dot_general3A_311, %add3A_313 : vector<400x64xf32>
    %mul3A_315 = arith.constant -1.44269502 : f32
    %mul3A_316 = vector.broadcast %mul3A_315 : f32 to vector<400x64xf32>
    %mul3A_317 = arith.mulf %add3A_314, %mul3A_316 : vector<400x64xf32>
    %exp23A_318 = math.exp2 %mul3A_317 : vector<400x64xf32>
    %add3A_319 = arith.constant 1.000000e+00 : f32
    %add3A_320 = vector.broadcast %add3A_319 : f32 to vector<400x64xf32>
    %add3A_321 = arith.addf %add3A_320, %exp23A_318 : vector<400x64xf32>
    %reciprocal3A_322 = tpu.reciprocal %add3A_321 {approx = true} : vector<400x64xf32> -> vector<400x64xf32>
    %mul3A_323 = arith.mulf %add3A_314, %reciprocal3A_322 : vector<400x64xf32>
    %dot_general3A_324 = arith.constant dense<0.000000e+00> : vector<400x32xf32>
    %dot_general3A_325 = tpu.matmul %mul3A_323, %get3A_302, %dot_general3A_324 {dimension_numbers = #tpu.dot_dimension_numbers<[1], [0], [0], [1], [0, 0, 1, 1], [], []>, transpose_lhs_hint = false} : vector<400x64xf32>, vector<64x32xf32>, vector<400x32xf32> -> vector<400x32xf32>
    %broadcast_in_dim3A_326 = vector.shape_cast %get3A_304 : vector<32xf32> to vector<1x32xf32>
    %add3A_327 = vector.broadcast %broadcast_in_dim3A_326 : vector<1x32xf32> to vector<400x32xf32>
    %add3A_328 = arith.addf %dot_general3A_325, %add3A_327 : vector<400x32xf32>
    %mul3A_329 = arith.constant -1.44269502 : f32
    %mul3A_330 = vector.broadcast %mul3A_329 : f32 to vector<400x32xf32>
    %mul3A_331 = arith.mulf %add3A_328, %mul3A_330 : vector<400x32xf32>
    %exp23A_332 = math.exp2 %mul3A_331 : vector<400x32xf32>
    %add3A_333 = arith.constant 1.000000e+00 : f32
    %add3A_334 = vector.broadcast %add3A_333 : f32 to vector<400x32xf32>
    %add3A_335 = arith.addf %add3A_334, %exp23A_332 : vector<400x32xf32>
    %reciprocal3A_336 = tpu.reciprocal %add3A_335 {approx = true} : vector<400x32xf32> -> vector<400x32xf32>
    %mul3A_337 = arith.mulf %add3A_328, %reciprocal3A_336 : vector<400x32xf32>
    %dot_general3A_338 = arith.constant dense<0.000000e+00> : vector<400x8xf32>
    %dot_general3A_339 = tpu.matmul %mul3A_337, %get3A_307, %dot_general3A_338 {dimension_numbers = #tpu.dot_dimension_numbers<[1], [0], [0], [1], [0, 0, 1, 1], [], []>, transpose_lhs_hint = false} : vector<400x32xf32>, vector<32x8xf32>, vector<400x8xf32> -> vector<400x8xf32>
    %broadcast_in_dim3A_340 = vector.shape_cast %get3A_309 : vector<8xf32> to vector<1x8xf32>
    %add3A_341 = vector.broadcast %broadcast_in_dim3A_340 : vector<1x8xf32> to vector<400x8xf32>
    %add3A_342 = arith.addf %dot_general3A_339, %add3A_341 : vector<400x8xf32>
    %get3A_343 = arith.constant 3 : index
    %get3A_344 = arith.constant 0 : index
    %get3A_345 = arith.constant 0 : index
    %get3A_346 = vector.load %arg2[%get3A_343, %get3A_344, %get3A_345] : memref<4x400x8xf32, #tpu.memory_space<vmem>>, vector<1x400x8xf32>
    %get3A_347 = vector.shape_cast %get3A_346 : vector<1x400x8xf32> to vector<400x8xf32>
    %add3A_348 = arith.addf %get3A_347, %add3A_342 : vector<400x8xf32>
    %jit3A_349 = arith.constant -1.000000e+02 : f32
    %jit3A_350 = arith.constant 1.000000e+02 : f32
    %max3A_351 = vector.broadcast %jit3A_349 : f32 to vector<400x8xf32>
    %max3A_352 = arith.maximumf %max3A_351, %add3A_348 : vector<400x8xf32>
    %min3A_353 = vector.broadcast %jit3A_350 : f32 to vector<400x8xf32>
    %min3A_354 = arith.minimumf %min3A_353, %max3A_352 : vector<400x8xf32>
    %stack3A = vector.shape_cast %min3A_81 : vector<400x8xf32> to vector<1x400x8xf32>
    %stack3A_355 = vector.shape_cast %min3A_172 : vector<400x8xf32> to vector<1x400x8xf32>
    %stack3A_356 = vector.shape_cast %min3A_263 : vector<400x8xf32> to vector<1x400x8xf32>
    %stack3A_357 = vector.shape_cast %min3A_354 : vector<400x8xf32> to vector<1x400x8xf32>
    %stack3A_358 = tpu.concatenate %stack3A, %stack3A_355, %stack3A_356, %stack3A_357 in 0 : vector<1x400x8xf32>, vector<1x400x8xf32>, vector<1x400x8xf32>, vector<1x400x8xf32> -> vector<4x400x8xf32>
    %swap3A = arith.constant 0 : index
    %swap3A_359 = arith.constant 0 : index
    %swap3A_360 = arith.constant 0 : index
    %swap3A_361 = vector.load %arg10[%swap3A, %swap3A_359, %swap3A_360] : memref<4x400x8xf32, #tpu.memory_space<vmem>>, vector<4x400x8xf32>
    tpu.vector_store %arg10[%swap3A, %swap3A_359, %swap3A_360], %stack3A_358 {strides = array<i32>} : memref<4x400x8xf32, #tpu.memory_space<vmem>>, vector<4x400x8xf32>,
    return
  }
  func.func @transform_0(%arg0: i32) -> (i32, i32, i32) {
    %c0_i32 = arith.constant 0 : i32
    %c0_i32_0 = arith.constant 0 : i32
    %c0_i32_1 = arith.constant 0 : i32
    return %c0_i32, %arg0, %c0_i32_0 : i32, i32, i32
  }
  func.func @transform_1(%arg0: i32) -> (i32, i32, i32) {
    %c0_i32 = arith.constant 0 : i32
    %c0_i32_0 = arith.constant 0 : i32
    %c0_i32_1 = arith.constant 0 : i32
    return %c0_i32, %arg0, %c0_i32_0 : i32, i32, i32
  }
  func.func @transform_2(%arg0: i32) -> (i32, i32, i32) {
    %c0_i32 = arith.constant 0 : i32
    %c0_i32_0 = arith.constant 0 : i32
    %c0_i32_1 = arith.constant 0 : i32
    return %c0_i32, %arg0, %c0_i32_0 : i32, i32, i32
  }
  func.func @transform_3(%arg0: i32) -> (i32, i32) {
    %c0_i32 = arith.constant 0 : i32
    %c0_i32_0 = arith.constant 0 : i32
    %c0_i32_1 = arith.constant 0 : i32
    return %c0_i32, %c0_i32_0 : i32, i32
  }
  func.func @transform_4(%arg0: i32) -> i32 {
    %c0_i32 = arith.constant 0 : i32
    %c0_i32_0 = arith.constant 0 : i32
    return %c0_i32 : i32
  }
  func.func @transform_5(%arg0: i32) -> (i32, i32) {
    %c0_i32 = arith.constant 0 : i32
    %c0_i32_0 = arith.constant 0 : i32
    %c0_i32_1 = arith.constant 0 : i32
    return %c0_i32, %c0_i32_0 : i32, i32
  }
  func.func @transform_6(%arg0: i32) -> i32 {
    %c0_i32 = arith.constant 0 : i32
    %c0_i32_0 = arith.constant 0 : i32
    return %c0_i32 : i32
  }
  func.func @transform_7(%arg0: i32) -> (i32, i32) {
    %c0_i32 = arith.constant 0 : i32
    %c0_i32_0 = arith.constant 0 : i32
    %c0_i32_1 = arith.constant 0 : i32
    return %c0_i32, %c0_i32_0 : i32, i32
  }
  func.func @transform_8(%arg0: i32) -> i32 {
    %c0_i32 = arith.constant 0 : i32
    %c0_i32_0 = arith.constant 0 : i32
    return %c0_i32 : i32
  }
  func.func @transform_9(%arg0: i32) -> (i32, i32, i32) {
    %c0_i32 = arith.constant 0 : i32
    %c0_i32_0 = arith.constant 0 : i32
    %c0_i32_1 = arith.constant 0 : i32
    return %c0_i32, %arg0, %c0_i32_0 : i32, i32, i32
  }
}

</mosaic_0001>

<sc_bundles>
// kernel: kernel.10.cloned.1.call-start
scs
__scs_entry_jumppad:
0x0: {  	(pc) =	sbr.rel $0x88, $3  }
0x1: {  	(tag) =	ssettag $0x0;
	lr =	simm.s32 $0x1  }
0x2: {  	[smem:$0x3F8A] =	sst lr;
	_ =	strace $0xD0000000  }
0x3: {  	_ = 	snop  }
0x4: {  	_ = 	snop  }
0x5: {  	_ = 	snop  }
0x6: {  	_ = 	snop  }
0x7: {  	_ = 	snop  }
__scs_overlays_trampoline_lowered:
0x8: {  	[smem:$0x3F99] =	sst s0  }
0x9: {  	[smem:$0x3F9A] =	sst s1  }
0xa: {  	[smem:$0x3F9B] =	sst s2  }
0xb: {  	[smem:$0x3F9C] =	sst s3  }
0xc: {  	[smem:$0x3F9D] =	sst s4  }
0xd: {  	[smem:$0x3F9E] =	sst s5  }
0xe: {  	[smem:$0x3F9F] =	sst s6  }
0xf: {  	[smem:$0x3FA0] =	sst s7  }
0x10: {  	[smem:$0x3FA1] =	sst s8  }
0x11: {  	[smem:$0x3FA2] =	sst s9;
	s0 =	simm.s32 @!p0 $0x0  }
0x12: {  	s1 =	sld [smem:$0x3F88];
	s0 =	simm.s32 @p0 $0x1  }
0x13: {  	[smem:$0x3FA3] =	sst s0;
	s0 =	simm.s32 @!p1 $0x0  }
0x14: {  	s2 =	sld [smem:$0x3F87];
	s0 =	simm.s32 @p1 $0x1  }
0x15: {  	[smem:$0x3FA4] =	sst s0;
	s0 =	simm.s32 @!p2 $0x0  }
0x16: {  	s3 =	sld [smem:$0x3FDB];
	s0 =	simm.s32 @p2 $0x1  }
0x17: {  	s4 =	simm.s32 $0x1BF5;
	[smem:$0x3FA6] =	sst s0  }
0x18: {  	s0 =	sld [smem:$0x3F89];
	_ =	swait.ge [sflag:s4], $0x0  }
0x19: {  	s7 =	sld [smem:$0x3F8A]  }
0x1a: {  	s8 =	sadd.s32 $0xFFFFE003, lr  }
0x1b: {  	s9 =	sadd.s32 $0xFFFFFEF7, lr;
	s5 =	simm.s32 $0xFFFFFFFF;
	p2 =	slt.u32 s8, $0xFFFFF086  }
0x1c: {  	p1 =	slt.u32 s9, $0xF7A;
	s5 =	simm.s32 @!p2 $0x0  }
0x1d: {  	s5 =	simm.s32 @p1 $0x1;
	p0 =	seq.s32 s7, s2  }
0x1e: {  	s7 =	smul.u32 @!p0 $0xF7A, s2;
	p2 =	seq.s32 @!p0 s5, $0x0  }
0x1f: {  	s9 =	smul.u32 $0xF7A, s1;
	s8 =	simm.s32 @!p0 $0x1BF5;
	p2 =	por !p2, p0  }
0x20: {  	[sflag:s8] =	ssyncset.s32 @!p0 $0xFFFFF086;
	s6 =	sadd.s32 @!p0 s3, s7;
	s7 =	simm.s32 @!p0 $0x108  }
0x21: {  	s3 =	sadd.s32 s3, s9;
	s6 =	sadd.s32 @!p0 $0x88, s6;
	s7 =	simm.s32 @p2 $0x1082  }
0x22: {  	[simem:s7], [sflag:s8] =	dma.local @!p0 [hbm:s6], $0xF7A  }
0x23: {  	s9 =	sor.u32 $0xD0000000, s2;
	s6 =	simm.s32 $0x108;
	_ =	swait.ge @!p0 [sflag:s8], $0x0  }
0x24: {  	s3 =	sadd.s32 $0x88, s3;
	s6 =	simm.s32 @!p1 $0x1082;
	[sflag:s4] =	ssyncset.s32 $0xFFFFF086  }
0x25: {  	[simem:s6], [sflag:s4] =	dma.local [hbm:s3], $0xF7A  }
0x26: {  	[smem:$0x3F8A] =	sst s1;
	(tag) =	ssettag s2;
	_ =	strace s9  }
0x27: {  	s1 =	sld [smem:$0x3F9A]  }
0x28: {  	s2 =	sld [smem:$0x3F9B]  }
0x29: {  	s4 =	sld [smem:$0x3F9D]  }
0x2a: {  	p0 =	seq.s32 s5, $0x0;
	s5 =	sld [smem:$0x3F9E]  }
0x2b: {  	s6 =	sld [smem:$0x3F9F]  }
0x2c: {  	s7 =	sld [smem:$0x3FA0]  }
0x2d: {  	s3 =	simm.s32 $0x108;
	s8 =	sld [smem:$0x3FA1]  }
0x2e: {  	s3 =	simm.s32 @!p0 $0x1082;
	s9 =	sld [smem:$0x3FA2]  }
0x2f: {  	lr =	sadd.s32 s0, s3;
	s0 =	sld [smem:$0x3F99]  }
0x30: {  	s3 =	sld [smem:$0x3F9C]  }
0x31: {  	[smem:$0x3FA5] =	sst s10  }
0x32: {  	s10 =	sld [smem:$0x3FA3];
	_ =	sdelay $0x3  }
0x33: {  	p0 =	seq.s32 s10, $0x1;
	s10 =	sld [smem:$0x3FA5];
	_ =	sdelay $0x3  }
0x34: {  	[smem:$0x3FA5] =	sst s10  }
0x35: {  	s10 =	sld [smem:$0x3FA4];
	_ =	sdelay $0x3  }
0x36: {  	p1 =	seq.s32 s10, $0x1;
	s10 =	sld [smem:$0x3FA5];
	_ =	sdelay $0x3  }
0x37: {  	[smem:$0x3FA5] =	sst s10  }
0x38: {  	s10 =	sld [smem:$0x3FA6]  }
0x39: {  	_ = 	snop;
	(pc) =	sbr.ind lr, $3  }
0x3a: {  	_ = 	snop  }
0x3b: {  	_ = 	snop  }
0x3c: {  	p2 =	seq.s32 s10, $0x1;
	s10 =	sld [smem:$0x3FA5]  }
0x3d: {  	_ =	shalt  }
0x3e: {  	_ =	shalt  }
0x3f: {  	_ =	shalt  }
0x40: {  	_ =	shalt  }
0x41: {  	_ =	shalt  }
0x42: {  	_ =	shalt  }
0x43: {  	_ =	shalt  }
0x44: {  	_ =	shalt  }
0x45: {  	_ =	shalt  }
0x46: {  	_ =	shalt  }
0x47: {  	_ =	shalt  }
0x48: {  	_ =	shalt  }
0x49: {  	_ =	shalt  }
0x4a: {  	_ =	shalt  }
0x4b: {  	_ =	shalt  }
0x4c: {  	_ =	shalt  }
0x4d: {  	_ =	shalt  }
0x4e: {  	_ =	shalt  }
0x4f: {  	_ =	shalt  }
0x50: {  	_ =	shalt  }
0x51: {  	_ =	shalt  }
0x52: {  	_ =	shalt  }
0x53: {  	_ =	shalt  }
0x54: {  	_ =	shalt  }
0x55: {  	_ =	shalt  }
0x56: {  	_ =	shalt  }
0x57: {  	_ =	shalt  }
0x58: {  	_ =	shalt  }
0x59: {  	_ =	shalt  }
0x5a: {  	_ =	shalt  }
0x5b: {  	_ =	shalt  }
0x5c: {  	_ =	shalt  }
0x5d: {  	_ =	shalt  }
0x5e: {  	_ =	shalt  }
0x5f: {  	_ =	shalt  }
0x60: {  	_ =	shalt  }
0x61: {  	_ =	shalt  }
0x62: {  	_ =	shalt  }
0x63: {  	_ =	shalt  }
0x64: {  	_ =	shalt  }
0x65: {  	_ =	shalt  }
0x66: {  	_ =	shalt  }
0x67: {  	_ =	shalt  }
0x68: {  	_ =	shalt  }
0x69: {  	_ =	shalt  }
0x6a: {  	_ =	shalt  }
0x6b: {  	_ =	shalt  }
0x6c: {  	_ =	shalt  }
0x6d: {  	_ =	shalt  }
0x6e: {  	_ =	shalt  }
0x6f: {  	_ =	shalt  }
0x70: {  	_ =	shalt  }
0x71: {  	_ =	shalt  }
0x72: {  	_ =	shalt  }
0x73: {  	_ =	shalt  }
0x74: {  	_ =	shalt  }
0x75: {  	_ =	shalt  }
0x76: {  	_ =	shalt  }
0x77: {  	_ =	shalt  }
0x78: {  	_ =	shalt  }
0x79: {  	_ =	shalt  }
0x7a: {  	_ =	shalt  }
0x7b: {  	_ =	shalt  }
0x7c: {  	_ =	shalt  }
0x7d: {  	_ =	shalt  }
0x7e: {  	_ =	shalt  }
0x7f: {  	_ =	shalt  }
0x80: {  	_ =	shalt  }
0x81: {  	_ =	shalt  }
0x82: {  	_ =	shalt  }
0x83: {  	_ =	shalt  }
0x84: {  	_ =	shalt  }
0x85: {  	_ =	shalt  }
0x86: {  	_ =	shalt  }
0x87: {  	_ =	shalt  }
.Lfunc_end0:
.L_simem_size_0:
called_computation.1_lowered:
.L_overlay_start_0:
0x88: {  	s2 =	sld [smem:$0x3FD9]  }
0x89: {  	s3 =	sld [smem:$0x3FFE];
	_ =	sdelay $0x1  }
0x8a: {  	s1 =	srdreg.scid  }
0x8b: {  	s0 =	sand.u32 $0x1, s1  }
0x8c: {  	s16 =	sshll.u32 s0, $0xA;
	s2 =	sadd.s32 s3, s2  }
0x8d: {  	s2 =	sadd.s32 s2, s16  }
0x8e: {  	[smem:$0x3FB1] =	sst s2  }
0x8f: {  	_ = 	snop  }
0x90: {  	(tm) =	ssettm $0x1  }
0x91: {  	s17 =	sld [smem:$0x3FFB];
	_ =	sdelay $0x3  }
0x92: {  	_ =	strace s17  }
0x93: {  	s2 =	sld [smem:$0x3FFC];
	_ =	sdelay $0x3  }
0x94: {  	_ =	strace s2  }
0x95: {  	s2 =	sld [smem:$0x3FFD];
	_ =	sdelay $0x3  }
0x96: {  	_ =	strace s2  }
0x97: {  	_ =	strace $0x8FFFFFFF  }
0x98: {  	s18 =	sld [smem:$0x3FDB];
	_ =	sdelay $0x1  }
0x99: {  	s19 =	simm.s32 $_scs_section_size  }
0x9a: {  	s4 =	simm.s32 $_size__tile_overlayer_lowered;
	s5 =	simm.s32 $_tile_overlayer_lowered  }
0x9b: {  	s22 =	simm.s32 $0x1BFF;
	s21 =	sshll.u32 s5, $0x1;
	s2 =	sadd.s32 s19, s18  }
0x9c: {  	s6 =	simm.s32 $0x0;
	s20 =	sshll.u32 s4, $0x1;
	s4 =	sadd.s32 s21, s2  }
0x9d: {  	[timem:s6], [sflag:s22] =	dma.local [hbm:s4], s20  }
0x9e: {  	_ =	swait.ge [sflag:s22], s20  }
0x9f: {  	s3 =	ssub.s32 $0x0, s20;
	[sflag:s22] =	ssyncset.done $0x0  }
0xa0: {  	[sflag:s22] =	ssyncadd.s32 s3;
	_ =	sdelay $0x1  }
0xa1: {  	s23 =	simm.s32 $0x1B8B  }
0xa2: {  	_ =	swait.ge [sflag:s23], $0x1  }
0xa3: {  	[sflag:s23] =	ssyncset.done $0x0  }
0xa4: {  	s25 =	simm.s32 $0x1B8E;
	s24 =	sld [smem:$0x3FFE];
	[sflag:s23] =	ssyncadd.s32 $0xFFFFFFFF  }
0xa5: {  	s26 =	simm.s32 $execute0_lowered;
	[smem:$0x3FD2] =	sst s25  }
0xa6: {  	s4 =	sshll.u32 s26, $0x1;
	_ =	strace $0x80000049;
	[dreg:$0x1] =	wrdreg $0xFFFFFFFF  }
0xa7: {  	s28 =	simm.s32 $_size_execute0_lowered;
	s2 =	sadd.s32 s2, s4;
	[dreg:$0x0] =	wrdreg $0x0  }
0xa8: {  	s4 =	sshll.u32 s28, $0x1;
	[dreg:$0x2] =	wrdreg s2  }
0xa9: {  	[dreg:$0x3] =	wrdreg s4  }
0xaa: {  	[dreg:$0x4] =	wrdreg $0xC0  }
0xab: {  	_ =	task [dreg:s6], $0x5FFFF  }
0xac: {  	[dreg:$0x1] =	wrdreg $0xFFFFFFFF  }
0xad: {  	[dreg:$0x0] =	wrdreg $0x60  }
0xae: {  	[dreg:$0x2] =	wrdreg s24  }
0xaf: {  	[dreg:$0x3] =	wrdreg $0x9  }
0xb0: {  	_ =	task.clear_ibuf [dreg:s6], $0x4FFFF;
	_ =	strace $0x90000049  }
0xb1: {  	s29 =	simm.s32 $0x9;
	_ =	strace $0x8000004B  }
0xb2: {  	_ =	swait.ge [sflag:s29], $0x1  }
0xb3: {  	[sflag:s29] =	ssyncadd.s32 $0xFFFFFFFF  }
0xb4: {  	_ =	strace $0x9000004B  }
0xb5: {  	_ =	sfence  }
0xb6: {  	s30 =	sld [smem:$0x0];
	_ =	sdelay $0x2  }
0xb7: {  	s31 =	sshll.u32 s1, $0xD;
	s1 =	sshrl.u32 s1, $0x2  }
0xb8: {  	s3 =	sand.u32 $0x4000, s31;
	s1 =	sadd.s32 s1, s30  }
0xb9: {  	s0 =	sor.u32 s3, s0;
	s1 =	sshll.u32 s1, $0x11  }
0xba: {  	s0 =	sor.u32 s1, s0  }
0xbb: {  	s0 =	sadd.s32 $0x8F2B, s0  }
0xbc: {  	[sflag:s0] =	ssyncadd.remote.s32 $0x1  }
0xbd: {  	_ =	sfence.sel $0xFFFF  }
0xbe: {  	[dreg:$0x0] =	wrdreg $0xFFFFFFFF;
	(pc) =	sbr.abs _section_cstart, $3  }
0xbf: {  	[dreg:$0x1] =	wrdreg $0xFFFFFFFF  }
0xc0: {  	_ =	task.clear_ibuf [dreg:s6], $0x2FFFF;
	_ =	strace $0x9FFFFFFF  }
0xc1: {  	(tm) =	ssettm $0x7FFFFFFF  }
tec
execute0_lowered:
.L_overlay_start_1:
0x0: {  	(tag) =	ssettag $0x1  }
0x1: {  	s0 =	rddreg [dreg:$0x0]  }
0x2: {  	s1 =	stileid.u32;
	s3 =	srdreg.scid  }
0x3: {  	s2 =	simm.s32 $0x0;
	s16 =	simm.s32 $0x1B900;
	s17 =	simm.s32 $0x3  }
0x4: {  	s18 =	simm.s32 $0x1B400;
	s19 =	simm.s32 $0x1AF00;
	s20 =	simm.s32 $0x18700  }
0x5: {  	s21 =	simm.s32 $0x1;
	s22 =	simm.s32 $0x2;
	s23 =	simm.s32 $0x0  }
0x6: {  	s8 =	sand.u32 $0x1, s3;
	s24 =	sshll.u32 s1, $0x1;
	s11 =	sshrl.u32 s1, $0x3  }
0x7: {  	s12 =	sadd.s32 $0x3226200, s0;
	s13 =	sshrl.u32 s1, $0x1;
	s5 =	smul.u32 $0x4E200, s11  }
0x8: {  	[smem:$0x7FF] =	sst s2;
	s4 =	sadd.s32 $0x13DC00, s0;
	s7 =	smul.u32 $0x4E200, s13  }
0x9: {  	s6 =	sadd.s32 $0xB01C00, s0;
	s3 =	sor.u32 s8, s24;
	s11 =	smul.u32 $0x9C4000, s11  }
0xa: {  	s14 =	sshll.u32 s13, $0x4;
	s13 =	sand.u32 $0x3, s13;
	s9 =	smul.u32 $0x30E0, s3  }
0xb: {  	s8 =	ssub.s32 $0x2, s8;
	s10 =	sand.u32 $0x3, s3;
	s13 =	smul.u32 $0x271000, s13  }
0xc: {  	_ =	strace $0x8000004A;
	s15 =	sshrl.u32 s8, $0x1;
	s3 =	smul.u32 $0x13880, s10  }
0xd: {  	s14 =	sadd.s32 s14, s0;
	s15 =	ssub.s32 s8, s15;
	s25 =	smul.u32 $0x9C400, s10  }
0xe: {  	s8 =	sadd.s32 $0x18BE00, s14;
	s0 =	sadd.s32 s9, s0;
	s13 =	sadd.s32 s11, s13  }
.Ltmp0:
0xf: {  	s15 =	smax.u32 s15, $0x1;
	s26 =	sadd.s32 s5, s3;
	(pc) =	sbr.rel .LBB2_1-.Ltmp0, $4  }
0x10: {  	s28 =	sadd.s32 s7, s3;
	s29 =	sadd.s32 s25, s13;
	s13 =	sshrl.u32 s13, $0x3  }
0x11: {  	s14 =	sadd.s32 $0x18C000, s0;
	s10 =	sshrl.u32 s26, $0x3;
	s30 =	sshrl.u32 s28, $0x3  }
0x12: {  	s31 =	sshrl.u32 s29, $0x3;
	s9 =	sadd.s32 s6, s10;
	s10 =	sadd.s32 s4, s30  }
0x13: {  	v0 =	vimm.f32 $0.0e+00;
	s11 =	sadd.s32 s12, s31;
	s12 =	sadd.s32 s12, s13;
	s13 =	sadd.s32 $0x500, s3  }
.LBB2_11:
0x14: {  	s23 =	sadd.s32 $0x1, s23  }
0x15: {  	p0 =	sne.s32 s23, s15  }
.Ltmp1:
0x16: {  	_ = 	snop;
	(pc) =	sbr.rel @!p0 .LBB2_12-.Ltmp1, $4  }
0x17: {  	[hbm4b:s14+s2] =	stream.linear.scatter [tilespmem:s2], [sflag:$0x3], $0x18700, $0x38;
	[tilespmem:$0x1B980] =	vst v63  }
0x18: {  	_ =	swait.ge [sflag:s17], $0x18700  }
0x19: {  	[sflag:s17] =	ssyncset.done $0x0  }
0x1a: {  	[sflag:s17] =	ssyncadd.s32 $0xFFFE7900  }
.LBB2_1:
0x1b: {  	s0 =	simm.s32 $0x40;
	s24 =	simm.s32 $0x0  }
.LBB2_2:
0x1c: {  	p0 =	sne.s32 s0, $0x61A40;
	[tilespmem:s24+$0x0] =	vst v0;
	s24 =	smov.u32 s0;
	s0 =	sadd.s32 $0x40, s0  }
.Ltmp2:
0x1d: {  	(pc) =	sbr.rel @p0 .LBB2_2-.Ltmp2, $2  }
0x1e: {  	_ =	sdelay $0x2  }
0x1f: {  	s24 =	sshra.s32 s24, $0x2  }
0x20: {  	[tilespmem:s24+$0x0] =	vst v0;
	s24 =	simm.s32 $0x0  }
0x21: {  	[tilespmem:s16], [sflag:$0x3] =	stream.linear.gather [hbm4b:s8+s24], $0x10, $0x38;
	[tilespmem:$0x1B980] =	vst v63  }
0x22: {  	_ =	swait.ge [sflag:s17], $0x10  }
0x23: {  	[sflag:s17] =	ssyncset.done $0x0  }
0x24: {  	[sflag:s17] =	ssyncadd.s32 $0xFFFFFFF0  }
0x25: {  	v1 =	vld [tilespmem:$0x1B900];
	[tilespmem:s18], [sflag:$0x1] =	stream.linear.gather [hbm4b:s9+s24], $0x280, $0x38  }
.Ltmp3:
0x26: {  	_ = 	snop;
	(pc) =	sbr.rel .LBB2_4-.Ltmp3, $4  }
0x27: {  	_ = 	snop  }
0x28: {  	[tilespmem:s19], [sflag:$0x1] =	stream.linear.gather [hbm4b:s10+s24], $0x280, $0x38;
	[tilespmem:$0x1B980] =	vst v63  }
0x29: {  	s25 =	simm.s32 $0x0  }
0x2a: {  	[tilespmem:s20], [sflag:$0x1] =	stream.linear.gather [hbm4b:s11+s24], $0x1400, $0x38;
	[tilespmem:$0x1B980] =	vst v63  }
.LBB2_10:
0x2b: {  	s25 =	sadd.s32 $0x1, s25  }
0x2c: {  	p0 =	sne.s32 s25, $0x3F  }
.Ltmp4:
0x2d: {  	_ = 	snop;
	(pc) =	sbr.rel @!p0 .LBB2_11-.Ltmp4, $1  }
0x2e: {  	_ =	sdelay $0x3  }
.LBB2_4:
0x2f: {  	s0 =	sshllo.u32 s25, $0x1  }
0x30: {  	p0 =	sgt.u32 s0, $0x7C  }
0x31: {  	s0 =	smul.u32 @!p0 $0x280, s0;
	_ =	sdelay $0x1  }
0x32: {  	s0 =	sadd.s32 @!p0 s3, s0  }
0x33: {  	s26 =	sadd.s32 @!p0 s5, s0  }
0x34: {  	s26 =	sshrl.u32 @!p0 s26, $0x3  }
0x35: {  	s28 =	simm.s32 @!p0 $0x0;
	s29 =	simm.s32 @!p0 $0x1B680;
	s26 =	sadd.s32 @!p0 s6, s26  }
0x36: {  	[tilespmem:s29], [sflag:$0x2] =	stream.linear.gather @!p0 [hbm4b:s26+s28], $0x280, $0x38;
	[tilespmem:$0x1B980] =	vst v63  }
0x37: {  	s26 =	sadd.s32 @!p0 s7, s0  }
0x38: {  	s26 =	sshrl.u32 @!p0 s26, $0x3  }
0x39: {  	s29 =	simm.s32 @!p0 $0x1B180;
	s26 =	sadd.s32 @!p0 s4, s26  }
0x3a: {  	[tilespmem:s29], [sflag:$0x2] =	stream.linear.gather @!p0 [hbm4b:s26+s28], $0x280, $0x38;
	[tilespmem:$0x1B980] =	vst v63  }
0x3b: {  	s0 =	sadd.s32 @!p0 s0, s12;
	s26 =	simm.s32 @!p0 $0x19B00  }
0x3c: {  	[tilespmem:s26], [sflag:$0x2] =	stream.linear.gather @!p0 [hbm4b:s0+s28], $0x1400, $0x38;
	[tilespmem:$0x1B980] =	vst v63  }
0x3d: {  	_ =	swait.ge [sflag:s21], $0x280  }
0x3e: {  	[sflag:s21] =	ssyncset.done $0x0  }
0x3f: {  	[sflag:s21] =	ssyncadd.s32 $0xFFFFFD80  }
0x40: {  	_ =	swait.ge [sflag:s21], $0x280  }
0x41: {  	[sflag:s21] =	ssyncset.done $0x0  }
0x42: {  	[sflag:s21] =	ssyncadd.s32 $0xFFFFFD80  }
0x43: {  	_ =	swait.ge [sflag:s21], $0x1400  }
0x44: {  	[sflag:s21] =	ssyncset.done $0x0  }
0x45: {  	s26 =	simm.s32 $0x1AF00;
	[sflag:s21] =	ssyncadd.s32 $0xFFFFEC00  }
0x46: {  	v2 =	vld [tilespmem:s26+$0x0];
	_ =	sdelay $0x4  }
0x47: {  	v2 =	vsub.f32 v2, v1;
	_ =	sdelay $0x1  }
0x48: {  	v2 =	vmul.f32 $1.442695020e+00, v2;
	_ =	sdelay $0x1  }
0x49: {  	s28 =	simm.s32 $0x1B400;
	(erf) = vpow2.f32 v2  }
0x4a: {  	v2 =	vld [tilespmem:s28+$0x0];
	_ =	sdelay $0x1  }
0x4b: {  	s1 =	sand.u32 $0x70, s24;
	s29 =	sand.u32 $0x1C00, s24  }
0x4c: {  	s0 =	sor.u32 s1, s29  }
0x4d: {  	v3 =	vld [tilespmem:s0+$0x18700]  }
0x4e: {  	v4 =	vmul.u32 $0xA, v2;
	_ =	sdelay $0x2  }
0x4f: {  	v2 =	vpop (erf)  }
0x50: {  	v3 =	vmul.f32 v2, v3;
	_ =	sdelay $0x1  }
0x51: {  	s0 =	sadd.s32 $0x18700, s0;
	[tilespmem:v4+s2+$0x0] =	vst.idx.add.f32.msk $0xffff, v3  }
0x52: {  	v3 =	vld [tilespmem:s0+$0x80];
	_ =	sdelay $0x1  }
0x53: {  	v5 =	vor.u32 $0x1, v4;
	_ =	sdelay $0x2  }
0x54: {  	v3 =	vmul.f32 v3, v2;
	_ =	sdelay $0x1  }
0x55: {  	[tilespmem:v5+s2+$0x0] =	vst.idx.add.f32.msk $0xffff, v3  }
0x56: {  	v3 =	vld [tilespmem:s0+$0x100];
	_ =	sdelay $0x1  }
0x57: {  	v5 =	vadd.s32 $0x2, v4;
	_ =	sdelay $0x2  }
0x58: {  	v3 =	vmul.f32 v3, v2;
	_ =	sdelay $0x1  }
0x59: {  	[tilespmem:v5+s2+$0x0] =	vst.idx.add.f32.msk $0xffff, v3  }
0x5a: {  	v3 =	vld [tilespmem:s0+$0x180];
	_ =	sdelay $0x1  }
0x5b: {  	v5 =	vadd.s32 $0x3, v4;
	_ =	sdelay $0x2  }
0x5c: {  	v3 =	vmul.f32 v3, v2;
	_ =	sdelay $0x1  }
0x5d: {  	[tilespmem:v5+s2+$0x0] =	vst.idx.add.f32.msk $0xffff, v3  }
0x5e: {  	v3 =	vld [tilespmem:s0+$0x200];
	_ =	sdelay $0x1  }
0x5f: {  	v5 =	vadd.s32 $0x4, v4;
	_ =	sdelay $0x2  }
0x60: {  	v3 =	vmul.f32 v3, v2;
	_ =	sdelay $0x1  }
0x61: {  	[tilespmem:v5+s2+$0x0] =	vst.idx.add.f32.msk $0xffff, v3  }
0x62: {  	v3 =	vld [tilespmem:s0+$0x280];
	_ =	sdelay $0x1  }
0x63: {  	v5 =	vadd.s32 $0x5, v4;
	_ =	sdelay $0x2  }
0x64: {  	v3 =	vmul.f32 v3, v2;
	_ =	sdelay $0x1  }
0x65: {  	[tilespmem:v5+s2+$0x0] =	vst.idx.add.f32.msk $0xffff, v3  }
0x66: {  	v3 =	vld [tilespmem:s0+$0x300];
	_ =	sdelay $0x1  }
0x67: {  	v5 =	vadd.s32 $0x6, v4;
	_ =	sdelay $0x2  }
0x68: {  	v3 =	vmul.f32 v3, v2  }
0x69: {  	s31 =	sor.u32 s24, s24  }
0x6a: {  	s0 =	sor.u32 $0x380, s31;
	[tilespmem:v5+s2+$0x0] =	vst.idx.add.f32.msk $0xffff, v3  }
0x6b: {  	v3 =	vld [tilespmem:s0+$0x18700];
	_ =	sdelay $0x3  }
0x6c: {  	v5 =	vadd.s32 $0x7, v4  }
0x6d: {  	v6 =	vmul.f32 v3, v2;
	v3 =	vadd.s32 $0x8, v4;
	_ =	sdelay $0x3  }
0x6e: {  	s30 =	simm.s32 $0x0;
	s29 =	simm.s32 $0x10;
	[tilespmem:v5+s2+$0x0] =	vst.idx.add.f32.msk $0xffff, v6  }
.LBB2_5:
0x6f: {  	[tilespmem:v3+s2+$0x0] =	vst.idx.add.f32.msk $0xffff, v2;
	s30 =	sadd.s32 $0x80, s30;
	s26 =	sadd.s32 $0x10, s26;
	s28 =	sadd.s32 $0x10, s28  }
0x70: {  	p1 =	sne.s32 s29, $0x270;
	s31 =	smov.u32 s29;
	s29 =	sadd.s32 $0x10, s29;
	v2 =	vld [tilespmem:s26+$0x0]  }
0x71: {  	_ =	sdelay $0x3  }
0x72: {  	v2 =	vsub.f32 v2, v1;
	_ =	sdelay $0x1  }
0x73: {  	v2 =	vmul.f32 $1.442695020e+00, v2;
	_ =	sdelay $0x1  }
0x74: {  	(erf) = vpow2.f32 v2  }
0x75: {  	v2 =	vld [tilespmem:s28+$0x0];
	_ =	sdelay $0x1  }
0x76: {  	s0 =	sand.u32 $0x70, s31;
	s1 =	sand.u32 $0x1C00, s30  }
0x77: {  	s0 =	sor.u32 s0, s1  }
0x78: {  	v3 =	vld [tilespmem:s0+$0x18700]  }
0x79: {  	v4 =	vmul.u32 $0xA, v2;
	_ =	sdelay $0x2  }
0x7a: {  	v2 =	vpop (erf)  }
0x7b: {  	v3 =	vmul.f32 v2, v3;
	_ =	sdelay $0x1  }
0x7c: {  	s0 =	sadd.s32 $0x18700, s0;
	[tilespmem:v4+s2+$0x0] =	vst.idx.add.f32.msk $0xffff, v3  }
0x7d: {  	v3 =	vld [tilespmem:s0+$0x80];
	_ =	sdelay $0x1  }
0x7e: {  	v5 =	vor.u32 $0x1, v4;
	_ =	sdelay $0x2  }
0x7f: {  	v3 =	vmul.f32 v3, v2;
	_ =	sdelay $0x1  }
0x80: {  	[tilespmem:v5+s2+$0x0] =	vst.idx.add.f32.msk $0xffff, v3  }
0x81: {  	v3 =	vld [tilespmem:s0+$0x100];
	_ =	sdelay $0x1  }
0x82: {  	v5 =	vadd.s32 $0x2, v4;
	_ =	sdelay $0x2  }
0x83: {  	v3 =	vmul.f32 v3, v2;
	_ =	sdelay $0x1  }
0x84: {  	[tilespmem:v5+s2+$0x0] =	vst.idx.add.f32.msk $0xffff, v3  }
0x85: {  	v3 =	vld [tilespmem:s0+$0x180];
	_ =	sdelay $0x1  }
0x86: {  	v5 =	vadd.s32 $0x3, v4;
	_ =	sdelay $0x2  }
0x87: {  	v3 =	vmul.f32 v3, v2;
	_ =	sdelay $0x1  }
0x88: {  	[tilespmem:v5+s2+$0x0] =	vst.idx.add.f32.msk $0xffff, v3  }
0x89: {  	v3 =	vld [tilespmem:s0+$0x200];
	_ =	sdelay $0x1  }
0x8a: {  	v5 =	vadd.s32 $0x4, v4;
	_ =	sdelay $0x2  }
0x8b: {  	v3 =	vmul.f32 v3, v2;
	_ =	sdelay $0x1  }
0x8c: {  	[tilespmem:v5+s2+$0x0] =	vst.idx.add.f32.msk $0xffff, v3  }
0x8d: {  	v3 =	vld [tilespmem:s0+$0x280];
	_ =	sdelay $0x1  }
0x8e: {  	v5 =	vadd.s32 $0x5, v4;
	_ =	sdelay $0x2  }
0x8f: {  	v3 =	vmul.f32 v3, v2;
	_ =	sdelay $0x1  }
0x90: {  	[tilespmem:v5+s2+$0x0] =	vst.idx.add.f32.msk $0xffff, v3  }
0x91: {  	v3 =	vld [tilespmem:s0+$0x300];
	_ =	sdelay $0x1  }
0x92: {  	v5 =	vadd.s32 $0x6, v4;
	_ =	sdelay $0x2  }
0x93: {  	v3 =	vmul.f32 v3, v2  }
0x94: {  	s0 =	sor.u32 s30, s31  }
0x95: {  	s0 =	sor.u32 $0x380, s0;
	[tilespmem:v5+s2+$0x0] =	vst.idx.add.f32.msk $0xffff, v3  }
0x96: {  	v5 =	vld [tilespmem:s0+$0x18700];
	_ =	sdelay $0x1  }
0x97: {  	v6 =	vadd.s32 $0x7, v4  }
.Ltmp5:
0x98: {  	v3 =	vadd.s32 $0x8, v4;
	(pc) =	sbr.rel @p1 .LBB2_5-.Ltmp5, $3  }
0x99: {  	_ = 	snop  }
0x9a: {  	v4 =	vmul.f32 v5, v2;
	_ =	sdelay $0x1  }
0x9b: {  	[tilespmem:v6+s2+$0x0] =	vst.idx.add.f32.msk $0xffff, v4  }
0x9c: {  	p1 =	seq.s32 s25, $0x3E  }
0x9d: {  	s0 =	smul.u32 @!p1 $0x500, s25;
	_ =	sdelay $0x1  }
0x9e: {  	s0 =	sadd.s32 @!p1 s0, s13  }
0x9f: {  	s1 =	sadd.s32 @!p1 s5, s0  }
0xa0: {  	s1 =	sshrl.u32 @!p1 s1, $0x3  }
0xa1: {  	[tilespmem:v3+s2+$0x0] =	vst.idx.add.f32.msk $0xffff, v2;
	s26 =	simm.s32 @!p1 $0x0;
	s28 =	simm.s32 @!p1 $0x1B400;
	s1 =	sadd.s32 @!p1 s6, s1  }
0xa2: {  	[tilespmem:s28], [sflag:$0x1] =	stream.linear.gather @!p1 [hbm4b:s1+s26], $0x280, $0x38;
	[tilespmem:$0x1B980] =	vst v63  }
0xa3: {  	s1 =	sadd.s32 @!p1 s7, s0  }
.Ltmp6:
0xa4: {  	s1 =	sshrl.u32 @!p1 s1, $0x3;
	(pc) =	sbr.rel @p0 .LBB2_10-.Ltmp6, $4  }
0xa5: {  	s28 =	simm.s32 @!p1 $0x1AF00;
	s1 =	sadd.s32 @!p1 s4, s1  }
0xa6: {  	[tilespmem:s28], [sflag:$0x1] =	stream.linear.gather @!p1 [hbm4b:s1+s26], $0x280, $0x38;
	[tilespmem:$0x1B980] =	vst v63  }
0xa7: {  	s0 =	sadd.s32 @!p1 s0, s12;
	s1 =	simm.s32 @!p1 $0x18700  }
0xa8: {  	[tilespmem:s1], [sflag:$0x1] =	stream.linear.gather @!p1 [hbm4b:s0+s26], $0x1400, $0x38;
	[tilespmem:$0x1B980] =	vst v63  }
0xa9: {  	_ =	swait.ge [sflag:s22], $0x280  }
0xaa: {  	[sflag:s22] =	ssyncset.done $0x0  }
0xab: {  	[sflag:s22] =	ssyncadd.s32 $0xFFFFFD80  }
0xac: {  	_ =	swait.ge [sflag:s22], $0x280  }
0xad: {  	[sflag:s22] =	ssyncset.done $0x0  }
0xae: {  	[sflag:s22] =	ssyncadd.s32 $0xFFFFFD80  }
0xaf: {  	_ =	swait.ge [sflag:s22], $0x1400  }
0xb0: {  	[sflag:s22] =	ssyncset.done $0x0  }
0xb1: {  	s26 =	simm.s32 $0x1B180;
	[sflag:s22] =	ssyncadd.s32 $0xFFFFEC00  }
0xb2: {  	v2 =	vld [tilespmem:s26+$0x0];
	_ =	sdelay $0x4  }
0xb3: {  	v2 =	vsub.f32 v2, v1;
	_ =	sdelay $0x1  }
0xb4: {  	v2 =	vmul.f32 $1.442695020e+00, v2;
	_ =	sdelay $0x1  }
0xb5: {  	s28 =	simm.s32 $0x1B680;
	(erf) = vpow2.f32 v2  }
0xb6: {  	v2 =	vld [tilespmem:s28+$0x0]  }
0xb7: {  	s29 =	simm.s32 $0x0  }
0xb8: {  	s0 =	sand.u32 $0x70, s29;
	s1 =	sand.u32 $0x1C00, s29  }
0xb9: {  	s0 =	sor.u32 s0, s1  }
0xba: {  	v3 =	vld [tilespmem:s0+$0x19B00]  }
0xbb: {  	v4 =	vmul.u32 $0xA, v2;
	_ =	sdelay $0x2  }
0xbc: {  	v2 =	vpop (erf)  }
0xbd: {  	v3 =	vmul.f32 v2, v3;
	_ =	sdelay $0x1  }
0xbe: {  	s0 =	sadd.s32 $0x19B00, s0;
	[tilespmem:v4+s2+$0x0] =	vst.idx.add.f32.msk $0xffff, v3  }
0xbf: {  	v3 =	vld [tilespmem:s0+$0x80];
	_ =	sdelay $0x1  }
0xc0: {  	v5 =	vor.u32 $0x1, v4;
	_ =	sdelay $0x2  }
0xc1: {  	v3 =	vmul.f32 v3, v2;
	_ =	sdelay $0x1  }
0xc2: {  	[tilespmem:v5+s2+$0x0] =	vst.idx.add.f32.msk $0xffff, v3  }
0xc3: {  	v3 =	vld [tilespmem:s0+$0x100];
	_ =	sdelay $0x1  }
0xc4: {  	v5 =	vadd.s32 $0x2, v4;
	_ =	sdelay $0x2  }
0xc5: {  	v3 =	vmul.f32 v3, v2;
	_ =	sdelay $0x1  }
0xc6: {  	[tilespmem:v5+s2+$0x0] =	vst.idx.add.f32.msk $0xffff, v3  }
0xc7: {  	v3 =	vld [tilespmem:s0+$0x180];
	_ =	sdelay $0x1  }
0xc8: {  	v5 =	vadd.s32 $0x3, v4;
	_ =	sdelay $0x2  }
0xc9: {  	v3 =	vmul.f32 v3, v2;
	_ =	sdelay $0x1  }
0xca: {  	[tilespmem:v5+s2+$0x0] =	vst.idx.add.f32.msk $0xffff, v3  }
0xcb: {  	v3 =	vld [tilespmem:s0+$0x200];
	_ =	sdelay $0x1  }
0xcc: {  	v5 =	vadd.s32 $0x4, v4;
	_ =	sdelay $0x2  }
0xcd: {  	v3 =	vmul.f32 v3, v2;
	_ =	sdelay $0x1  }
0xce: {  	[tilespmem:v5+s2+$0x0] =	vst.idx.add.f32.msk $0xffff, v3  }
0xcf: {  	v3 =	vld [tilespmem:s0+$0x280];
	_ =	sdelay $0x1  }
0xd0: {  	v5 =	vadd.s32 $0x5, v4;
	_ =	sdelay $0x2  }
0xd1: {  	v3 =	vmul.f32 v3, v2;
	_ =	sdelay $0x1  }
0xd2: {  	[tilespmem:v5+s2+$0x0] =	vst.idx.add.f32.msk $0xffff, v3  }
0xd3: {  	v3 =	vld [tilespmem:s0+$0x300];
	_ =	sdelay $0x1  }
0xd4: {  	v5 =	vadd.s32 $0x6, v4;
	_ =	sdelay $0x2  }
0xd5: {  	v3 =	vmul.f32 v3, v2  }
0xd6: {  	s31 =	sor.u32 s29, s29  }
0xd7: {  	s0 =	sor.u32 $0x380, s31;
	[tilespmem:v5+s2+$0x0] =	vst.idx.add.f32.msk $0xffff, v3  }
0xd8: {  	v3 =	vld [tilespmem:s0+$0x19B00];
	_ =	sdelay $0x3  }
0xd9: {  	v5 =	vadd.s32 $0x7, v4  }
0xda: {  	v6 =	vmul.f32 v3, v2;
	v3 =	vadd.s32 $0x8, v4;
	_ =	sdelay $0x3  }
0xdb: {  	s30 =	simm.s32 $0x10;
	[tilespmem:v5+s2+$0x0] =	vst.idx.add.f32.msk $0xffff, v6  }
.LBB2_8:
0xdc: {  	[tilespmem:v3+s2+$0x0] =	vst.idx.add.f32.msk $0xffff, v2;
	s29 =	sadd.s32 $0x80, s29;
	s26 =	sadd.s32 $0x10, s26;
	s28 =	sadd.s32 $0x10, s28  }
0xdd: {  	p0 =	sne.s32 s30, $0x270;
	s31 =	smov.u32 s30;
	s30 =	sadd.s32 $0x10, s30;
	v2 =	vld [tilespmem:s26+$0x0]  }
0xde: {  	_ =	sdelay $0x3  }
0xdf: {  	v2 =	vsub.f32 v2, v1;
	_ =	sdelay $0x1  }
0xe0: {  	v2 =	vmul.f32 $1.442695020e+00, v2;
	_ =	sdelay $0x1  }
0xe1: {  	(erf) = vpow2.f32 v2  }
0xe2: {  	v2 =	vld [tilespmem:s28+$0x0];
	_ =	sdelay $0x1  }
0xe3: {  	s0 =	sand.u32 $0x70, s31;
	s1 =	sand.u32 $0x1C00, s29  }
0xe4: {  	s0 =	sor.u32 s0, s1  }
0xe5: {  	v3 =	vld [tilespmem:s0+$0x19B00]  }
0xe6: {  	v4 =	vmul.u32 $0xA, v2;
	_ =	sdelay $0x2  }
0xe7: {  	v2 =	vpop (erf)  }
0xe8: {  	v3 =	vmul.f32 v2, v3;
	_ =	sdelay $0x1  }
0xe9: {  	s0 =	sadd.s32 $0x19B00, s0;
	[tilespmem:v4+s2+$0x0] =	vst.idx.add.f32.msk $0xffff, v3  }
0xea: {  	v3 =	vld [tilespmem:s0+$0x80];
	_ =	sdelay $0x1  }
0xeb: {  	v5 =	vor.u32 $0x1, v4;
	_ =	sdelay $0x2  }
0xec: {  	v3 =	vmul.f32 v3, v2;
	_ =	sdelay $0x1  }
0xed: {  	[tilespmem:v5+s2+$0x0] =	vst.idx.add.f32.msk $0xffff, v3  }
0xee: {  	v3 =	vld [tilespmem:s0+$0x100];
	_ =	sdelay $0x1  }
0xef: {  	v5 =	vadd.s32 $0x2, v4;
	_ =	sdelay $0x2  }
0xf0: {  	v3 =	vmul.f32 v3, v2;
	_ =	sdelay $0x1  }
0xf1: {  	[tilespmem:v5+s2+$0x0] =	vst.idx.add.f32.msk $0xffff, v3  }
0xf2: {  	v3 =	vld [tilespmem:s0+$0x180];
	_ =	sdelay $0x1  }
0xf3: {  	v5 =	vadd.s32 $0x3, v4;
	_ =	sdelay $0x2  }
0xf4: {  	v3 =	vmul.f32 v3, v2;
	_ =	sdelay $0x1  }
0xf5: {  	[tilespmem:v5+s2+$0x0] =	vst.idx.add.f32.msk $0xffff, v3  }
0xf6: {  	v3 =	vld [tilespmem:s0+$0x200];
	_ =	sdelay $0x1  }
0xf7: {  	v5 =	vadd.s32 $0x4, v4;
	_ =	sdelay $0x2  }
0xf8: {  	v3 =	vmul.f32 v3, v2;
	_ =	sdelay $0x1  }
0xf9: {  	[tilespmem:v5+s2+$0x0] =	vst.idx.add.f32.msk $0xffff, v3  }
0xfa: {  	v3 =	vld [tilespmem:s0+$0x280];
	_ =	sdelay $0x1  }
0xfb: {  	v5 =	vadd.s32 $0x5, v4;
	_ =	sdelay $0x2  }
0xfc: {  	v3 =	vmul.f32 v3, v2;
	_ =	sdelay $0x1  }
0xfd: {  	[tilespmem:v5+s2+$0x0] =	vst.idx.add.f32.msk $0xffff, v3  }
0xfe: {  	v3 =	vld [tilespmem:s0+$0x300];
	_ =	sdelay $0x1  }
0xff: {  	v5 =	vadd.s32 $0x6, v4;
	_ =	sdelay $0x2  }
0x100: {  	v3 =	vmul.f32 v3, v2  }
0x101: {  	s0 =	sor.u32 s29, s31  }
0x102: {  	s0 =	sor.u32 $0x380, s0;
	[tilespmem:v5+s2+$0x0] =	vst.idx.add.f32.msk $0xffff, v3  }
0x103: {  	v5 =	vld [tilespmem:s0+$0x19B00];
	_ =	sdelay $0x1  }
0x104: {  	v6 =	vadd.s32 $0x7, v4  }
.Ltmp7:
0x105: {  	v3 =	vadd.s32 $0x8, v4;
	(pc) =	sbr.rel @p0 .LBB2_8-.Ltmp7, $3  }
0x106: {  	_ = 	snop  }
0x107: {  	v4 =	vmul.f32 v5, v2;
	_ =	sdelay $0x1  }
0x108: {  	[tilespmem:v6+s2+$0x0] =	vst.idx.add.f32.msk $0xffff, v4  }
.Ltmp8:
0x109: {  	_ = 	snop;
	(pc) =	sbr.rel .LBB2_10-.Ltmp8, $2  }
0x10a: {  	_ =	sdelay $0x2  }
0x10b: {  	[tilespmem:v3+s2+$0x0] =	vst.idx.add.f32.msk $0xffff, v2  }
.LBB2_12:
0x10c: {  	_ =	sfence.sel $0x180000  }
0x10d: {  	[bflag:$0x0] =	sbarrier.arrive $0xFFFF  }
0x10e: {  	_ =	strace $0x9000004A  }
0x10f: {  	s0 =	stileid.u32;
	[bflag:$0x2] =	sbarrier.arrive $0xFFFF  }
0x110: {  	p0 =	sne.s32 s0, $0x0;
	s0 =	rddreg [dreg:$0x1]  }
0x111: {  	s0 =	sadd.s32 @!p0 $0x100000, s0  }
0x112: {  	[sflag:s0] =	ssyncadd.tile.s32 @!p0 $0x1;
	_ =	shalt  }
.Lfunc_end2:
_tile_overlayer_lowered:
.L_overlay_start_2:
0x113: {  	(tag) =	ssettag $0x2  }
0x114: {  	s0 =	rddreg [dreg:$0x0];
	s2 =	stileid.u32  }
0x115: {  	s1 =	rddreg [dreg:$0x1];
	p0 =	sne.s32 s2, $0x0  }
0x116: {  	s3 =	rddreg [dreg:$0x2];
	[bflag:$0x3] =	sbarrier.arrive $0xFFFF;
	s2 =	simm.s32 @!p0 $0x1C03  }
0x117: {  	[timem:s3], [sflag:s2] =	dma.local @!p0 [hbm:s0], s1  }
0x118: {  	s0 =	simm.s32 @!p0 $0x3  }
0x119: {  	_ =	swait.ge @!p0 [sflag:s0], s1  }
0x11a: {  	s1 =	ssub.s32 @!p0 $0x0, s1;
	[sflag:s0] =	ssyncset.done @!p0 $0x0  }
0x11b: {  	[sflag:s0] =	ssyncadd.s32 @!p0 s1  }
0x11c: {  	[bflag:$0x3] =	sbarrier.arrive $0xFFFF  }
0x11d: {  	_ =	shalt  }

// kernel: kernel.7.cloned.1.call-start
scs
__scs_entry_jumppad:
0x0: {  	(pc) =	sbr.rel $0x88, $3  }
0x1: {  	(tag) =	ssettag $0x0;
	lr =	simm.s32 $0x1  }
0x2: {  	[smem:$0x3F8A] =	sst lr;
	_ =	strace $0xD0000000  }
0x3: {  	_ = 	snop  }
0x4: {  	_ = 	snop  }
0x5: {  	_ = 	snop  }
0x6: {  	_ = 	snop  }
0x7: {  	_ = 	snop  }
__scs_overlays_trampoline_lowered:
0x8: {  	[smem:$0x3F99] =	sst s0  }
0x9: {  	[smem:$0x3F9A] =	sst s1  }
0xa: {  	[smem:$0x3F9B] =	sst s2  }
0xb: {  	[smem:$0x3F9C] =	sst s3  }
0xc: {  	[smem:$0x3F9D] =	sst s4  }
0xd: {  	[smem:$0x3F9E] =	sst s5  }
0xe: {  	[smem:$0x3F9F] =	sst s6  }
0xf: {  	[smem:$0x3FA0] =	sst s7  }
0x10: {  	[smem:$0x3FA1] =	sst s8  }
0x11: {  	[smem:$0x3FA2] =	sst s9;
	s0 =	simm.s32 @!p0 $0x0  }
0x12: {  	s1 =	sld [smem:$0x3F88];
	s0 =	simm.s32 @p0 $0x1  }
0x13: {  	[smem:$0x3FA3] =	sst s0;
	s0 =	simm.s32 @!p1 $0x0  }
0x14: {  	s2 =	sld [smem:$0x3F87];
	s0 =	simm.s32 @p1 $0x1  }
0x15: {  	[smem:$0x3FA4] =	sst s0;
	s0 =	simm.s32 @!p2 $0x0  }
0x16: {  	s3 =	sld [smem:$0x3FDB];
	s0 =	simm.s32 @p2 $0x1  }
0x17: {  	s4 =	simm.s32 $0x1BF5;
	[smem:$0x3FA6] =	sst s0  }
0x18: {  	s0 =	sld [smem:$0x3F89];
	_ =	swait.ge [sflag:s4], $0x0  }
0x19: {  	s7 =	sld [smem:$0x3F8A]  }
0x1a: {  	s8 =	sadd.s32 $0xFFFFE003, lr  }
0x1b: {  	s9 =	sadd.s32 $0xFFFFFEF7, lr;
	s5 =	simm.s32 $0xFFFFFFFF;
	p2 =	slt.u32 s8, $0xFFFFF086  }
0x1c: {  	p1 =	slt.u32 s9, $0xF7A;
	s5 =	simm.s32 @!p2 $0x0  }
0x1d: {  	s5 =	simm.s32 @p1 $0x1;
	p0 =	seq.s32 s7, s2  }
0x1e: {  	s7 =	smul.u32 @!p0 $0xF7A, s2;
	p2 =	seq.s32 @!p0 s5, $0x0  }
0x1f: {  	s9 =	smul.u32 $0xF7A, s1;
	s8 =	simm.s32 @!p0 $0x1BF5;
	p2 =	por !p2, p0  }
0x20: {  	[sflag:s8] =	ssyncset.s32 @!p0 $0xFFFFF086;
	s6 =	sadd.s32 @!p0 s3, s7;
	s7 =	simm.s32 @!p0 $0x108  }
0x21: {  	s3 =	sadd.s32 s3, s9;
	s6 =	sadd.s32 @!p0 $0x88, s6;
	s7 =	simm.s32 @p2 $0x1082  }
0x22: {  	[simem:s7], [sflag:s8] =	dma.local @!p0 [hbm:s6], $0xF7A  }
0x23: {  	s9 =	sor.u32 $0xD0000000, s2;
	s6 =	simm.s32 $0x108;
	_ =	swait.ge @!p0 [sflag:s8], $0x0  }
0x24: {  	s3 =	sadd.s32 $0x88, s3;
	s6 =	simm.s32 @!p1 $0x1082;
	[sflag:s4] =	ssyncset.s32 $0xFFFFF086  }
0x25: {  	[simem:s6], [sflag:s4] =	dma.local [hbm:s3], $0xF7A  }
0x26: {  	[smem:$0x3F8A] =	sst s1;
	(tag) =	ssettag s2;
	_ =	strace s9  }
0x27: {  	s1 =	sld [smem:$0x3F9A]  }
0x28: {  	s2 =	sld [smem:$0x3F9B]  }
0x29: {  	s4 =	sld [smem:$0x3F9D]  }
0x2a: {  	p0 =	seq.s32 s5, $0x0;
	s5 =	sld [smem:$0x3F9E]  }
0x2b: {  	s6 =	sld [smem:$0x3F9F]  }
0x2c: {  	s7 =	sld [smem:$0x3FA0]  }
0x2d: {  	s3 =	simm.s32 $0x108;
	s8 =	sld [smem:$0x3FA1]  }
0x2e: {  	s3 =	simm.s32 @!p0 $0x1082;
	s9 =	sld [smem:$0x3FA2]  }
0x2f: {  	lr =	sadd.s32 s0, s3;
	s0 =	sld [smem:$0x3F99]  }
0x30: {  	s3 =	sld [smem:$0x3F9C]  }
0x31: {  	[smem:$0x3FA5] =	sst s10  }
0x32: {  	s10 =	sld [smem:$0x3FA3];
	_ =	sdelay $0x3  }
0x33: {  	p0 =	seq.s32 s10, $0x1;
	s10 =	sld [smem:$0x3FA5];
	_ =	sdelay $0x3  }
0x34: {  	[smem:$0x3FA5] =	sst s10  }
0x35: {  	s10 =	sld [smem:$0x3FA4];
	_ =	sdelay $0x3  }
0x36: {  	p1 =	seq.s32 s10, $0x1;
	s10 =	sld [smem:$0x3FA5];
	_ =	sdelay $0x3  }
0x37: {  	[smem:$0x3FA5] =	sst s10  }
0x38: {  	s10 =	sld [smem:$0x3FA6]  }
0x39: {  	_ = 	snop;
	(pc) =	sbr.ind lr, $3  }
0x3a: {  	_ = 	snop  }
0x3b: {  	_ = 	snop  }
0x3c: {  	p2 =	seq.s32 s10, $0x1;
	s10 =	sld [smem:$0x3FA5]  }
0x3d: {  	_ =	shalt  }
0x3e: {  	_ =	shalt  }
0x3f: {  	_ =	shalt  }
0x40: {  	_ =	shalt  }
0x41: {  	_ =	shalt  }
0x42: {  	_ =	shalt  }
0x43: {  	_ =	shalt  }
0x44: {  	_ =	shalt  }
0x45: {  	_ =	shalt  }
0x46: {  	_ =	shalt  }
0x47: {  	_ =	shalt  }
0x48: {  	_ =	shalt  }
0x49: {  	_ =	shalt  }
0x4a: {  	_ =	shalt  }
0x4b: {  	_ =	shalt  }
0x4c: {  	_ =	shalt  }
0x4d: {  	_ =	shalt  }
0x4e: {  	_ =	shalt  }
0x4f: {  	_ =	shalt  }
0x50: {  	_ =	shalt  }
0x51: {  	_ =	shalt  }
0x52: {  	_ =	shalt  }
0x53: {  	_ =	shalt  }
0x54: {  	_ =	shalt  }
0x55: {  	_ =	shalt  }
0x56: {  	_ =	shalt  }
0x57: {  	_ =	shalt  }
0x58: {  	_ =	shalt  }
0x59: {  	_ =	shalt  }
0x5a: {  	_ =	shalt  }
0x5b: {  	_ =	shalt  }
0x5c: {  	_ =	shalt  }
0x5d: {  	_ =	shalt  }
0x5e: {  	_ =	shalt  }
0x5f: {  	_ =	shalt  }
0x60: {  	_ =	shalt  }
0x61: {  	_ =	shalt  }
0x62: {  	_ =	shalt  }
0x63: {  	_ =	shalt  }
0x64: {  	_ =	shalt  }
0x65: {  	_ =	shalt  }
0x66: {  	_ =	shalt  }
0x67: {  	_ =	shalt  }
0x68: {  	_ =	shalt  }
0x69: {  	_ =	shalt  }
0x6a: {  	_ =	shalt  }
0x6b: {  	_ =	shalt  }
0x6c: {  	_ =	shalt  }
0x6d: {  	_ =	shalt  }
0x6e: {  	_ =	shalt  }
0x6f: {  	_ =	shalt  }
0x70: {  	_ =	shalt  }
0x71: {  	_ =	shalt  }
0x72: {  	_ =	shalt  }
0x73: {  	_ =	shalt  }
0x74: {  	_ =	shalt  }
0x75: {  	_ =	shalt  }
0x76: {  	_ =	shalt  }
0x77: {  	_ =	shalt  }
0x78: {  	_ =	shalt  }
0x79: {  	_ =	shalt  }
0x7a: {  	_ =	shalt  }
0x7b: {  	_ =	shalt  }
0x7c: {  	_ =	shalt  }
0x7d: {  	_ =	shalt  }
0x7e: {  	_ =	shalt  }
0x7f: {  	_ =	shalt  }
0x80: {  	_ =	shalt  }
0x81: {  	_ =	shalt  }
0x82: {  	_ =	shalt  }
0x83: {  	_ =	shalt  }
0x84: {  	_ =	shalt  }
0x85: {  	_ =	shalt  }
0x86: {  	_ =	shalt  }
0x87: {  	_ =	shalt  }
.Lfunc_end0:
.L_simem_size_0:
called_computation_lowered:
.L_overlay_start_0:
0x88: {  	s2 =	sld [smem:$0x3FD9]  }
0x89: {  	s3 =	sld [smem:$0x3FFE];
	_ =	sdelay $0x1  }
0x8a: {  	s1 =	srdreg.scid  }
0x8b: {  	s0 =	sand.u32 $0x1, s1  }
0x8c: {  	s14 =	sshll.u32 s0, $0xA;
	s2 =	sadd.s32 s3, s2  }
0x8d: {  	s2 =	sadd.s32 s2, s14  }
0x8e: {  	[smem:$0x3FB1] =	sst s2  }
0x8f: {  	_ = 	snop  }
0x90: {  	s2 =	sld [smem:$0x3FD0];
	_ =	sdelay $0x2  }
0x91: {  	s4 =	simm.s32 $0xA;
	s5 =	simm.s32 $0x10;
	s15 =	sld [smem:$0x3FC6]  }
0x92: {  	[smem:s5], [sflag:s4] =	dma.local [hbm:s2], $0x1  }
0x93: {  	_ =	swait.eq [sflag:s4], $0x1  }
0x94: {  	[sflag:s4] =	ssyncset.done $0x0  }
0x95: {  	s16 =	sld [smem:$0x10];
	[sflag:s4] =	ssyncadd.s32 $0xFFFFFFFF  }
0x96: {  	s17 =	sld [smem:$0x11];
	(tm) =	ssettm $0x1  }
0x97: {  	s18 =	sld [smem:$0x3FFB];
	_ =	sdelay $0x3  }
0x98: {  	_ =	strace s18  }
0x99: {  	s5 =	sld [smem:$0x3FFC];
	_ =	sdelay $0x3  }
0x9a: {  	_ =	strace s5  }
0x9b: {  	s5 =	sld [smem:$0x3FFD];
	_ =	sdelay $0x3  }
0x9c: {  	_ =	strace s5  }
0x9d: {  	_ =	strace $0x8FFFFFFF  }
0x9e: {  	s19 =	sld [smem:$0x3FDB];
	_ =	sdelay $0x1  }
0x9f: {  	s6 =	simm.s32 $_scs_section_size  }
0xa0: {  	s7 =	simm.s32 $_size__tile_overlayer_lowered;
	s8 =	simm.s32 $_tile_overlayer_lowered  }
0xa1: {  	s22 =	simm.s32 $0x1BFF;
	s21 =	sshll.u32 s8, $0x1;
	s5 =	sadd.s32 s6, s19  }
0xa2: {  	s9 =	simm.s32 $0x0;
	s20 =	sshll.u32 s7, $0x1;
	s7 =	sadd.s32 s21, s5  }
0xa3: {  	[timem:s9], [sflag:s22] =	dma.local [hbm:s7], s20  }
0xa4: {  	_ =	swait.ge [sflag:s22], s20  }
0xa5: {  	s6 =	ssub.s32 $0x0, s20;
	[sflag:s22] =	ssyncset.done $0x0  }
0xa6: {  	[sflag:s22] =	ssyncadd.s32 s6;
	_ =	sdelay $0x1  }
0xa7: {  	s23 =	simm.s32 $0x1B8B  }
0xa8: {  	_ =	swait.ge [sflag:s23], $0x1  }
0xa9: {  	[sflag:s23] =	ssyncset.done $0x0  }
0xaa: {  	s25 =	simm.s32 $0x1B8E;
	s24 =	sld [smem:$0x3FFE];
	[sflag:s23] =	ssyncadd.s32 $0xFFFFFFFF  }
0xab: {  	s26 =	simm.s32 $execute0_lowered;
	[smem:$0x3FD2] =	sst s25  }
0xac: {  	s7 =	sshll.u32 s26, $0x1;
	_ =	strace $0x80000046;
	[dreg:$0x1] =	wrdreg $0xFFFFFFFF  }
0xad: {  	s28 =	simm.s32 $_size_execute0_lowered;
	s5 =	sadd.s32 s5, s7;
	[dreg:$0x0] =	wrdreg $0x0  }
0xae: {  	s7 =	sshll.u32 s28, $0x1;
	[dreg:$0x2] =	wrdreg s5  }
0xaf: {  	[dreg:$0x3] =	wrdreg s7  }
0xb0: {  	[dreg:$0x4] =	wrdreg $0xC0  }
0xb1: {  	_ =	task [dreg:s9], $0x5FFFF  }
0xb2: {  	[dreg:$0x1] =	wrdreg $0xFFFFFFFF  }
0xb3: {  	[dreg:$0x0] =	wrdreg $0x60  }
0xb4: {  	[dreg:$0x2] =	wrdreg s17  }
0xb5: {  	[dreg:$0x3] =	wrdreg s15  }
0xb6: {  	[dreg:$0x4] =	wrdreg s16  }
0xb7: {  	[dreg:$0x5] =	wrdreg s24  }
0xb8: {  	[dreg:$0x6] =	wrdreg $0x9  }
0xb9: {  	_ =	task.clear_ibuf [dreg:s9], $0x7FFFF;
	_ =	strace $0x90000046  }
0xba: {  	s29 =	simm.s32 $0x9;
	_ =	strace $0x80000048  }
0xbb: {  	_ =	swait.ge [sflag:s29], $0x1  }
0xbc: {  	[sflag:s29] =	ssyncadd.s32 $0xFFFFFFFF  }
0xbd: {  	_ =	strace $0x90000048  }
0xbe: {  	_ =	sfence  }
0xbf: {  	s30 =	sld [smem:$0x0];
	_ =	sdelay $0x2  }
0xc0: {  	s31 =	sshll.u32 s1, $0xD;
	s1 =	sshrl.u32 s1, $0x2  }
0xc1: {  	s3 =	sand.u32 $0x4000, s31;
	s1 =	sadd.s32 s1, s30  }
0xc2: {  	s0 =	sor.u32 s3, s0;
	s1 =	sshll.u32 s1, $0x11  }
0xc3: {  	s0 =	sor.u32 s1, s0  }
0xc4: {  	s0 =	sadd.s32 $0x8F2B, s0  }
0xc5: {  	[sflag:s0] =	ssyncadd.remote.s32 $0x1  }
0xc6: {  	_ =	sfence.sel $0xFFFF  }
0xc7: {  	[dreg:$0x0] =	wrdreg $0xFFFFFFFF;
	(pc) =	sbr.abs _section_cstart, $3  }
0xc8: {  	[dreg:$0x1] =	wrdreg $0xFFFFFFFF  }
0xc9: {  	_ =	task.clear_ibuf [dreg:s9], $0x2FFFF;
	_ =	strace $0x9FFFFFFF  }
0xca: {  	(tm) =	ssettm $0x7FFFFFFF  }
0xcb: {  	_ =	shalt  }
tec
execute0_lowered:
.L_overlay_start_1:
0x0: {  	(tag) =	ssettag $0x1  }
0x1: {  	s1 =	rddreg [dreg:$0x0]  }
0x2: {  	s7 =	rddreg [dreg:$0x1]  }
0x3: {  	s8 =	rddreg [dreg:$0x2]  }
0x4: {  	s4 =	rddreg [dreg:$0x3]  }
0x5: {  	s0 =	rddreg [dreg:$0x4];
	s3 =	simm.s32 $0x0;
	s5 =	srdreg.scid  }
0x6: {  	s2 =	stileid.u32;
	[smem:$0x7FF] =	sst s3;
	s9 =	sand.u32 $0x1, s5  }
0x7: {  	s28 =	sshll.u32 s2, $0xD;
	p0 =	seq.s32 s2, $0x0;
	s11 =	sshll.u32 s2, $0x6  }
0x8: {  	s13 =	sshll.u32 s2, $0x9;
	_ =	strace $0x80000047;
	s6 =	ssub.s32 $0x2, s9  }
0x9: {  	s10 =	sadd.s32 s28, s4;
	s4 =	simm.s32 $0x28;
	s12 =	sshll.u32 s9, $0x5  }
0xa: {  	s14 =	sshll.u32 s9, $0x8;
	s9 =	sshll.u32 s9, $0xC;
	s31 =	sadd.s32 s11, s7  }
0xb: {  	s29 =	sshrl.u32 s6, $0x1;
	s4 =	simm.s32 @!p0 $0x27;
	s30 =	sor.u32 s12, s11  }
0xc: {  	s13 =	sor.u32 s14, s13;
	s9 =	sadd.s32 s9, s10;
	s10 =	sadd.s32 s12, s31  }
0xd: {  	s11 =	simm.s32 $0x3;
	s12 =	simm.s32 $0x100;
	s14 =	simm.s32 $0x0  }
0xe: {  	s6 =	ssub.s32 s6, s29;
	s5 =	sadd.s32 s7, s30;
	s13 =	sshrl.u32 s13, $0x3  }
0xf: {  	s10 =	sadd.s32 $0x400, s10;
	s7 =	sadd.s32 s13, s8;
	s8 =	sadd.s32 $0x13DC00, s9  }
0x10: {  	s6 =	smax.u32 s6, $0x1;
	s9 =	sadd.s32 $0x61FC00, s9;
	s13 =	simm.s32 $0x200  }
.LBB2_1:
0x11: {  	[tilespmem:s3], [sflag:$0x3] =	stream.linear.gather [hbm4b:s5+s3], $0x100, $0x38;
	[tilespmem:$0x10200] =	vst v63  }
0x12: {  	_ =	swait.ge [sflag:s11], $0x100  }
0x13: {  	[sflag:s11] =	ssyncset.done $0x0  }
0x14: {  	p0 =	sgt.u32 s4, $0x0;
	[sflag:s11] =	ssyncadd.s32 $0xFFFFFF00  }
0x15: {  	[tilespmem:s13], [sflag:$0x1] =	stream.indirect.gather [hbm4b:s1+s12], $0x80, s3, s12, $0xb8;
	[tilespmem:$0x10200] =	vst v63  }
0x16: {  	s15 =	simm.s32 @p0 $0x0;
	s16 =	simm.s32 @p0 $0x100;
	s17 =	simm.s32 @p0 $0x4  }
0x17: {  	[tilespmem:s16], [sflag:$0x4] =	stream.linear.gather @p0 [hbm4b:s7+s15], $0x100, $0x38;
	[tilespmem:$0x10200] =	vst v63  }
0x18: {  	_ =	swait.ge @p0 [sflag:s17], $0x100  }
0x19: {  	[sflag:s17] =	ssyncset.done @p0 $0x0  }
0x1a: {  	s18 =	simm.s32 @p0 $0x8200;
	s19 =	simm.s32 @p0 $0x1;
	[sflag:s17] =	ssyncadd.s32 @p0 $0xFFFFFF00  }
0x1b: {  	[tilespmem:s18], [sflag:$0x2] =	stream.indirect.gather @p0 [hbm4b:s1+s16], $0x80, s16, s16, $0xb8;
	[tilespmem:$0x10200] =	vst v63  }
0x1c: {  	_ =	swait.ge @p0 [sflag:s19], $0x8000  }
0x1d: {  	[sflag:s19] =	ssyncset.done @p0 $0x0  }
0x1e: {  	s16 =	simm.s32 @p0 $0x200;
	[sflag:s19] =	ssyncadd.s32 @p0 $0xFFFF8000  }
0x1f: {  	[hbm4b:s8+s15] =	stream.linear.scatter @p0 [tilespmem:s16], [sflag:$0x4], $0x8000, $0x38;
	[tilespmem:$0x10200] =	vst v63  }
0x20: {  	p1 =	sle.u32 @p0 s4, $0x1;
	_ =	swait.ge @p0 [sflag:s17], $0x8000  }
0x21: {  	p1 =	por p1, !p0;
	[sflag:s17] =	ssyncset.done @p0 $0x0  }
0x22: {  	s19 =	simm.s32 @!p1 $0x4;
	s16 =	simm.s32 @!p1 $0x0;
	[sflag:s17] =	ssyncadd.s32 @p0 $0xFFFF8000  }
0x23: {  	[tilespmem:s16], [sflag:$0x4] =	stream.linear.gather @!p1 [hbm4b:s10+s16], $0x100, $0x38;
	[tilespmem:$0x10200] =	vst v63  }
0x24: {  	_ =	swait.ge @!p1 [sflag:s19], $0x100  }
0x25: {  	s23 =	simm.s32 $0x1;
	s21 =	simm.s32 @p0 $0x2;
	[sflag:s19] =	ssyncset.done @!p1 $0x0  }
0x26: {  	s20 =	simm.s32 @!p1 $0x200;
	[sflag:s19] =	ssyncadd.s32 @!p1 $0xFFFFFF00;
	s19 =	simm.s32 @!p1 $0x100  }
0x27: {  	[tilespmem:s20], [sflag:$0x1] =	stream.indirect.gather @!p1 [hbm4b:s1+s19], $0x80, s16, s19, $0xb8;
	[tilespmem:$0x10200] =	vst v63  }
0x28: {  	s22 =	simm.s32 @p0 $0x3;
	s17 =	simm.s32 $0x2;
	_ =	swait.ge @p0 [sflag:s21], $0x8000  }
0x29: {  	s16 =	simm.s32 @p0 $0x1;
	s19 =	simm.s32 @!p0 $0x1;
	[sflag:s21] =	ssyncset.done @p0 $0x0  }
0x2a: {  	s20 =	simm.s32 $0x3;
	s19 =	smov.u32 @p0 s16;
	[sflag:s21] =	ssyncadd.s32 @p0 $0xFFFF8000  }
0x2b: {  	[hbm4b:s9+s15] =	stream.linear.scatter @p0 [tilespmem:s18], [sflag:$0x3], $0x8000, $0x38;
	[tilespmem:$0x10200] =	vst v63  }
0x2c: {  	s16 =	sadd.s32 $0x400, s10;
	s21 =	sadd.s32 $0x400, s7;
	_ =	swait.ge @p0 [sflag:s22], $0x8000  }
0x2d: {  	s18 =	sadd.s32 $0x20000, s8;
	s15 =	sadd.s32 $0x20000, s9;
	[sflag:s22] =	ssyncset.done @p0 $0x0  }
.LBB2_2:
0x2e: {  	[sflag:s22] =	ssyncadd.s32 @p0 $0xFFFF8000  }
0x2f: {  	p0 =	slt.u32 s23, s4;
	s22 =	smov.u32 s20;
	s20 =	sadd.s32 $0x1, s20  }
0x30: {  	s23 =	simm.s32 @p0 $0x0;
	s24 =	simm.s32 @p0 $0x100;
	s25 =	simm.s32 @p0 $0x4  }
0x31: {  	[tilespmem:s24], [sflag:$0x4] =	stream.linear.gather @p0 [hbm4b:s21+s23], $0x100, $0x38;
	[tilespmem:$0x10200] =	vst v63  }
0x32: {  	s26 =	sadd.s32 @p0 $0x1, s19;
	p2 =	sge.u32 @p0 s17, s4;
	_ =	swait.ge @p0 [sflag:s25], $0x100  }
0x33: {  	p1 =	sne.s32 s20, $0x29;
	s19 =	sadd.s32 @!p0 $0x1, s19;
	[sflag:s25] =	ssyncset.done @p0 $0x0  }
0x34: {  	s28 =	simm.s32 @p0 $0x8200;
	s29 =	simm.s32 @p0 $0x1;
	[sflag:s25] =	ssyncadd.s32 @p0 $0xFFFFFF00  }
0x35: {  	[tilespmem:s28], [sflag:$0x2] =	stream.indirect.gather @p0 [hbm4b:s1+s24], $0x80, s24, s24, $0xb8;
	[tilespmem:$0x10200] =	vst v63  }
0x36: {  	s17 =	smov.u32 s22;
	s19 =	smov.u32 @p0 s26;
	_ =	swait.ge @p0 [sflag:s29], $0x8000  }
0x37: {  	[sflag:s29] =	ssyncset.done @p0 $0x0  }
0x38: {  	s22 =	simm.s32 @p0 $0x200;
	[sflag:s29] =	ssyncadd.s32 @p0 $0xFFFF8000  }
0x39: {  	[hbm4b:s18+s23] =	stream.linear.scatter @p0 [tilespmem:s22], [sflag:$0x4], $0x8000, $0x38;
	[tilespmem:$0x10200] =	vst v63  }
0x3a: {  	_ =	swait.ge @p0 [sflag:s25], $0x8000  }
0x3b: {  	p2 =	por p2, !p0;
	[sflag:s25] =	ssyncset.done @p0 $0x0  }
0x3c: {  	s24 =	simm.s32 @!p2 $0x4;
	s22 =	simm.s32 @!p2 $0x0;
	[sflag:s25] =	ssyncadd.s32 @p0 $0xFFFF8000  }
0x3d: {  	[tilespmem:s22], [sflag:$0x4] =	stream.linear.gather @!p2 [hbm4b:s16+s22], $0x100, $0x38;
	[tilespmem:$0x10200] =	vst v63  }
0x3e: {  	_ =	swait.ge @!p2 [sflag:s24], $0x100  }
0x3f: {  	s25 =	simm.s32 @p0 $0x2;
	[sflag:s24] =	ssyncset.done @!p2 $0x0  }
0x40: {  	s26 =	simm.s32 @!p2 $0x200;
	[sflag:s24] =	ssyncadd.s32 @!p2 $0xFFFFFF00;
	s24 =	simm.s32 @!p2 $0x100  }
0x41: {  	[tilespmem:s26], [sflag:$0x1] =	stream.indirect.gather @!p2 [hbm4b:s1+s24], $0x80, s22, s24, $0xb8;
	[tilespmem:$0x10200] =	vst v63  }
0x42: {  	_ =	swait.ge @p0 [sflag:s25], $0x8000  }
.Ltmp0:
0x43: {  	[sflag:s25] =	ssyncset.done @p0 $0x0;
	(pc) =	sbr.rel @p1 .LBB2_2-.Ltmp0, $4  }
0x44: {  	s16 =	sadd.s32 $0x400, s16;
	s22 =	simm.s32 @p0 $0x3;
	[sflag:s25] =	ssyncadd.s32 @p0 $0xFFFF8000  }
0x45: {  	[hbm4b:s15+s23] =	stream.linear.scatter @p0 [tilespmem:s28], [sflag:$0x3], $0x8000, $0x38;
	[tilespmem:$0x10200] =	vst v63  }
0x46: {  	s18 =	sadd.s32 $0x20000, s18;
	s15 =	sadd.s32 $0x20000, s15;
	_ =	swait.ge @p0 [sflag:s22], $0x8000  }
0x47: {  	s21 =	sadd.s32 $0x400, s21;
	s23 =	sadd.s32 $0xFFFFFFFF, s17;
	[sflag:s22] =	ssyncset.done @p0 $0x0  }
0x48: {  	p1 =	slt.u32 s23, s4;
	[sflag:s22] =	ssyncadd.s32 @p0 $0xFFFF8000  }
0x49: {  	s19 =	simm.s32 @p1 $0x0;
	s20 =	simm.s32 @p1 $0x100;
	s22 =	simm.s32 @p1 $0x4  }
0x4a: {  	[tilespmem:s20], [sflag:$0x4] =	stream.linear.gather @p1 [hbm4b:s21+s19], $0x100, $0x38;
	[tilespmem:$0x10200] =	vst v63  }
0x4b: {  	_ =	swait.ge @p1 [sflag:s22], $0x100  }
0x4c: {  	[sflag:s22] =	ssyncset.done @p1 $0x0  }
0x4d: {  	s21 =	simm.s32 @p1 $0x8200;
	[sflag:s22] =	ssyncadd.s32 @p1 $0xFFFFFF00  }
0x4e: {  	[tilespmem:s21], [sflag:$0x2] =	stream.indirect.gather @p1 [hbm4b:s1+s20], $0x80, s20, s20, $0xb8;
	[tilespmem:$0x10200] =	vst v63  }
0x4f: {  	s20 =	simm.s32 @p1 $0x1  }
0x50: {  	_ =	swait.ge @p1 [sflag:s20], $0x8000  }
0x51: {  	[sflag:s20] =	ssyncset.done @p1 $0x0  }
0x52: {  	[sflag:s20] =	ssyncadd.s32 @p1 $0xFFFF8000;
	s20 =	simm.s32 @p1 $0x200  }
0x53: {  	[hbm4b:s18+s19] =	stream.linear.scatter @p1 [tilespmem:s20], [sflag:$0x4], $0x8000, $0x38;
	[tilespmem:$0x10200] =	vst v63  }
0x54: {  	p0 =	sge.u32 @p1 s17, s4;
	_ =	swait.ge @p1 [sflag:s22], $0x8000  }
0x55: {  	p0 =	por p0, !p1;
	[sflag:s22] =	ssyncset.done @p1 $0x0  }
0x56: {  	s17 =	simm.s32 @!p0 $0x0;
	s18 =	simm.s32 @!p0 $0x4;
	[sflag:s22] =	ssyncadd.s32 @p1 $0xFFFF8000  }
0x57: {  	[tilespmem:s17], [sflag:$0x4] =	stream.linear.gather @!p0 [hbm4b:s16+s17], $0x100, $0x38;
	[tilespmem:$0x10200] =	vst v63  }
0x58: {  	_ =	swait.ge @!p0 [sflag:s18], $0x100  }
0x59: {  	s20 =	simm.s32 @!p0 $0x200;
	[sflag:s18] =	ssyncset.done @!p0 $0x0  }
0x5a: {  	s16 =	simm.s32 @p1 $0x2;
	[sflag:s18] =	ssyncadd.s32 @!p0 $0xFFFFFF00;
	s18 =	simm.s32 @!p0 $0x100  }
0x5b: {  	[tilespmem:s20], [sflag:$0x1] =	stream.indirect.gather @!p0 [hbm4b:s1+s18], $0x80, s17, s18, $0xb8;
	[tilespmem:$0x10200] =	vst v63  }
0x5c: {  	s14 =	sadd.s32 $0x1, s14;
	_ =	swait.ge @p1 [sflag:s16], $0x8000  }
0x5d: {  	p0 =	sne.s32 s14, s6;
	[sflag:s16] =	ssyncset.done @p1 $0x0  }
.Ltmp1:
0x5e: {  	[sflag:s16] =	ssyncadd.s32 @p1 $0xFFFF8000;
	s16 =	simm.s32 @p1 $0x3;
	(pc) =	sbr.rel @p0 .LBB2_1-.Ltmp1, $4  }
0x5f: {  	[hbm4b:s15+s19] =	stream.linear.scatter @p1 [tilespmem:s21], [sflag:$0x3], $0x8000, $0x38;
	[tilespmem:$0x10200] =	vst v63  }
0x60: {  	_ =	swait.ge @p1 [sflag:s16], $0x8000  }
0x61: {  	[sflag:s16] =	ssyncset.done @p1 $0x0  }
0x62: {  	[sflag:s16] =	ssyncadd.s32 @p1 $0xFFFF8000  }
0x63: {  	_ =	sfence.sel $0x180000  }
0x64: {  	[bflag:$0x0] =	sbarrier.arrive $0xFFFF  }
0x65: {  	p0 =	sne.s32 s2, $0x0;
	_ =	strace $0x90000047  }
0x66: {  	s0 =	sadd.s32 @!p0 $0x100000, s0;
	[bflag:$0x2] =	sbarrier.arrive $0xFFFF  }
0x67: {  	[sflag:s0] =	ssyncadd.tile.s32 @!p0 $0x1;
	_ =	shalt  }
.Lfunc_end2:
_tile_overlayer_lowered:
.L_overlay_start_2:
0x68: {  	(tag) =	ssettag $0x2  }
0x69: {  	s0 =	rddreg [dreg:$0x0];
	s2 =	stileid.u32  }
0x6a: {  	s1 =	rddreg [dreg:$0x1];
	p0 =	sne.s32 s2, $0x0  }
0x6b: {  	s3 =	rddreg [dreg:$0x2];
	[bflag:$0x3] =	sbarrier.arrive $0xFFFF;
	s2 =	simm.s32 @!p0 $0x1C03  }
0x6c: {  	[timem:s3], [sflag:s2] =	dma.local @!p0 [hbm:s0], s1  }
0x6d: {  	s0 =	simm.s32 @!p0 $0x3  }
0x6e: {  	_ =	swait.ge @!p0 [sflag:s0], s1  }
0x6f: {  	s1 =	ssub.s32 @!p0 $0x0, s1;
	[sflag:s0] =	ssyncset.done @!p0 $0x0  }
0x70: {  	[sflag:s0] =	ssyncadd.s32 @!p0 s1  }
0x71: {  	[bflag:$0x3] =	sbarrier.arrive $0xFFFF  }
0x72: {  	_ =	shalt  }

</sc_bundles>
